<compile_context>
chip_gen: v7x
topology: tpu7x:2x2x1
jax: 0.10.2.dev20260603
libtpu: 0.0.44.dev20260713+nightly
codegen_flags: <defaults>
</compile_context>

<pallas_src>
import functools

import jax
import jax.numpy as jnp
from jax import lax
from jax.experimental import pallas as pl
from jax.experimental.pallas import tpu as pltpu
from jax.experimental.pallas import tpu_sc as plsc

D = 768
NH = 12
HD = 64
HH = HD // 2
FH = 512
E = 16
T = 2048
TB = 256
NTB = T // TB
A = T * 2
BLK = 256
NBLK = 32
P = NBLK * BLK
NW = 32
NEG = -1e30


def _b16(a):
    return a.astype(jnp.bfloat16).astype(jnp.float32)


def _attn_body(x_ref, w_ref, b_ref, wqkv_ref, cos_ref, sin_ref,
               rg_ref, rb_ref, out_ref):
    xb = x_ref[...]
    mu = jnp.mean(xb, axis=1, keepdims=True)
    xc = xb - mu
    var = jnp.mean(xc * xc, axis=1, keepdims=True)
    h = xc * lax.rsqrt(var + 1e-5) * w_ref[...] + b_ref[...]
    qkv = jnp.dot(h.astype(jnp.bfloat16), wqkv_ref[...].astype(jnp.bfloat16),
                  preferred_element_type=jnp.float32)

    cos = cos_ref[...]
    sin = sin_ref[...]
    even = (lax.broadcasted_iota(jnp.int32, (TB, D), 1) % 2) == 0

    def rope(xq):
        left = jnp.concatenate([xq[:, 1:], xq[:, :1]], axis=1)
        right = jnp.concatenate([xq[:, -1:], xq[:, :-1]], axis=1)
        rot = jnp.where(even, -left, right)
        return xq * cos + rot * sin

    q = _b16(rope(qkv[:, 0:D]))
    k = _b16(rope(qkv[:, D:2 * D]))
    rg = rg_ref[...].astype(jnp.bfloat16)
    rb = rb_ref[...]
    scale = 1.0 / 8.0
    s = []
    for m in range(NH):
        km = jnp.concatenate([k[:, m * HD:(m + 1) * HD]] * NH, axis=1)
        p = q * km
        hi = p.astype(jnp.bfloat16)
        lo = (p - hi.astype(jnp.float32)).astype(jnp.bfloat16)
        sm = (jnp.dot(hi, rg, preferred_element_type=jnp.float32)
              + jnp.dot(lo, rg, preferred_element_type=jnp.float32))
        s.append(sm * scale)
    mx = s[0]
    for m in range(1, NH):
        mx = jnp.maximum(mx, s[m])
    es = [jnp.exp(t_ - mx) for t_ in s]
    den = es[0]
    for m in range(1, NH):
        den = den + es[m]
    acc = None
    for m in range(NH):
        vm = _b16(qkv[:, 2 * D + m * HD: 2 * D + (m + 1) * HD])
        vt = jnp.concatenate([vm] * NH, axis=1)
        ab = jnp.dot(es[m] / den, rb, preferred_element_type=jnp.float32)
        c = ab * vt
        acc = c if acc is None else acc + c
    for n in range(NH):
        out_ref[n, :, :] = acc[:, n * HD:(n + 1) * HD]


def _run_attn(xf, ln1_w, ln1_b, wqkv, cosb, sinb, rg, rb):
    return pl.pallas_call(
        _attn_body,
        grid=(NTB,),
        in_specs=[
            pl.BlockSpec((TB, D), lambda i: (i, 0)),
            pl.BlockSpec((1, D), lambda i: (0, 0)),
            pl.BlockSpec((1, D), lambda i: (0, 0)),
            pl.BlockSpec((D, 3 * D), lambda i: (0, 0)),
            pl.BlockSpec((TB, D), lambda i: (i, 0)),
            pl.BlockSpec((TB, D), lambda i: (i, 0)),
            pl.BlockSpec((D, 128), lambda i: (0, 0)),
            pl.BlockSpec((128, D), lambda i: (0, 0)),
        ],
        out_specs=pl.BlockSpec((NH, TB, HD), lambda i: (0, i, 0)),
        out_shape=jax.ShapeDtypeStruct((NH, T, HD), jnp.float32),
    )(xf, ln1_w, ln1_b, wqkv, cosb, sinb, rg, rb)


def _mid_body(x_ref, sc_ref, wo_ref, lw_ref, lb_ref, wg_ref, gb_ref,
              xm_ref, h2b_ref, gate_ref, p0_ref, p1_ref, bexp_ref, nact_ref,
              lb_out_ref, i1_scr, i2_scr, pp_scr):
    i = pl.program_id(0)
    xm = x_ref[...] + jnp.dot(sc_ref[...].astype(jnp.bfloat16),
                              wo_ref[...].astype(jnp.bfloat16),
                              preferred_element_type=jnp.float32)
    xm_ref[...] = xm
    mu = jnp.mean(xm, axis=1, keepdims=True)
    xc = xm - mu
    var = jnp.mean(xc * xc, axis=1, keepdims=True)
    h2 = xc * lax.rsqrt(var + 1e-5) * lw_ref[...] + lb_ref[...]
    h2b_ref[...] = h2
    g = jnp.dot(h2.astype(jnp.bfloat16), wg_ref[...].astype(jnp.bfloat16),
                preferred_element_type=jnp.float32) + gb_ref[...]
    iota = lax.broadcasted_iota(jnp.int32, g.shape, 1)
    big = jnp.int32(10**9)
    v1 = jnp.max(g, axis=1, keepdims=True)
    i1 = jnp.min(jnp.where(g == v1, iota, big), axis=1, keepdims=True)
    gm = jnp.where(iota == i1, NEG, g)
    v2 = jnp.max(gm, axis=1, keepdims=True)
    i2 = jnp.min(jnp.where(gm == v2, iota, big), axis=1, keepdims=True)
    ex = jnp.exp(v2 - v1)
    den2 = 1.0 + ex
    g1 = 1.0 / den2
    g2 = ex / den2
    zf = jnp.zeros_like(g1)
    gate_ref[...] = jnp.concatenate([g1, g2, zf, zf, zf, zf, zf, zf], axis=1)
    i1_scr[pl.ds(i * TB, TB), :] = i1
    i2_scr[pl.ds(i * TB, TB), :] = i2
    p = jnp.exp(g - v1)
    p = p / jnp.sum(p, axis=1, keepdims=True)
    psum = jnp.sum(p, axis=0, keepdims=True)

    @pl.when(i == 0)
    def _():
        pp_scr[...] = psum

    @pl.when(i > 0)
    def _():
        pp_scr[...] = pp_scr[...] + psum

    @pl.when(i == NTB - 1)
    def _():
        lane = lax.broadcasted_iota(jnp.int32, (T, E), 1)
        i1a = i1_scr[...]
        i2a = i2_scr[...]
        eq0 = (jnp.broadcast_to(i1a, (T, E)) == lane).astype(jnp.float32)
        eq1 = (jnp.broadcast_to(i2a, (T, E)) == lane).astype(jnp.float32)
        both = eq0 + eq1
        c = both
        s = 1
        while s < T:
            c = c + jnp.concatenate(
                [jnp.zeros((s, E), jnp.float32), c[:T - s]], axis=0)
            s *= 2
        excl = c - both
        counts = jnp.sum(both, axis=0, keepdims=True)
        nb = (counts.astype(jnp.int32) + (BLK - 1)) // BLK
        z = nb
        for s in (1, 2, 4, 8):
            z = z + jnp.concatenate(
                [jnp.zeros((1, s), jnp.int32), z[:, :E - s]], axis=1)
        off = z - nb
        nact_ref[...] = z[:, E - 1:E]
        slotbase = jnp.broadcast_to((off * BLK).astype(jnp.float32), (T, E))
        p0f = jnp.sum(eq0 * (slotbase + excl), axis=1, keepdims=True)
        p1f = jnp.sum(eq1 * (slotbase + excl + eq0), axis=1, keepdims=True)
        p0_ref[...] = p0f.astype(jnp.int32)
        p1_ref[...] = p1f.astype(jnp.int32)
        biota = lax.broadcasted_iota(jnp.int32, (1, NBLK), 1)
        acc = jnp.full((1, NBLK), -1, jnp.int32)
        for e in range(E):
            acc = acc + (jnp.broadcast_to(off[:, e:e + 1], (1, NBLK))
                         <= biota).astype(jnp.int32)
        bexp_ref[...] = acc
        pm = pp_scr[...][:, :E]
        ssum = jnp.sum(pm, axis=1, keepdims=True)
        lb = jnp.sum(pm * counts, axis=1, keepdims=True)
        lb_out_ref[...] = lb * (jnp.float32(E) / jnp.float32(A)) / ssum


def _run_mid(xf, sc, wo, ln2_w, ln2_b, wg_pad, gb_pad):
    return pl.pallas_call(
        _mid_body,
        grid=(NTB,),
        in_specs=[
            pl.BlockSpec((TB, D), lambda i: (i, 0)),
            pl.BlockSpec((TB, D), lambda i: (i, 0)),
            pl.BlockSpec((D, D), lambda i: (0, 0)),
            pl.BlockSpec((1, D), lambda i: (0, 0)),
            pl.BlockSpec((1, D), lambda i: (0, 0)),
            pl.BlockSpec((D, 128), lambda i: (0, 0)),
            pl.BlockSpec((1, 128), lambda i: (0, 0)),
        ],
        out_specs=[
            pl.BlockSpec((TB, D), lambda i: (i, 0)),
            pl.BlockSpec((TB, D), lambda i: (i, 0)),
            pl.BlockSpec((TB, 8), lambda i: (i, 0)),
            pl.BlockSpec((T, 1), lambda i: (0, 0)),
            pl.BlockSpec((T, 1), lambda i: (0, 0)),
            pl.BlockSpec((1, NBLK), lambda i: (0, 0)),
            pl.BlockSpec((1, 1), lambda i: (0, 0)),
            pl.BlockSpec((1, 1), lambda i: (0, 0)),
        ],
        out_shape=[
            jax.ShapeDtypeStruct((T, D), jnp.float32),
            jax.ShapeDtypeStruct((T, D), jnp.float32),
            jax.ShapeDtypeStruct((T, 8), jnp.float32),
            jax.ShapeDtypeStruct((T, 1), jnp.int32),
            jax.ShapeDtypeStruct((T, 1), jnp.int32),
            jax.ShapeDtypeStruct((1, NBLK), jnp.int32),
            jax.ShapeDtypeStruct((1, 1), jnp.int32),
            jax.ShapeDtypeStruct((1, 1), jnp.float32),
        ],
        scratch_shapes=[
            pltpu.VMEM((T, 1), jnp.int32),
            pltpu.VMEM((T, 1), jnp.int32),
            pltpu.VMEM((1, 128), jnp.float32),
        ],
    )(xf, sc, wo, ln2_w, ln2_b, wg_pad, gb_pad)


def _sc_mesh():
    return plsc.VectorSubcoreMesh(core_axis_name="c", subcore_axis_name="s")


def _sc_wid():
    return lax.axis_index("s") * 2 + lax.axis_index("c")


def _sc_dispatch(p0, p1, h2):
    tpw = T // NW

    @functools.partial(
        pl.kernel, mesh=_sc_mesh(),
        out_type=jax.ShapeDtypeStruct((P, D), jnp.float32),
        scratch_types=[
            pltpu.VMEM((tpw,), jnp.int32),
            pltpu.VMEM((tpw,), jnp.int32),
            pltpu.VMEM((tpw, D), jnp.float32),
            pltpu.SemaphoreType.DMA,
        ],
    )
    def k(p0_hbm, p1_hbm, h2_hbm, x_hbm, i0_v, i1_v, rows_v, sem):
        base = _sc_wid() * tpw
        cr = pltpu.async_copy(h2_hbm.at[pl.ds(base, tpw)], rows_v, sem)
        pltpu.sync_copy(p0_hbm.at[pl.ds(base, tpw)], i0_v)
        pltpu.sync_copy(p1_hbm.at[pl.ds(base, tpw)], i1_v)
        cr.wait()
        c0 = pltpu.async_copy(rows_v, x_hbm.at[i0_v], sem)
        c1 = pltpu.async_copy(rows_v, x_hbm.at[i1_v], sem)
        c0.wait()
        c1.wait()

    return k(p0, p1, h2)


def _sc_combine_gather(p0, p1, y):
    tpw = T // NW

    @functools.partial(
        pl.kernel, mesh=_sc_mesh(),
        out_type=[
            jax.ShapeDtypeStruct((T, D), jnp.float32),
            jax.ShapeDtypeStruct((T, D), jnp.float32),
        ],
        scratch_types=[
            pltpu.VMEM((tpw,), jnp.int32),
            pltpu.VMEM((tpw,), jnp.int32),
            pltpu.VMEM((tpw, D), jnp.float32),
            pltpu.VMEM((tpw, D), jnp.float32),
            pltpu.SemaphoreType.DMA,
        ],
    )
    def k(p0_hbm, p1_hbm, y_hbm, y0_hbm, y1_hbm, i0_v, i1_v, r0_v, r1_v, sem):
        base = _sc_wid() * tpw
        pltpu.sync_copy(p0_hbm.at[pl.ds(base, tpw)], i0_v)
        pltpu.sync_copy(p1_hbm.at[pl.ds(base, tpw)], i1_v)
        c0 = pltpu.async_copy(y_hbm.at[i0_v], r0_v, sem)
        c1 = pltpu.async_copy(y_hbm.at[i1_v], r1_v, sem)
        c0.wait()
        pltpu.sync_copy(r0_v, y0_hbm.at[pl.ds(base, tpw)])
        c1.wait()
        pltpu.sync_copy(r1_v, y1_hbm.at[pl.ds(base, tpw)])

    return k(p0, p1, y)


def _ffn_body(bexp_ref, nact_ref, x_ref, w1_ref, w2_ref, o_ref):
    i = pl.program_id(0)

    @pl.when(i < nact_ref[0])
    def _():
        xb = x_ref[...].astype(jnp.bfloat16)
        pre = jnp.dot(xb, w1_ref[0].astype(jnp.bfloat16),
                      preferred_element_type=jnp.float32)
        x1 = pre[:, :FH]
        x2 = pre[:, FH:]
        act = x1 * (1.0 / (1.0 + jnp.exp(-x1))) * x2
        o_ref[...] = jnp.dot(act.astype(jnp.bfloat16),
                             w2_ref[0].astype(jnp.bfloat16),
                             preferred_element_type=jnp.float32)


def _run_ffn(bexp, nact, xs, w1, w2):
    def wexp(i, b, n):
        return b[jnp.minimum(i, n[0] - 1)]

    grid_spec = pltpu.PrefetchScalarGridSpec(
        num_scalar_prefetch=2,
        grid=(NBLK,),
        in_specs=[
            pl.BlockSpec((BLK, D), lambda i, b, n: (jnp.minimum(i, n[0] - 1), 0)),
            pl.BlockSpec((1, D, 2 * FH), lambda i, b, n: (wexp(i, b, n), 0, 0)),
            pl.BlockSpec((1, FH, D), lambda i, b, n: (wexp(i, b, n), 0, 0)),
        ],
        out_specs=pl.BlockSpec((BLK, D),
                               lambda i, b, n: (jnp.minimum(i, n[0] - 1), 0)),
    )
    return pl.pallas_call(
        _ffn_body,
        grid_spec=grid_spec,
        out_shape=jax.ShapeDtypeStruct((P, D), jnp.float32),
    )(bexp, nact, xs, w1, w2)


def _comb_body(xm_ref, y0_ref, y1_ref, g0_ref, g1_ref, o_ref):
    o_ref[...] = (xm_ref[...]
                  + _b16(g0_ref[...]) * _b16(y0_ref[...])
                  + _b16(g1_ref[...]) * _b16(y1_ref[...]))


def _run_comb(xm, y0, y1, g0, g1):
    return pl.pallas_call(
        _comb_body,
        grid=(NTB,),
        in_specs=[
            pl.BlockSpec((TB, D), lambda i: (i, 0)),
            pl.BlockSpec((TB, D), lambda i: (i, 0)),
            pl.BlockSpec((TB, D), lambda i: (i, 0)),
            pl.BlockSpec((TB, 1), lambda i: (i, 0)),
            pl.BlockSpec((TB, 1), lambda i: (i, 0)),
        ],
        out_specs=pl.BlockSpec((TB, D), lambda i: (i, 0)),
        out_shape=jax.ShapeDtypeStruct((T, D), jnp.float32),
    )(xm, y0, y1, g0, g1)


def kernel(x, ln1_w, ln1_b, ln2_w, ln2_b, Wqkv, Wo, Wg, expert_biases, W1, W2):
    xf = x.reshape(T, D)
    theta = 1.0 / (10000.0 ** (jnp.arange(0, HD, 2, dtype=jnp.float32) / HD))
    ang = jnp.arange(T, dtype=jnp.float32)[:, None] * theta[None, :]
    cos2 = jnp.tile(jnp.repeat(jnp.cos(ang), 2, axis=1), (1, NH))
    sin2 = jnp.tile(jnp.repeat(jnp.sin(ang), 2, axis=1), (1, NH))

    jd = jnp.arange(D)
    rg = (jd[:, None] // HD == jnp.arange(128)[None, :]).astype(jnp.float32)
    rb = (jnp.arange(128)[:, None] == jd[None, :] // HD).astype(jnp.float32)

    ao_t = _run_attn(xf, ln1_w.reshape(1, D), ln1_b.reshape(1, D),
                     Wqkv, cos2, sin2, rg, rb)
    sc = ao_t.reshape(T, D)

    wg_pad = jnp.zeros((D, 128), jnp.float32).at[:, :E].set(Wg)
    gb_pad = jnp.full((1, 128), NEG, jnp.float32).at[0, :E].set(expert_biases)
    xm, h2, gate8, p0c, p1c, bexp_row, nact, lb = _run_mid(
        xf, sc, Wo, ln2_w.reshape(1, D), ln2_b.reshape(1, D), wg_pad, gb_pad)

    p0 = p0c.reshape(T)
    p1 = p1c.reshape(T)
    xs = _sc_dispatch(p0, p1, h2)
    ys = _run_ffn(bexp_row.reshape(NBLK), nact.reshape(1), xs, W1, W2)
    y0, y1 = _sc_combine_gather(p0, p1, ys)
    out = _run_comb(xm, y0, y1, gate8[:, 0:1], gate8[:, 1:2])
    return (out.reshape(1, T, D), lb[0, 0])

# --- scband reference (transcript-rebuilt; emitter-appended) ---
"""Pipeline reference for scband-unified-transformer-block-64209761075862 (READ-ONLY COPY).

The authoritative reference and input builder live on the scoring server;
editing this copy changes nothing except your own understanding.
"""

import jax, jax.numpy as jnp
import numpy as np

EMBED_DIM = 768
NUM_HEADS = 12
HEAD_DIM = EMBED_DIM // NUM_HEADS
FFN_HIDDEN = 512
NUM_EXPERTS = 16
TOP_K = 2
B, T = 1, 2048


def setup_inputs(seed: int = 0) -> dict:
    key = jax.random.key(seed)
    ks = jax.random.split(key, 8)
    s = lambda fan_in: 1.0 / np.sqrt(fan_in)
    return {
        "x": jax.random.normal(ks[0], (B, T, EMBED_DIM), dtype=jnp.float32),
        "ln1_w": jnp.ones((EMBED_DIM,), jnp.float32),
        "ln1_b": jnp.zeros((EMBED_DIM,), jnp.float32),
        "ln2_w": jnp.ones((EMBED_DIM,), jnp.float32),
        "ln2_b": jnp.zeros((EMBED_DIM,), jnp.float32),
        "Wqkv": jax.random.normal(ks[1], (EMBED_DIM, 3 * EMBED_DIM), dtype=jnp.float32) * s(EMBED_DIM),
        "Wo": jax.random.normal(ks[2], (EMBED_DIM, EMBED_DIM), dtype=jnp.float32) * s(EMBED_DIM),
        "Wg": jax.random.normal(ks[3], (EMBED_DIM, NUM_EXPERTS), dtype=jnp.float32) * s(EMBED_DIM),
        "expert_biases": jnp.zeros((NUM_EXPERTS,), jnp.float32),
        "W1": jax.random.normal(ks[4], (NUM_EXPERTS, EMBED_DIM, 2 * FFN_HIDDEN), dtype=jnp.float32) * s(EMBED_DIM),
        "W2": jax.random.normal(ks[5], (NUM_EXPERTS, FFN_HIDDEN, EMBED_DIM), dtype=jnp.float32) * s(FFN_HIDDEN),
    }


def _layernorm(x, w, b):
    mu = x.mean(-1, keepdims=True)
    var = ((x - mu) ** 2).mean(-1, keepdims=True)
    return (x - mu) / jnp.sqrt(var + 1e-5) * w + b


def _rope(x, pos):
    d = x.shape[-1]
    theta = 1.0 / (10000.0 ** (jnp.arange(0, d, 2, dtype=jnp.float32) / d))
    ang = pos[:, None].astype(jnp.float32) * theta[None, :]  # [T, d/2]
    cos = jnp.cos(ang)[None, :, None, :]
    sin = jnp.sin(ang)[None, :, None, :]
    xr = x.reshape(x.shape[:-1] + (d // 2, 2))
    x0, x1 = xr[..., 0], xr[..., 1]
    out = jnp.stack([x0 * cos - x1 * sin, x1 * cos + x0 * sin], axis=-1)
    return out.reshape(x.shape)


def reference(x, ln1_w, ln1_b, ln2_w, ln2_b, Wqkv, Wo, Wg, expert_biases, W1, W2):
    Bx, Tx, D = x.shape
    # --- attention block (faithful to torch code: SDPA applied to [B, T, n_heads, head_dim],
    # i.e. attention runs over the heads axis, then transpose(1,2)+view, exactly as original) ---
    h = _layernorm(x, ln1_w, ln1_b)
    qkv = (h @ Wqkv).reshape(Bx, Tx, 3, NUM_HEADS, HEAD_DIM)
    q, k, v = qkv[:, :, 0], qkv[:, :, 1], qkv[:, :, 2]
    pos = jnp.arange(Tx)
    q = _rope(q, pos)
    k = _rope(k, pos)
    scores = jnp.einsum('btnh,btmh->btnm', q, k) / jnp.sqrt(jnp.float32(HEAD_DIM))
    attn = jax.nn.softmax(scores, axis=-1)
    ao = jnp.einsum('btnm,btmh->btnh', attn, v)
    ao = jnp.transpose(ao, (0, 2, 1, 3)).reshape(Bx, Tx, D)
    x = x + ao @ Wo
    # --- MoE FFN block ---
    h2 = _layernorm(x, ln2_w, ln2_b)
    gate_scores = h2 @ Wg + expert_biases
    topk_vals, topk_idx = jax.lax.top_k(gate_scores, TOP_K)
    topk_gates = jax.nn.softmax(topk_vals, axis=-1)
    onehot = jax.nn.one_hot(topk_idx, NUM_EXPERTS, dtype=x.dtype)  # [B,T,K,E]
    w = jnp.einsum('btk,btke->bte', topk_gates, onehot)  # combine weights, 0 where unrouted
    hf = h2.reshape(Bx * Tx, D)
    pre = jnp.einsum('nd,edh->enh', hf, W1)
    x1, x2 = pre[..., :FFN_HIDDEN], pre[..., FFN_HIDDEN:]
    eo = jnp.einsum('enh,ehd->end', jax.nn.silu(x1) * x2, W2)
    ffn = jnp.einsum('end,ne->nd', eo, w.reshape(Bx * Tx, NUM_EXPERTS)).reshape(Bx, Tx, D)
    usage = onehot.sum(axis=(0, 1, 2))
    probs = jax.nn.softmax(gate_scores, axis=-1).mean(axis=(0, 1))
    lb_loss = ((usage / usage.sum()) * (probs / probs.sum())).sum() * NUM_EXPERTS
    return (x + ffn, lb_loss)

if __name__ == "__main__":
    import jax
    _d = setup_inputs()
    print(jax.jit(kernel)(*tuple(_d.values())))

</pallas_src>

<mosaic_0001>
#map = affine_map<(d0, d1) -> (0)>
#map1 = affine_map<(d0, d1) -> (0, 0)>
module attributes {stable_mosaic.version = 14 : i64} {
  func.func @k(%arg0: i32, %arg1: i32, %arg2: memref<2048xi32, #tpu.memory_space<hbm>>, %arg3: memref<2048xi32, #tpu.memory_space<hbm>>, %arg4: memref<8192x768xf32, #tpu.memory_space<hbm>>, %arg5: memref<2048x768xf32, #tpu.memory_space<hbm>>, %arg6: memref<2048x768xf32, #tpu.memory_space<hbm>>, %arg7: memref<64xi32, #tpu.memory_space<vmem>>, %arg8: memref<64xi32, #tpu.memory_space<vmem>>, %arg9: memref<64x768xf32, #tpu.memory_space<vmem>>, %arg10: memref<64x768xf32, #tpu.memory_space<vmem>>, %arg11: memref<!tpu.dma_semaphore, #tpu.memory_space<semaphore_mem>>) attributes {dimension_semantics = [#tpu.dimension_semantics<core_parallel>, #tpu.dimension_semantics<subcore_parallel>], iteration_bounds = array<i64: 2, 16>, scalar_prefetch = 0 : i64, scratch_operands = 5 : i64, tpu.core_type = #tpu.core_type<sc_vector_subcore>, window_params = [{transform_indices = #map}, {transform_indices = #map}, {transform_indices = #map1}, {transform_indices = #map1}, {transform_indices = #map1}]} {
    %mul3A = arith.constant 2 : i32
    %mul3A_0 = arith.muli %arg1, %mul3A : i32
    %add3A = arith.addi %mul3A_0, %arg0 : i32
    %mul3A_1 = arith.constant 64 : i32
    %mul3A_2 = arith.muli %add3A, %mul3A_1 : i32
    "tpu.region"() ({
      %run_scoped3A = tpu.sem_alloc : memref<!tpu.dma_semaphore, #tpu.memory_space<semaphore_mem>>
      %dma_start3A_13 = tpu.memref_slice %arg2[%mul3A_2] : memref<2048xi32, #tpu.memory_space<hbm>> -> memref<64xi32, #tpu.memory_space<hbm>>
      %dma_start3A_14 = tpu.memref_slice %arg2[%mul3A_2] : memref<2048xi32, #tpu.memory_space<hbm>> -> memref<64xi32, #tpu.memory_space<hbm>>
      tpu.enqueue_dma source(%dma_start3A_14 : memref<64xi32, #tpu.memory_space<hbm>>) target(%arg7 : memref<64xi32, #tpu.memory_space<vmem>>) target_semaphore(%run_scoped3A : memref<!tpu.dma_semaphore, #tpu.memory_space<semaphore_mem>>)
      %dma_wait3A_15 = tpu.memref_slice %arg2[%mul3A_2] : memref<2048xi32, #tpu.memory_space<hbm>> -> memref<64xi32, #tpu.memory_space<hbm>>
      %dma_wait3A_16 = tpu.memref_slice %arg2[%mul3A_2] : memref<2048xi32, #tpu.memory_space<hbm>> -> memref<64xi32, #tpu.memory_space<hbm>>
      tpu.wait_dma2 semaphore(%run_scoped3A : memref<!tpu.dma_semaphore, #tpu.memory_space<semaphore_mem>>) src(%dma_wait3A_16 : memref<64xi32, #tpu.memory_space<hbm>>) dst(%arg7 : memref<64xi32, #tpu.memory_space<vmem>>)
      tpu.yield
    }) : () -> ()
    "tpu.region"() ({
      %run_scoped3A = tpu.sem_alloc : memref<!tpu.dma_semaphore, #tpu.memory_space<semaphore_mem>>
      %dma_start3A_13 = tpu.memref_slice %arg3[%mul3A_2] : memref<2048xi32, #tpu.memory_space<hbm>> -> memref<64xi32, #tpu.memory_space<hbm>>
      %dma_start3A_14 = tpu.memref_slice %arg3[%mul3A_2] : memref<2048xi32, #tpu.memory_space<hbm>> -> memref<64xi32, #tpu.memory_space<hbm>>
      tpu.enqueue_dma source(%dma_start3A_14 : memref<64xi32, #tpu.memory_space<hbm>>) target(%arg8 : memref<64xi32, #tpu.memory_space<vmem>>) target_semaphore(%run_scoped3A : memref<!tpu.dma_semaphore, #tpu.memory_space<semaphore_mem>>)
      %dma_wait3A_15 = tpu.memref_slice %arg3[%mul3A_2] : memref<2048xi32, #tpu.memory_space<hbm>> -> memref<64xi32, #tpu.memory_space<hbm>>
      %dma_wait3A_16 = tpu.memref_slice %arg3[%mul3A_2] : memref<2048xi32, #tpu.memory_space<hbm>> -> memref<64xi32, #tpu.memory_space<hbm>>
      tpu.wait_dma2 semaphore(%run_scoped3A : memref<!tpu.dma_semaphore, #tpu.memory_space<semaphore_mem>>) src(%dma_wait3A_16 : memref<64xi32, #tpu.memory_space<hbm>>) dst(%arg8 : memref<64xi32, #tpu.memory_space<vmem>>)
      tpu.yield
    }) : () -> ()
    %dma_start3A = arith.constant 0 : i32
    %dma_start3A_3 = arith.constant 0 : i32
    %dma_start3A_4 = tpu.memref_slice %arg4[%dma_start3A, %dma_start3A_3] : memref<8192x768xf32, #tpu.memory_space<hbm>> -> memref<8192x768xf32, #tpu.memory_space<hbm>>
    tpu.enqueue_indirect_dma source(%dma_start3A_4 : memref<8192x768xf32, #tpu.memory_space<hbm>>) target(%arg9 : memref<64x768xf32, #tpu.memory_space<vmem>>) offsets(%arg7 : memref<64xi32, #tpu.memory_space<vmem>>) semaphore(%arg11 : memref<!tpu.dma_semaphore, #tpu.memory_space<semaphore_mem>>)
    %dma_start3A_5 = arith.constant 0 : i32
    %dma_start3A_6 = arith.constant 0 : i32
    %dma_start3A_7 = tpu.memref_slice %arg4[%dma_start3A_5, %dma_start3A_6] : memref<8192x768xf32, #tpu.memory_space<hbm>> -> memref<8192x768xf32, #tpu.memory_space<hbm>>
    tpu.enqueue_indirect_dma source(%dma_start3A_7 : memref<8192x768xf32, #tpu.memory_space<hbm>>) target(%arg10 : memref<64x768xf32, #tpu.memory_space<vmem>>) offsets(%arg8 : memref<64xi32, #tpu.memory_space<vmem>>) semaphore(%arg11 : memref<!tpu.dma_semaphore, #tpu.memory_space<semaphore_mem>>)
    %dma_wait3A = arith.constant 0 : i32
    %dma_wait3A_8 = arith.constant 0 : i32
    %dma_wait3A_9 = tpu.memref_slice %arg4[%dma_wait3A, %dma_wait3A_8] : memref<8192x768xf32, #tpu.memory_space<hbm>> -> memref<8192x768xf32, #tpu.memory_space<hbm>>
    tpu.wait_indirect_dma semaphore(%arg11 : memref<!tpu.dma_semaphore, #tpu.memory_space<semaphore_mem>>) src(%dma_wait3A_9 : memref<8192x768xf32, #tpu.memory_space<hbm>>) dst(%arg9 : memref<64x768xf32, #tpu.memory_space<vmem>>)
    "tpu.region"() ({
      %run_scoped3A = tpu.sem_alloc : memref<!tpu.dma_semaphore, #tpu.memory_space<semaphore_mem>>
      %dma_start3A_13 = arith.constant 0 : i32
      %dma_start3A_14 = tpu.memref_slice %arg5[%mul3A_2, %dma_start3A_13] : memref<2048x768xf32, #tpu.memory_space<hbm>> -> memref<64x768xf32, #tpu.memory_space<hbm>>
      %dma_start3A_15 = arith.constant 0 : i32
      %dma_start3A_16 = tpu.memref_slice %arg5[%mul3A_2, %dma_start3A_15] : memref<2048x768xf32, #tpu.memory_space<hbm>> -> memref<64x768xf32, #tpu.memory_space<hbm>>
      tpu.enqueue_dma source(%arg9 : memref<64x768xf32, #tpu.memory_space<vmem>>) target(%dma_start3A_16 : memref<64x768xf32, #tpu.memory_space<hbm>>) target_semaphore(%run_scoped3A : memref<!tpu.dma_semaphore, #tpu.memory_space<semaphore_mem>>)
      %dma_wait3A_17 = arith.constant 0 : i32
      %dma_wait3A_18 = tpu.memref_slice %arg5[%mul3A_2, %dma_wait3A_17] : memref<2048x768xf32, #tpu.memory_space<hbm>> -> memref<64x768xf32, #tpu.memory_space<hbm>>
      %dma_wait3A_19 = arith.constant 0 : i32
      %dma_wait3A_20 = tpu.memref_slice %arg5[%mul3A_2, %dma_wait3A_19] : memref<2048x768xf32, #tpu.memory_space<hbm>> -> memref<64x768xf32, #tpu.memory_space<hbm>>
      tpu.wait_dma2 semaphore(%run_scoped3A : memref<!tpu.dma_semaphore, #tpu.memory_space<semaphore_mem>>) src(%arg9 : memref<64x768xf32, #tpu.memory_space<vmem>>) dst(%dma_wait3A_20 : memref<64x768xf32, #tpu.memory_space<hbm>>)
      tpu.yield
    }) : () -> ()
    %dma_wait3A_10 = arith.constant 0 : i32
    %dma_wait3A_11 = arith.constant 0 : i32
    %dma_wait3A_12 = tpu.memref_slice %arg4[%dma_wait3A_10, %dma_wait3A_11] : memref<8192x768xf32, #tpu.memory_space<hbm>> -> memref<8192x768xf32, #tpu.memory_space<hbm>>
    tpu.wait_indirect_dma semaphore(%arg11 : memref<!tpu.dma_semaphore, #tpu.memory_space<semaphore_mem>>) src(%dma_wait3A_12 : memref<8192x768xf32, #tpu.memory_space<hbm>>) dst(%arg10 : memref<64x768xf32, #tpu.memory_space<vmem>>)
    "tpu.region"() ({
      %run_scoped3A = tpu.sem_alloc : memref<!tpu.dma_semaphore, #tpu.memory_space<semaphore_mem>>
      %dma_start3A_13 = arith.constant 0 : i32
      %dma_start3A_14 = tpu.memref_slice %arg6[%mul3A_2, %dma_start3A_13] : memref<2048x768xf32, #tpu.memory_space<hbm>> -> memref<64x768xf32, #tpu.memory_space<hbm>>
      %dma_start3A_15 = arith.constant 0 : i32
      %dma_start3A_16 = tpu.memref_slice %arg6[%mul3A_2, %dma_start3A_15] : memref<2048x768xf32, #tpu.memory_space<hbm>> -> memref<64x768xf32, #tpu.memory_space<hbm>>
      tpu.enqueue_dma source(%arg10 : memref<64x768xf32, #tpu.memory_space<vmem>>) target(%dma_start3A_16 : memref<64x768xf32, #tpu.memory_space<hbm>>) target_semaphore(%run_scoped3A : memref<!tpu.dma_semaphore, #tpu.memory_space<semaphore_mem>>)
      %dma_wait3A_17 = arith.constant 0 : i32
      %dma_wait3A_18 = tpu.memref_slice %arg6[%mul3A_2, %dma_wait3A_17] : memref<2048x768xf32, #tpu.memory_space<hbm>> -> memref<64x768xf32, #tpu.memory_space<hbm>>
      %dma_wait3A_19 = arith.constant 0 : i32
      %dma_wait3A_20 = tpu.memref_slice %arg6[%mul3A_2, %dma_wait3A_19] : memref<2048x768xf32, #tpu.memory_space<hbm>> -> memref<64x768xf32, #tpu.memory_space<hbm>>
      tpu.wait_dma2 semaphore(%run_scoped3A : memref<!tpu.dma_semaphore, #tpu.memory_space<semaphore_mem>>) src(%arg10 : memref<64x768xf32, #tpu.memory_space<vmem>>) dst(%dma_wait3A_20 : memref<64x768xf32, #tpu.memory_space<hbm>>)
      tpu.yield
    }) : () -> ()
    return
  }
}

#map = affine_map<(d0, d1) -> (0)>
#map1 = affine_map<(d0, d1) -> (0, 0)>
module attributes {stable_mosaic.version = 14 : i64} {
  func.func @k(%arg0: i32, %arg1: i32, %arg2: memref<2048xi32, #tpu.memory_space<hbm>>, %arg3: memref<2048xi32, #tpu.memory_space<hbm>>, %arg4: memref<2048x768xf32, #tpu.memory_space<hbm>>, %arg5: memref<8192x768xf32, #tpu.memory_space<hbm>>, %arg6: memref<64xi32, #tpu.memory_space<vmem>>, %arg7: memref<64xi32, #tpu.memory_space<vmem>>, %arg8: memref<64x768xf32, #tpu.memory_space<vmem>>, %arg9: memref<!tpu.dma_semaphore, #tpu.memory_space<semaphore_mem>>) attributes {dimension_semantics = [#tpu.dimension_semantics<core_parallel>, #tpu.dimension_semantics<subcore_parallel>], iteration_bounds = array<i64: 2, 16>, scalar_prefetch = 0 : i64, scratch_operands = 4 : i64, tpu.core_type = #tpu.core_type<sc_vector_subcore>, window_params = [{transform_indices = #map}, {transform_indices = #map}, {transform_indices = #map1}, {transform_indices = #map1}]} {
    %mul3A = arith.constant 2 : i32
    %mul3A_0 = arith.muli %arg1, %mul3A : i32
    %add3A = arith.addi %mul3A_0, %arg0 : i32
    %mul3A_1 = arith.constant 64 : i32
    %mul3A_2 = arith.muli %add3A, %mul3A_1 : i32
    %dma_start3A = arith.constant 0 : i32
    %dma_start3A_3 = tpu.memref_slice %arg4[%mul3A_2, %dma_start3A] : memref<2048x768xf32, #tpu.memory_space<hbm>> -> memref<64x768xf32, #tpu.memory_space<hbm>>
    %dma_start3A_4 = arith.constant 0 : i32
    %dma_start3A_5 = tpu.memref_slice %arg4[%mul3A_2, %dma_start3A_4] : memref<2048x768xf32, #tpu.memory_space<hbm>> -> memref<64x768xf32, #tpu.memory_space<hbm>>
    tpu.enqueue_dma source(%dma_start3A_5 : memref<64x768xf32, #tpu.memory_space<hbm>>) target(%arg8 : memref<64x768xf32, #tpu.memory_space<vmem>>) target_semaphore(%arg9 : memref<!tpu.dma_semaphore, #tpu.memory_space<semaphore_mem>>)
    "tpu.region"() ({
      %run_scoped3A = tpu.sem_alloc : memref<!tpu.dma_semaphore, #tpu.memory_space<semaphore_mem>>
      %dma_start3A_21 = tpu.memref_slice %arg2[%mul3A_2] : memref<2048xi32, #tpu.memory_space<hbm>> -> memref<64xi32, #tpu.memory_space<hbm>>
      %dma_start3A_22 = tpu.memref_slice %arg2[%mul3A_2] : memref<2048xi32, #tpu.memory_space<hbm>> -> memref<64xi32, #tpu.memory_space<hbm>>
      tpu.enqueue_dma source(%dma_start3A_22 : memref<64xi32, #tpu.memory_space<hbm>>) target(%arg6 : memref<64xi32, #tpu.memory_space<vmem>>) target_semaphore(%run_scoped3A : memref<!tpu.dma_semaphore, #tpu.memory_space<semaphore_mem>>)
      %dma_wait3A_23 = tpu.memref_slice %arg2[%mul3A_2] : memref<2048xi32, #tpu.memory_space<hbm>> -> memref<64xi32, #tpu.memory_space<hbm>>
      %dma_wait3A_24 = tpu.memref_slice %arg2[%mul3A_2] : memref<2048xi32, #tpu.memory_space<hbm>> -> memref<64xi32, #tpu.memory_space<hbm>>
      tpu.wait_dma2 semaphore(%run_scoped3A : memref<!tpu.dma_semaphore, #tpu.memory_space<semaphore_mem>>) src(%dma_wait3A_24 : memref<64xi32, #tpu.memory_space<hbm>>) dst(%arg6 : memref<64xi32, #tpu.memory_space<vmem>>)
      tpu.yield
    }) : () -> ()
    "tpu.region"() ({
      %run_scoped3A = tpu.sem_alloc : memref<!tpu.dma_semaphore, #tpu.memory_space<semaphore_mem>>
      %dma_start3A_21 = tpu.memref_slice %arg3[%mul3A_2] : memref<2048xi32, #tpu.memory_space<hbm>> -> memref<64xi32, #tpu.memory_space<hbm>>
      %dma_start3A_22 = tpu.memref_slice %arg3[%mul3A_2] : memref<2048xi32, #tpu.memory_space<hbm>> -> memref<64xi32, #tpu.memory_space<hbm>>
      tpu.enqueue_dma source(%dma_start3A_22 : memref<64xi32, #tpu.memory_space<hbm>>) target(%arg7 : memref<64xi32, #tpu.memory_space<vmem>>) target_semaphore(%run_scoped3A : memref<!tpu.dma_semaphore, #tpu.memory_space<semaphore_mem>>)
      %dma_wait3A_23 = tpu.memref_slice %arg3[%mul3A_2] : memref<2048xi32, #tpu.memory_space<hbm>> -> memref<64xi32, #tpu.memory_space<hbm>>
      %dma_wait3A_24 = tpu.memref_slice %arg3[%mul3A_2] : memref<2048xi32, #tpu.memory_space<hbm>> -> memref<64xi32, #tpu.memory_space<hbm>>
      tpu.wait_dma2 semaphore(%run_scoped3A : memref<!tpu.dma_semaphore, #tpu.memory_space<semaphore_mem>>) src(%dma_wait3A_24 : memref<64xi32, #tpu.memory_space<hbm>>) dst(%arg7 : memref<64xi32, #tpu.memory_space<vmem>>)
      tpu.yield
    }) : () -> ()
    %dma_wait3A = arith.constant 0 : i32
    %dma_wait3A_6 = tpu.memref_slice %arg4[%mul3A_2, %dma_wait3A] : memref<2048x768xf32, #tpu.memory_space<hbm>> -> memref<64x768xf32, #tpu.memory_space<hbm>>
    %dma_wait3A_7 = arith.constant 0 : i32
    %dma_wait3A_8 = tpu.memref_slice %arg4[%mul3A_2, %dma_wait3A_7] : memref<2048x768xf32, #tpu.memory_space<hbm>> -> memref<64x768xf32, #tpu.memory_space<hbm>>
    tpu.wait_dma2 semaphore(%arg9 : memref<!tpu.dma_semaphore, #tpu.memory_space<semaphore_mem>>) src(%dma_wait3A_8 : memref<64x768xf32, #tpu.memory_space<hbm>>) dst(%arg8 : memref<64x768xf32, #tpu.memory_space<vmem>>)
    %dma_start3A_9 = arith.constant 0 : i32
    %dma_start3A_10 = arith.constant 0 : i32
    %dma_start3A_11 = tpu.memref_slice %arg5[%dma_start3A_9, %dma_start3A_10] : memref<8192x768xf32, #tpu.memory_space<hbm>> -> memref<8192x768xf32, #tpu.memory_space<hbm>>
    tpu.enqueue_indirect_dma source(%arg8 : memref<64x768xf32, #tpu.memory_space<vmem>>) target(%dma_start3A_11 : memref<8192x768xf32, #tpu.memory_space<hbm>>) offsets(%arg6 : memref<64xi32, #tpu.memory_space<vmem>>) semaphore(%arg9 : memref<!tpu.dma_semaphore, #tpu.memory_space<semaphore_mem>>)
    %dma_start3A_12 = arith.constant 0 : i32
    %dma_start3A_13 = arith.constant 0 : i32
    %dma_start3A_14 = tpu.memref_slice %arg5[%dma_start3A_12, %dma_start3A_13] : memref<8192x768xf32, #tpu.memory_space<hbm>> -> memref<8192x768xf32, #tpu.memory_space<hbm>>
    tpu.enqueue_indirect_dma source(%arg8 : memref<64x768xf32, #tpu.memory_space<vmem>>) target(%dma_start3A_14 : memref<8192x768xf32, #tpu.memory_space<hbm>>) offsets(%arg7 : memref<64xi32, #tpu.memory_space<vmem>>) semaphore(%arg9 : memref<!tpu.dma_semaphore, #tpu.memory_space<semaphore_mem>>)
    %dma_wait3A_15 = arith.constant 0 : i32
    %dma_wait3A_16 = arith.constant 0 : i32
    %dma_wait3A_17 = tpu.memref_slice %arg5[%dma_wait3A_15, %dma_wait3A_16] : memref<8192x768xf32, #tpu.memory_space<hbm>> -> memref<8192x768xf32, #tpu.memory_space<hbm>>
    tpu.wait_indirect_dma semaphore(%arg9 : memref<!tpu.dma_semaphore, #tpu.memory_space<semaphore_mem>>) src(%arg8 : memref<64x768xf32, #tpu.memory_space<vmem>>) dst(%dma_wait3A_17 : memref<8192x768xf32, #tpu.memory_space<hbm>>)
    %dma_wait3A_18 = arith.constant 0 : i32
    %dma_wait3A_19 = arith.constant 0 : i32
    %dma_wait3A_20 = tpu.memref_slice %arg5[%dma_wait3A_18, %dma_wait3A_19] : memref<8192x768xf32, #tpu.memory_space<hbm>> -> memref<8192x768xf32, #tpu.memory_space<hbm>>
    tpu.wait_indirect_dma semaphore(%arg9 : memref<!tpu.dma_semaphore, #tpu.memory_space<semaphore_mem>>) src(%arg8 : memref<64x768xf32, #tpu.memory_space<vmem>>) dst(%dma_wait3A_20 : memref<8192x768xf32, #tpu.memory_space<hbm>>)
    return
  }
}

module attributes {stable_mosaic.version = 14 : i64} {
  func.func @_attn_body(%arg0: i32, %arg1: memref<256x768xf32, #tpu.memory_space<vmem>>, %arg2: memref<1x768xf32, #tpu.memory_space<vmem>>, %arg3: memref<1x768xf32, #tpu.memory_space<vmem>>, %arg4: memref<768x2304xf32, #tpu.memory_space<vmem>>, %arg5: memref<256x768xf32, #tpu.memory_space<vmem>>, %arg6: memref<256x768xf32, #tpu.memory_space<vmem>>, %arg7: memref<768x128xf32, #tpu.memory_space<vmem>>, %arg8: memref<128x768xf32, #tpu.memory_space<vmem>>, %arg9: memref<12x256x64xf32, #tpu.memory_space<vmem>>) attributes {dimension_semantics = [#tpu.dimension_semantics<arbitrary>], iteration_bounds = array<i64: 8>, scalar_prefetch = 0 : i64, scratch_operands = 0 : i64, tpu.core_type = #tpu.core_type<tc>, window_params = [{transform_indices = @transform_0, window_bounds = array<i64: 256, 768>}, {pipeline_mode = #tpu.pipeline_mode<synchronous>, transform_indices = @transform_1, window_bounds = array<i64: 1, 768>}, {pipeline_mode = #tpu.pipeline_mode<synchronous>, transform_indices = @transform_2, window_bounds = array<i64: 1, 768>}, {pipeline_mode = #tpu.pipeline_mode<synchronous>, transform_indices = @transform_3, window_bounds = array<i64: 768, 2304>}, {transform_indices = @transform_4, window_bounds = array<i64: 256, 768>}, {transform_indices = @transform_5, window_bounds = array<i64: 256, 768>}, {pipeline_mode = #tpu.pipeline_mode<synchronous>, transform_indices = @transform_6, window_bounds = array<i64: 768, 128>}, {pipeline_mode = #tpu.pipeline_mode<synchronous>, transform_indices = @transform_7, window_bounds = array<i64: 128, 768>}, {transform_indices = @transform_8, window_bounds = array<i64: 12, 256, 64>}]} {
    %get3A = arith.constant 0 : index
    %get3A_0 = arith.constant 0 : index
    %get3A_1 = vector.load %arg1[%get3A, %get3A_0] : memref<256x768xf32, #tpu.memory_space<vmem>>, vector<256x768xf32>
    %reduce_sum3A = arith.constant dense<0.000000e+00> : vector<256xf32>
    %reduce_sum3A_2 = vector.multi_reduction <add>, %get3A_1, %reduce_sum3A [1] : vector<256x768xf32> to vector<256xf32>
    %broadcast_in_dim3A = vector.shape_cast %reduce_sum3A_2 : vector<256xf32> to vector<256x1xf32>
    %div3A = arith.constant 7.680000e+02 : f32
    %div3A_3 = vector.broadcast %div3A : f32 to vector<256x1xf32>
    %div3A_4 = arith.divf %broadcast_in_dim3A, %div3A_3 : vector<256x1xf32>
    %sub3A = vector.broadcast %div3A_4 : vector<256x1xf32> to vector<256x768xf32>
    %sub3A_5 = arith.subf %get3A_1, %sub3A : vector<256x768xf32>
    %mul3A = arith.mulf %sub3A_5, %sub3A_5 : vector<256x768xf32>
    %reduce_sum3A_6 = arith.constant dense<0.000000e+00> : vector<256xf32>
    %reduce_sum3A_7 = vector.multi_reduction <add>, %mul3A, %reduce_sum3A_6 [1] : vector<256x768xf32> to vector<256xf32>
    %broadcast_in_dim3A_8 = vector.shape_cast %reduce_sum3A_7 : vector<256xf32> to vector<256x1xf32>
    %div3A_9 = arith.constant 7.680000e+02 : f32
    %div3A_10 = vector.broadcast %div3A_9 : f32 to vector<256x1xf32>
    %div3A_11 = arith.divf %broadcast_in_dim3A_8, %div3A_10 : vector<256x1xf32>
    %add3A = arith.constant 9.99999974E-6 : f32
    %add3A_12 = vector.broadcast %add3A : f32 to vector<256x1xf32>
    %add3A_13 = arith.addf %div3A_11, %add3A_12 : vector<256x1xf32>
    %rsqrt3A = math.rsqrt %add3A_13 : vector<256x1xf32>
    %mul3A_14 = vector.broadcast %rsqrt3A : vector<256x1xf32> to vector<256x768xf32>
    %mul3A_15 = arith.mulf %sub3A_5, %mul3A_14 : vector<256x768xf32>
    %get3A_16 = arith.constant 0 : index
    %get3A_17 = arith.constant 0 : index
    %get3A_18 = vector.load %arg2[%get3A_16, %get3A_17] : memref<1x768xf32, #tpu.memory_space<vmem>>, vector<1x768xf32>
    %mul3A_19 = vector.broadcast %get3A_18 : vector<1x768xf32> to vector<256x768xf32>
    %mul3A_20 = arith.mulf %mul3A_15, %mul3A_19 : vector<256x768xf32>
    %get3A_21 = arith.constant 0 : index
    %get3A_22 = arith.constant 0 : index
    %get3A_23 = vector.load %arg3[%get3A_21, %get3A_22] : memref<1x768xf32, #tpu.memory_space<vmem>>, vector<1x768xf32>
    %add3A_24 = vector.broadcast %get3A_23 : vector<1x768xf32> to vector<256x768xf32>
    %add3A_25 = arith.addf %mul3A_20, %add3A_24 : vector<256x768xf32>
    %convert_element_type3A = arith.truncf %add3A_25 : vector<256x768xf32> to vector<256x768xbf16>
    %get3A_26 = arith.constant 0 : index
    %get3A_27 = arith.constant 0 : index
    %get3A_28 = vector.load %arg4[%get3A_26, %get3A_27] : memref<768x2304xf32, #tpu.memory_space<vmem>>, vector<768x2304xf32>
    %convert_element_type3A_29 = arith.truncf %get3A_28 : vector<768x2304xf32> to vector<768x2304xbf16>
    %dot_general3A = arith.constant dense<0.000000e+00> : vector<256x2304xf32>
    %dot_general3A_30 = tpu.matmul %convert_element_type3A, %convert_element_type3A_29, %dot_general3A {dimension_numbers = #tpu.dot_dimension_numbers<[1], [0], [0], [1], [0, 0, 1, 1], [], []>, transpose_lhs_hint = false} : vector<256x768xbf16>, vector<768x2304xbf16>, vector<256x2304xf32> -> vector<256x2304xf32>
    %get3A_31 = arith.constant 0 : index
    %get3A_32 = arith.constant 0 : index
    %get3A_33 = vector.load %arg5[%get3A_31, %get3A_32] : memref<256x768xf32, #tpu.memory_space<vmem>>, vector<256x768xf32>
    %get3A_34 = arith.constant 0 : index
    %get3A_35 = arith.constant 0 : index
    %get3A_36 = vector.load %arg6[%get3A_34, %get3A_35] : memref<256x768xf32, #tpu.memory_space<vmem>>, vector<256x768xf32>
    %iota3A = tpu.iota {dimensions = array<i32: 1>} : vector<256x768xi32>
    %jit3A = arith.constant 2 : i32
    %eq3A = arith.constant 0 : i32
    %eq3A_37 = arith.cmpi eq, %jit3A, %eq3A : i32
    %jit3A_38 = arith.constant 1 : i32
    %select_n3A = arith.select %eq3A_37, %jit3A_38, %jit3A : i32
    %rem3A = vector.broadcast %select_n3A : i32 to vector<256x768xi32>
    %rem3A_39 = arith.remsi %iota3A, %rem3A : vector<256x768xi32>
    %ne3A = arith.constant 0 : i32
    %ne3A_40 = vector.broadcast %ne3A : i32 to vector<256x768xi32>
    %ne3A_41 = arith.cmpi ne, %rem3A_39, %ne3A_40 : vector<256x768xi32>
    %lt3A = arith.constant 0 : i32
    %lt3A_42 = vector.broadcast %lt3A : i32 to vector<256x768xi32>
    %lt3A_43 = arith.cmpi slt, %rem3A_39, %lt3A_42 : vector<256x768xi32>
    %lt3A_44 = arith.constant 0 : i32
    %lt3A_45 = arith.cmpi slt, %select_n3A, %lt3A_44 : i32
    %ne3A_46 = vector.broadcast %lt3A_45 : i1 to vector<256x768xi1>
    %ne3A_47 = vector.broadcast %ne3A_46 : vector<256x768xi1> to vector<256x768xi1>
    %ne3A_48 = arith.xori %lt3A_43, %ne3A_47 : vector<256x768xi1>
    %and3A = arith.andi %ne3A_48, %ne3A_41 : vector<256x768xi1>
    %add3A_49 = vector.broadcast %select_n3A : i32 to vector<256x768xi32>
    %add3A_50 = arith.addi %rem3A_39, %add3A_49 : vector<256x768xi32>
    %select_n3A_51 = arith.select %and3A, %add3A_50, %rem3A_39 : vector<256x768xi1>, vector<256x768xi32>
    %eq3A_52 = arith.constant 0 : i32
    %eq3A_53 = vector.broadcast %eq3A_52 : i32 to vector<256x768xi32>
    %eq3A_54 = arith.cmpi eq, %select_n3A_51, %eq3A_53 : vector<256x768xi32>
    %slice3A = vector.extract_strided_slice %dot_general3A_30 {offsets = [0, 0], sizes = [256, 768], strides = [1, 1]} : vector<256x2304xf32> to vector<256x768xf32>
    %slice3A_55 = vector.extract_strided_slice %slice3A {offsets = [0, 1], sizes = [256, 767], strides = [1, 1]} : vector<256x768xf32> to vector<256x767xf32>
    %slice3A_56 = vector.extract_strided_slice %slice3A {offsets = [0, 0], sizes = [256, 1], strides = [1, 1]} : vector<256x768xf32> to vector<256x1xf32>
    %concatenate3A = tpu.concatenate %slice3A_55, %slice3A_56 in 1 : vector<256x767xf32>, vector<256x1xf32> -> vector<256x768xf32>
    %slice3A_57 = vector.extract_strided_slice %slice3A {offsets = [0, 767], sizes = [256, 1], strides = [1, 1]} : vector<256x768xf32> to vector<256x1xf32>
    %slice3A_58 = vector.extract_strided_slice %slice3A {offsets = [0, 0], sizes = [256, 767], strides = [1, 1]} : vector<256x768xf32> to vector<256x767xf32>
    %concatenate3A_59 = tpu.concatenate %slice3A_57, %slice3A_58 in 1 : vector<256x1xf32>, vector<256x767xf32> -> vector<256x768xf32>
    %neg3A = arith.constant 0.000000e+00 : f32
    %neg3A_60 = vector.broadcast %neg3A : f32 to vector<256x768xf32>
    %neg3A_61 = arith.subf %neg3A_60, %concatenate3A : vector<256x768xf32>
    %select_n3A_62 = arith.select %eq3A_54, %neg3A_61, %concatenate3A_59 : vector<256x768xi1>, vector<256x768xf32>
    %mul3A_63 = arith.mulf %slice3A, %get3A_33 : vector<256x768xf32>
    %mul3A_64 = arith.mulf %select_n3A_62, %get3A_36 : vector<256x768xf32>
    %add3A_65 = arith.addf %mul3A_63, %mul3A_64 : vector<256x768xf32>
    %convert_element_type3A_66 = arith.truncf %add3A_65 : vector<256x768xf32> to vector<256x768xbf16>
    %convert_element_type3A_67 = arith.extf %convert_element_type3A_66 : vector<256x768xbf16> to vector<256x768xf32>
    %slice3A_68 = vector.extract_strided_slice %dot_general3A_30 {offsets = [0, 768], sizes = [256, 768], strides = [1, 1]} : vector<256x2304xf32> to vector<256x768xf32>
    %slice3A_69 = vector.extract_strided_slice %slice3A_68 {offsets = [0, 1], sizes = [256, 767], strides = [1, 1]} : vector<256x768xf32> to vector<256x767xf32>
    %slice3A_70 = vector.extract_strided_slice %slice3A_68 {offsets = [0, 0], sizes = [256, 1], strides = [1, 1]} : vector<256x768xf32> to vector<256x1xf32>
    %concatenate3A_71 = tpu.concatenate %slice3A_69, %slice3A_70 in 1 : vector<256x767xf32>, vector<256x1xf32> -> vector<256x768xf32>
    %slice3A_72 = vector.extract_strided_slice %slice3A_68 {offsets = [0, 767], sizes = [256, 1], strides = [1, 1]} : vector<256x768xf32> to vector<256x1xf32>
    %slice3A_73 = vector.extract_strided_slice %slice3A_68 {offsets = [0, 0], sizes = [256, 767], strides = [1, 1]} : vector<256x768xf32> to vector<256x767xf32>
    %concatenate3A_74 = tpu.concatenate %slice3A_72, %slice3A_73 in 1 : vector<256x1xf32>, vector<256x767xf32> -> vector<256x768xf32>
    %neg3A_75 = arith.constant 0.000000e+00 : f32
    %neg3A_76 = vector.broadcast %neg3A_75 : f32 to vector<256x768xf32>
    %neg3A_77 = arith.subf %neg3A_76, %concatenate3A_71 : vector<256x768xf32>
    %select_n3A_78 = arith.select %eq3A_54, %neg3A_77, %concatenate3A_74 : vector<256x768xi1>, vector<256x768xf32>
    %mul3A_79 = arith.mulf %slice3A_68, %get3A_33 : vector<256x768xf32>
    %mul3A_80 = arith.mulf %select_n3A_78, %get3A_36 : vector<256x768xf32>
    %add3A_81 = arith.addf %mul3A_79, %mul3A_80 : vector<256x768xf32>
    %convert_element_type3A_82 = arith.truncf %add3A_81 : vector<256x768xf32> to vector<256x768xbf16>
    %convert_element_type3A_83 = arith.extf %convert_element_type3A_82 : vector<256x768xbf16> to vector<256x768xf32>
    %get3A_84 = arith.constant 0 : index
    %get3A_85 = arith.constant 0 : index
    %get3A_86 = vector.load %arg7[%get3A_84, %get3A_85] : memref<768x128xf32, #tpu.memory_space<vmem>>, vector<768x128xf32>
    %convert_element_type3A_87 = arith.truncf %get3A_86 : vector<768x128xf32> to vector<768x128xbf16>
    %get3A_88 = arith.constant 0 : index
    %get3A_89 = arith.constant 0 : index
    %get3A_90 = vector.load %arg8[%get3A_88, %get3A_89] : memref<128x768xf32, #tpu.memory_space<vmem>>, vector<128x768xf32>
    %slice3A_91 = vector.extract_strided_slice %convert_element_type3A_83 {offsets = [0, 0], sizes = [256, 64], strides = [1, 1]} : vector<256x768xf32> to vector<256x64xf32>
    %concatenate3A_92 = tpu.concatenate %slice3A_91, %slice3A_91, %slice3A_91, %slice3A_91, %slice3A_91, %slice3A_91, %slice3A_91, %slice3A_91, %slice3A_91, %slice3A_91, %slice3A_91, %slice3A_91 in 1 : vector<256x64xf32>, vector<256x64xf32>, vector<256x64xf32>, vector<256x64xf32>, vector<256x64xf32>, vector<256x64xf32>, vector<256x64xf32>, vector<256x64xf32>, vector<256x64xf32>, vector<256x64xf32>, vector<256x64xf32>, vector<256x64xf32> -> vector<256x768xf32>
    %mul3A_93 = arith.mulf %convert_element_type3A_67, %concatenate3A_92 : vector<256x768xf32>
    %convert_element_type3A_94 = arith.truncf %mul3A_93 : vector<256x768xf32> to vector<256x768xbf16>
    %convert_element_type3A_95 = arith.extf %convert_element_type3A_94 : vector<256x768xbf16> to vector<256x768xf32>
    %sub3A_96 = arith.subf %mul3A_93, %convert_element_type3A_95 : vector<256x768xf32>
    %convert_element_type3A_97 = arith.truncf %sub3A_96 : vector<256x768xf32> to vector<256x768xbf16>
    %dot_general3A_98 = arith.constant dense<0.000000e+00> : vector<256x128xf32>
    %dot_general3A_99 = tpu.matmul %convert_element_type3A_94, %convert_element_type3A_87, %dot_general3A_98 {dimension_numbers = #tpu.dot_dimension_numbers<[1], [0], [0], [1], [0, 0, 1, 1], [], []>, transpose_lhs_hint = false} : vector<256x768xbf16>, vector<768x128xbf16>, vector<256x128xf32> -> vector<256x128xf32>
    %dot_general3A_100 = arith.constant dense<0.000000e+00> : vector<256x128xf32>
    %dot_general3A_101 = tpu.matmul %convert_element_type3A_97, %convert_element_type3A_87, %dot_general3A_100 {dimension_numbers = #tpu.dot_dimension_numbers<[1], [0], [0], [1], [0, 0, 1, 1], [], []>, transpose_lhs_hint = false} : vector<256x768xbf16>, vector<768x128xbf16>, vector<256x128xf32> -> vector<256x128xf32>
    %add3A_102 = arith.addf %dot_general3A_99, %dot_general3A_101 : vector<256x128xf32>
    %mul3A_103 = arith.constant 1.250000e-01 : f32
    %mul3A_104 = vector.broadcast %mul3A_103 : f32 to vector<256x128xf32>
    %mul3A_105 = arith.mulf %add3A_102, %mul3A_104 : vector<256x128xf32>
    %slice3A_106 = vector.extract_strided_slice %convert_element_type3A_83 {offsets = [0, 64], sizes = [256, 64], strides = [1, 1]} : vector<256x768xf32> to vector<256x64xf32>
    %concatenate3A_107 = tpu.concatenate %slice3A_106, %slice3A_106, %slice3A_106, %slice3A_106, %slice3A_106, %slice3A_106, %slice3A_106, %slice3A_106, %slice3A_106, %slice3A_106, %slice3A_106, %slice3A_106 in 1 : vector<256x64xf32>, vector<256x64xf32>, vector<256x64xf32>, vector<256x64xf32>, vector<256x64xf32>, vector<256x64xf32>, vector<256x64xf32>, vector<256x64xf32>, vector<256x64xf32>, vector<256x64xf32>, vector<256x64xf32>, vector<256x64xf32> -> vector<256x768xf32>
    %mul3A_108 = arith.mulf %convert_element_type3A_67, %concatenate3A_107 : vector<256x768xf32>
    %convert_element_type3A_109 = arith.truncf %mul3A_108 : vector<256x768xf32> to vector<256x768xbf16>
    %convert_element_type3A_110 = arith.extf %convert_element_type3A_109 : vector<256x768xbf16> to vector<256x768xf32>
    %sub3A_111 = arith.subf %mul3A_108, %convert_element_type3A_110 : vector<256x768xf32>
    %convert_element_type3A_112 = arith.truncf %sub3A_111 : vector<256x768xf32> to vector<256x768xbf16>
    %dot_general3A_113 = arith.constant dense<0.000000e+00> : vector<256x128xf32>
    %dot_general3A_114 = tpu.matmul %convert_element_type3A_109, %convert_element_type3A_87, %dot_general3A_113 {dimension_numbers = #tpu.dot_dimension_numbers<[1], [0], [0], [1], [0, 0, 1, 1], [], []>, transpose_lhs_hint = false} : vector<256x768xbf16>, vector<768x128xbf16>, vector<256x128xf32> -> vector<256x128xf32>
    %dot_general3A_115 = arith.constant dense<0.000000e+00> : vector<256x128xf32>
    %dot_general3A_116 = tpu.matmul %convert_element_type3A_112, %convert_element_type3A_87, %dot_general3A_115 {dimension_numbers = #tpu.dot_dimension_numbers<[1], [0], [0], [1], [0, 0, 1, 1], [], []>, transpose_lhs_hint = false} : vector<256x768xbf16>, vector<768x128xbf16>, vector<256x128xf32> -> vector<256x128xf32>
    %add3A_117 = arith.addf %dot_general3A_114, %dot_general3A_116 : vector<256x128xf32>
    %mul3A_118 = arith.constant 1.250000e-01 : f32
    %mul3A_119 = vector.broadcast %mul3A_118 : f32 to vector<256x128xf32>
    %mul3A_120 = arith.mulf %add3A_117, %mul3A_119 : vector<256x128xf32>
    %slice3A_121 = vector.extract_strided_slice %convert_element_type3A_83 {offsets = [0, 128], sizes = [256, 64], strides = [1, 1]} : vector<256x768xf32> to vector<256x64xf32>
    %concatenate3A_122 = tpu.concatenate %slice3A_121, %slice3A_121, %slice3A_121, %slice3A_121, %slice3A_121, %slice3A_121, %slice3A_121, %slice3A_121, %slice3A_121, %slice3A_121, %slice3A_121, %slice3A_121 in 1 : vector<256x64xf32>, vector<256x64xf32>, vector<256x64xf32>, vector<256x64xf32>, vector<256x64xf32>, vector<256x64xf32>, vector<256x64xf32>, vector<256x64xf32>, vector<256x64xf32>, vector<256x64xf32>, vector<256x64xf32>, vector<256x64xf32> -> vector<256x768xf32>
    %mul3A_123 = arith.mulf %convert_element_type3A_67, %concatenate3A_122 : vector<256x768xf32>
    %convert_element_type3A_124 = arith.truncf %mul3A_123 : vector<256x768xf32> to vector<256x768xbf16>
    %convert_element_type3A_125 = arith.extf %convert_element_type3A_124 : vector<256x768xbf16> to vector<256x768xf32>
    %sub3A_126 = arith.subf %mul3A_123, %convert_element_type3A_125 : vector<256x768xf32>
    %convert_element_type3A_127 = arith.truncf %sub3A_126 : vector<256x768xf32> to vector<256x768xbf16>
    %dot_general3A_128 = arith.constant dense<0.000000e+00> : vector<256x128xf32>
    %dot_general3A_129 = tpu.matmul %convert_element_type3A_124, %convert_element_type3A_87, %dot_general3A_128 {dimension_numbers = #tpu.dot_dimension_numbers<[1], [0], [0], [1], [0, 0, 1, 1], [], []>, transpose_lhs_hint = false} : vector<256x768xbf16>, vector<768x128xbf16>, vector<256x128xf32> -> vector<256x128xf32>
    %dot_general3A_130 = arith.constant dense<0.000000e+00> : vector<256x128xf32>
    %dot_general3A_131 = tpu.matmul %convert_element_type3A_127, %convert_element_type3A_87, %dot_general3A_130 {dimension_numbers = #tpu.dot_dimension_numbers<[1], [0], [0], [1], [0, 0, 1, 1], [], []>, transpose_lhs_hint = false} : vector<256x768xbf16>, vector<768x128xbf16>, vector<256x128xf32> -> vector<256x128xf32>
    %add3A_132 = arith.addf %dot_general3A_129, %dot_general3A_131 : vector<256x128xf32>
    %mul3A_133 = arith.constant 1.250000e-01 : f32
    %mul3A_134 = vector.broadcast %mul3A_133 : f32 to vector<256x128xf32>
    %mul3A_135 = arith.mulf %add3A_132, %mul3A_134 : vector<256x128xf32>
    %slice3A_136 = vector.extract_strided_slice %convert_element_type3A_83 {offsets = [0, 192], sizes = [256, 64], strides = [1, 1]} : vector<256x768xf32> to vector<256x64xf32>
    %concatenate3A_137 = tpu.concatenate %slice3A_136, %slice3A_136, %slice3A_136, %slice3A_136, %slice3A_136, %slice3A_136, %slice3A_136, %slice3A_136, %slice3A_136, %slice3A_136, %slice3A_136, %slice3A_136 in 1 : vector<256x64xf32>, vector<256x64xf32>, vector<256x64xf32>, vector<256x64xf32>, vector<256x64xf32>, vector<256x64xf32>, vector<256x64xf32>, vector<256x64xf32>, vector<256x64xf32>, vector<256x64xf32>, vector<256x64xf32>, vector<256x64xf32> -> vector<256x768xf32>
    %mul3A_138 = arith.mulf %convert_element_type3A_67, %concatenate3A_137 : vector<256x768xf32>
    %convert_element_type3A_139 = arith.truncf %mul3A_138 : vector<256x768xf32> to vector<256x768xbf16>
    %convert_element_type3A_140 = arith.extf %convert_element_type3A_139 : vector<256x768xbf16> to vector<256x768xf32>
    %sub3A_141 = arith.subf %mul3A_138, %convert_element_type3A_140 : vector<256x768xf32>
    %convert_element_type3A_142 = arith.truncf %sub3A_141 : vector<256x768xf32> to vector<256x768xbf16>
    %dot_general3A_143 = arith.constant dense<0.000000e+00> : vector<256x128xf32>
    %dot_general3A_144 = tpu.matmul %convert_element_type3A_139, %convert_element_type3A_87, %dot_general3A_143 {dimension_numbers = #tpu.dot_dimension_numbers<[1], [0], [0], [1], [0, 0, 1, 1], [], []>, transpose_lhs_hint = false} : vector<256x768xbf16>, vector<768x128xbf16>, vector<256x128xf32> -> vector<256x128xf32>
    %dot_general3A_145 = arith.constant dense<0.000000e+00> : vector<256x128xf32>
    %dot_general3A_146 = tpu.matmul %convert_element_type3A_142, %convert_element_type3A_87, %dot_general3A_145 {dimension_numbers = #tpu.dot_dimension_numbers<[1], [0], [0], [1], [0, 0, 1, 1], [], []>, transpose_lhs_hint = false} : vector<256x768xbf16>, vector<768x128xbf16>, vector<256x128xf32> -> vector<256x128xf32>
    %add3A_147 = arith.addf %dot_general3A_144, %dot_general3A_146 : vector<256x128xf32>
    %mul3A_148 = arith.constant 1.250000e-01 : f32
    %mul3A_149 = vector.broadcast %mul3A_148 : f32 to vector<256x128xf32>
    %mul3A_150 = arith.mulf %add3A_147, %mul3A_149 : vector<256x128xf32>
    %slice3A_151 = vector.extract_strided_slice %convert_element_type3A_83 {offsets = [0, 256], sizes = [256, 64], strides = [1, 1]} : vector<256x768xf32> to vector<256x64xf32>
    %concatenate3A_152 = tpu.concatenate %slice3A_151, %slice3A_151, %slice3A_151, %slice3A_151, %slice3A_151, %slice3A_151, %slice3A_151, %slice3A_151, %slice3A_151, %slice3A_151, %slice3A_151, %slice3A_151 in 1 : vector<256x64xf32>, vector<256x64xf32>, vector<256x64xf32>, vector<256x64xf32>, vector<256x64xf32>, vector<256x64xf32>, vector<256x64xf32>, vector<256x64xf32>, vector<256x64xf32>, vector<256x64xf32>, vector<256x64xf32>, vector<256x64xf32> -> vector<256x768xf32>
    %mul3A_153 = arith.mulf %convert_element_type3A_67, %concatenate3A_152 : vector<256x768xf32>
    %convert_element_type3A_154 = arith.truncf %mul3A_153 : vector<256x768xf32> to vector<256x768xbf16>
    %convert_element_type3A_155 = arith.extf %convert_element_type3A_154 : vector<256x768xbf16> to vector<256x768xf32>
    %sub3A_156 = arith.subf %mul3A_153, %convert_element_type3A_155 : vector<256x768xf32>
    %convert_element_type3A_157 = arith.truncf %sub3A_156 : vector<256x768xf32> to vector<256x768xbf16>
    %dot_general3A_158 = arith.constant dense<0.000000e+00> : vector<256x128xf32>
    %dot_general3A_159 = tpu.matmul %convert_element_type3A_154, %convert_element_type3A_87, %dot_general3A_158 {dimension_numbers = #tpu.dot_dimension_numbers<[1], [0], [0], [1], [0, 0, 1, 1], [], []>, transpose_lhs_hint = false} : vector<256x768xbf16>, vector<768x128xbf16>, vector<256x128xf32> -> vector<256x128xf32>
    %dot_general3A_160 = arith.constant dense<0.000000e+00> : vector<256x128xf32>
    %dot_general3A_161 = tpu.matmul %convert_element_type3A_157, %convert_element_type3A_87, %dot_general3A_160 {dimension_numbers = #tpu.dot_dimension_numbers<[1], [0], [0], [1], [0, 0, 1, 1], [], []>, transpose_lhs_hint = false} : vector<256x768xbf16>, vector<768x128xbf16>, vector<256x128xf32> -> vector<256x128xf32>
    %add3A_162 = arith.addf %dot_general3A_159, %dot_general3A_161 : vector<256x128xf32>
    %mul3A_163 = arith.constant 1.250000e-01 : f32
    %mul3A_164 = vector.broadcast %mul3A_163 : f32 to vector<256x128xf32>
    %mul3A_165 = arith.mulf %add3A_162, %mul3A_164 : vector<256x128xf32>
    %slice3A_166 = vector.extract_strided_slice %convert_element_type3A_83 {offsets = [0, 320], sizes = [256, 64], strides = [1, 1]} : vector<256x768xf32> to vector<256x64xf32>
    %concatenate3A_167 = tpu.concatenate %slice3A_166, %slice3A_166, %slice3A_166, %slice3A_166, %slice3A_166, %slice3A_166, %slice3A_166, %slice3A_166, %slice3A_166, %slice3A_166, %slice3A_166, %slice3A_166 in 1 : vector<256x64xf32>, vector<256x64xf32>, vector<256x64xf32>, vector<256x64xf32>, vector<256x64xf32>, vector<256x64xf32>, vector<256x64xf32>, vector<256x64xf32>, vector<256x64xf32>, vector<256x64xf32>, vector<256x64xf32>, vector<256x64xf32> -> vector<256x768xf32>
    %mul3A_168 = arith.mulf %convert_element_type3A_67, %concatenate3A_167 : vector<256x768xf32>
    %convert_element_type3A_169 = arith.truncf %mul3A_168 : vector<256x768xf32> to vector<256x768xbf16>
    %convert_element_type3A_170 = arith.extf %convert_element_type3A_169 : vector<256x768xbf16> to vector<256x768xf32>
    %sub3A_171 = arith.subf %mul3A_168, %convert_element_type3A_170 : vector<256x768xf32>
    %convert_element_type3A_172 = arith.truncf %sub3A_171 : vector<256x768xf32> to vector<256x768xbf16>
    %dot_general3A_173 = arith.constant dense<0.000000e+00> : vector<256x128xf32>
    %dot_general3A_174 = tpu.matmul %convert_element_type3A_169, %convert_element_type3A_87, %dot_general3A_173 {dimension_numbers = #tpu.dot_dimension_numbers<[1], [0], [0], [1], [0, 0, 1, 1], [], []>, transpose_lhs_hint = false} : vector<256x768xbf16>, vector<768x128xbf16>, vector<256x128xf32> -> vector<256x128xf32>
    %dot_general3A_175 = arith.constant dense<0.000000e+00> : vector<256x128xf32>
    %dot_general3A_176 = tpu.matmul %convert_element_type3A_172, %convert_element_type3A_87, %dot_general3A_175 {dimension_numbers = #tpu.dot_dimension_numbers<[1], [0], [0], [1], [0, 0, 1, 1], [], []>, transpose_lhs_hint = false} : vector<256x768xbf16>, vector<768x128xbf16>, vector<256x128xf32> -> vector<256x128xf32>
    %add3A_177 = arith.addf %dot_general3A_174, %dot_general3A_176 : vector<256x128xf32>
    %mul3A_178 = arith.constant 1.250000e-01 : f32
    %mul3A_179 = vector.broadcast %mul3A_178 : f32 to vector<256x128xf32>
    %mul3A_180 = arith.mulf %add3A_177, %mul3A_179 : vector<256x128xf32>
    %slice3A_181 = vector.extract_strided_slice %convert_element_type3A_83 {offsets = [0, 384], sizes = [256, 64], strides = [1, 1]} : vector<256x768xf32> to vector<256x64xf32>
    %concatenate3A_182 = tpu.concatenate %slice3A_181, %slice3A_181, %slice3A_181, %slice3A_181, %slice3A_181, %slice3A_181, %slice3A_181, %slice3A_181, %slice3A_181, %slice3A_181, %slice3A_181, %slice3A_181 in 1 : vector<256x64xf32>, vector<256x64xf32>, vector<256x64xf32>, vector<256x64xf32>, vector<256x64xf32>, vector<256x64xf32>, vector<256x64xf32>, vector<256x64xf32>, vector<256x64xf32>, vector<256x64xf32>, vector<256x64xf32>, vector<256x64xf32> -> vector<256x768xf32>
    %mul3A_183 = arith.mulf %convert_element_type3A_67, %concatenate3A_182 : vector<256x768xf32>
    %convert_element_type3A_184 = arith.truncf %mul3A_183 : vector<256x768xf32> to vector<256x768xbf16>
    %convert_element_type3A_185 = arith.extf %convert_element_type3A_184 : vector<256x768xbf16> to vector<256x768xf32>
    %sub3A_186 = arith.subf %mul3A_183, %convert_element_type3A_185 : vector<256x768xf32>
    %convert_element_type3A_187 = arith.truncf %sub3A_186 : vector<256x768xf32> to vector<256x768xbf16>
    %dot_general3A_188 = arith.constant dense<0.000000e+00> : vector<256x128xf32>
    %dot_general3A_189 = tpu.matmul %convert_element_type3A_184, %convert_element_type3A_87, %dot_general3A_188 {dimension_numbers = #tpu.dot_dimension_numbers<[1], [0], [0], [1], [0, 0, 1, 1], [], []>, transpose_lhs_hint = false} : vector<256x768xbf16>, vector<768x128xbf16>, vector<256x128xf32> -> vector<256x128xf32>
    %dot_general3A_190 = arith.constant dense<0.000000e+00> : vector<256x128xf32>
    %dot_general3A_191 = tpu.matmul %convert_element_type3A_187, %convert_element_type3A_87, %dot_general3A_190 {dimension_numbers = #tpu.dot_dimension_numbers<[1], [0], [0], [1], [0, 0, 1, 1], [], []>, transpose_lhs_hint = false} : vector<256x768xbf16>, vector<768x128xbf16>, vector<256x128xf32> -> vector<256x128xf32>
    %add3A_192 = arith.addf %dot_general3A_189, %dot_general3A_191 : vector<256x128xf32>
    %mul3A_193 = arith.constant 1.250000e-01 : f32
    %mul3A_194 = vector.broadcast %mul3A_193 : f32 to vector<256x128xf32>
    %mul3A_195 = arith.mulf %add3A_192, %mul3A_194 : vector<256x128xf32>
    %slice3A_196 = vector.extract_strided_slice %convert_element_type3A_83 {offsets = [0, 448], sizes = [256, 64], strides = [1, 1]} : vector<256x768xf32> to vector<256x64xf32>
    %concatenate3A_197 = tpu.concatenate %slice3A_196, %slice3A_196, %slice3A_196, %slice3A_196, %slice3A_196, %slice3A_196, %slice3A_196, %slice3A_196, %slice3A_196, %slice3A_196, %slice3A_196, %slice3A_196 in 1 : vector<256x64xf32>, vector<256x64xf32>, vector<256x64xf32>, vector<256x64xf32>, vector<256x64xf32>, vector<256x64xf32>, vector<256x64xf32>, vector<256x64xf32>, vector<256x64xf32>, vector<256x64xf32>, vector<256x64xf32>, vector<256x64xf32> -> vector<256x768xf32>
    %mul3A_198 = arith.mulf %convert_element_type3A_67, %concatenate3A_197 : vector<256x768xf32>
    %convert_element_type3A_199 = arith.truncf %mul3A_198 : vector<256x768xf32> to vector<256x768xbf16>
    %convert_element_type3A_200 = arith.extf %convert_element_type3A_199 : vector<256x768xbf16> to vector<256x768xf32>
    %sub3A_201 = arith.subf %mul3A_198, %convert_element_type3A_200 : vector<256x768xf32>
    %convert_element_type3A_202 = arith.truncf %sub3A_201 : vector<256x768xf32> to vector<256x768xbf16>
    %dot_general3A_203 = arith.constant dense<0.000000e+00> : vector<256x128xf32>
    %dot_general3A_204 = tpu.matmul %convert_element_type3A_199, %convert_element_type3A_87, %dot_general3A_203 {dimension_numbers = #tpu.dot_dimension_numbers<[1], [0], [0], [1], [0, 0, 1, 1], [], []>, transpose_lhs_hint = false} : vector<256x768xbf16>, vector<768x128xbf16>, vector<256x128xf32> -> vector<256x128xf32>
    %dot_general3A_205 = arith.constant dense<0.000000e+00> : vector<256x128xf32>
    %dot_general3A_206 = tpu.matmul %convert_element_type3A_202, %convert_element_type3A_87, %dot_general3A_205 {dimension_numbers = #tpu.dot_dimension_numbers<[1], [0], [0], [1], [0, 0, 1, 1], [], []>, transpose_lhs_hint = false} : vector<256x768xbf16>, vector<768x128xbf16>, vector<256x128xf32> -> vector<256x128xf32>
    %add3A_207 = arith.addf %dot_general3A_204, %dot_general3A_206 : vector<256x128xf32>
    %mul3A_208 = arith.constant 1.250000e-01 : f32
    %mul3A_209 = vector.broadcast %mul3A_208 : f32 to vector<256x128xf32>
    %mul3A_210 = arith.mulf %add3A_207, %mul3A_209 : vector<256x128xf32>
    %slice3A_211 = vector.extract_strided_slice %convert_element_type3A_83 {offsets = [0, 512], sizes = [256, 64], strides = [1, 1]} : vector<256x768xf32> to vector<256x64xf32>
    %concatenate3A_212 = tpu.concatenate %slice3A_211, %slice3A_211, %slice3A_211, %slice3A_211, %slice3A_211, %slice3A_211, %slice3A_211, %slice3A_211, %slice3A_211, %slice3A_211, %slice3A_211, %slice3A_211 in 1 : vector<256x64xf32>, vector<256x64xf32>, vector<256x64xf32>, vector<256x64xf32>, vector<256x64xf32>, vector<256x64xf32>, vector<256x64xf32>, vector<256x64xf32>, vector<256x64xf32>, vector<256x64xf32>, vector<256x64xf32>, vector<256x64xf32> -> vector<256x768xf32>
    %mul3A_213 = arith.mulf %convert_element_type3A_67, %concatenate3A_212 : vector<256x768xf32>
    %convert_element_type3A_214 = arith.truncf %mul3A_213 : vector<256x768xf32> to vector<256x768xbf16>
    %convert_element_type3A_215 = arith.extf %convert_element_type3A_214 : vector<256x768xbf16> to vector<256x768xf32>
    %sub3A_216 = arith.subf %mul3A_213, %convert_element_type3A_215 : vector<256x768xf32>
    %convert_element_type3A_217 = arith.truncf %sub3A_216 : vector<256x768xf32> to vector<256x768xbf16>
    %dot_general3A_218 = arith.constant dense<0.000000e+00> : vector<256x128xf32>
    %dot_general3A_219 = tpu.matmul %convert_element_type3A_214, %convert_element_type3A_87, %dot_general3A_218 {dimension_numbers = #tpu.dot_dimension_numbers<[1], [0], [0], [1], [0, 0, 1, 1], [], []>, transpose_lhs_hint = false} : vector<256x768xbf16>, vector<768x128xbf16>, vector<256x128xf32> -> vector<256x128xf32>
    %dot_general3A_220 = arith.constant dense<0.000000e+00> : vector<256x128xf32>
    %dot_general3A_221 = tpu.matmul %convert_element_type3A_217, %convert_element_type3A_87, %dot_general3A_220 {dimension_numbers = #tpu.dot_dimension_numbers<[1], [0], [0], [1], [0, 0, 1, 1], [], []>, transpose_lhs_hint = false} : vector<256x768xbf16>, vector<768x128xbf16>, vector<256x128xf32> -> vector<256x128xf32>
    %add3A_222 = arith.addf %dot_general3A_219, %dot_general3A_221 : vector<256x128xf32>
    %mul3A_223 = arith.constant 1.250000e-01 : f32
    %mul3A_224 = vector.broadcast %mul3A_223 : f32 to vector<256x128xf32>
    %mul3A_225 = arith.mulf %add3A_222, %mul3A_224 : vector<256x128xf32>
    %slice3A_226 = vector.extract_strided_slice %convert_element_type3A_83 {offsets = [0, 576], sizes = [256, 64], strides = [1, 1]} : vector<256x768xf32> to vector<256x64xf32>
    %concatenate3A_227 = tpu.concatenate %slice3A_226, %slice3A_226, %slice3A_226, %slice3A_226, %slice3A_226, %slice3A_226, %slice3A_226, %slice3A_226, %slice3A_226, %slice3A_226, %slice3A_226, %slice3A_226 in 1 : vector<256x64xf32>, vector<256x64xf32>, vector<256x64xf32>, vector<256x64xf32>, vector<256x64xf32>, vector<256x64xf32>, vector<256x64xf32>, vector<256x64xf32>, vector<256x64xf32>, vector<256x64xf32>, vector<256x64xf32>, vector<256x64xf32> -> vector<256x768xf32>
    %mul3A_228 = arith.mulf %convert_element_type3A_67, %concatenate3A_227 : vector<256x768xf32>
    %convert_element_type3A_229 = arith.truncf %mul3A_228 : vector<256x768xf32> to vector<256x768xbf16>
    %convert_element_type3A_230 = arith.extf %convert_element_type3A_229 : vector<256x768xbf16> to vector<256x768xf32>
    %sub3A_231 = arith.subf %mul3A_228, %convert_element_type3A_230 : vector<256x768xf32>
    %convert_element_type3A_232 = arith.truncf %sub3A_231 : vector<256x768xf32> to vector<256x768xbf16>
    %dot_general3A_233 = arith.constant dense<0.000000e+00> : vector<256x128xf32>
    %dot_general3A_234 = tpu.matmul %convert_element_type3A_229, %convert_element_type3A_87, %dot_general3A_233 {dimension_numbers = #tpu.dot_dimension_numbers<[1], [0], [0], [1], [0, 0, 1, 1], [], []>, transpose_lhs_hint = false} : vector<256x768xbf16>, vector<768x128xbf16>, vector<256x128xf32> -> vector<256x128xf32>
    %dot_general3A_235 = arith.constant dense<0.000000e+00> : vector<256x128xf32>
    %dot_general3A_236 = tpu.matmul %convert_element_type3A_232, %convert_element_type3A_87, %dot_general3A_235 {dimension_numbers = #tpu.dot_dimension_numbers<[1], [0], [0], [1], [0, 0, 1, 1], [], []>, transpose_lhs_hint = false} : vector<256x768xbf16>, vector<768x128xbf16>, vector<256x128xf32> -> vector<256x128xf32>
    %add3A_237 = arith.addf %dot_general3A_234, %dot_general3A_236 : vector<256x128xf32>
    %mul3A_238 = arith.constant 1.250000e-01 : f32
    %mul3A_239 = vector.broadcast %mul3A_238 : f32 to vector<256x128xf32>
    %mul3A_240 = arith.mulf %add3A_237, %mul3A_239 : vector<256x128xf32>
    %slice3A_241 = vector.extract_strided_slice %convert_element_type3A_83 {offsets = [0, 640], sizes = [256, 64], strides = [1, 1]} : vector<256x768xf32> to vector<256x64xf32>
    %concatenate3A_242 = tpu.concatenate %slice3A_241, %slice3A_241, %slice3A_241, %slice3A_241, %slice3A_241, %slice3A_241, %slice3A_241, %slice3A_241, %slice3A_241, %slice3A_241, %slice3A_241, %slice3A_241 in 1 : vector<256x64xf32>, vector<256x64xf32>, vector<256x64xf32>, vector<256x64xf32>, vector<256x64xf32>, vector<256x64xf32>, vector<256x64xf32>, vector<256x64xf32>, vector<256x64xf32>, vector<256x64xf32>, vector<256x64xf32>, vector<256x64xf32> -> vector<256x768xf32>
    %mul3A_243 = arith.mulf %convert_element_type3A_67, %concatenate3A_242 : vector<256x768xf32>
    %convert_element_type3A_244 = arith.truncf %mul3A_243 : vector<256x768xf32> to vector<256x768xbf16>
    %convert_element_type3A_245 = arith.extf %convert_element_type3A_244 : vector<256x768xbf16> to vector<256x768xf32>
    %sub3A_246 = arith.subf %mul3A_243, %convert_element_type3A_245 : vector<256x768xf32>
    %convert_element_type3A_247 = arith.truncf %sub3A_246 : vector<256x768xf32> to vector<256x768xbf16>
    %dot_general3A_248 = arith.constant dense<0.000000e+00> : vector<256x128xf32>
    %dot_general3A_249 = tpu.matmul %convert_element_type3A_244, %convert_element_type3A_87, %dot_general3A_248 {dimension_numbers = #tpu.dot_dimension_numbers<[1], [0], [0], [1], [0, 0, 1, 1], [], []>, transpose_lhs_hint = false} : vector<256x768xbf16>, vector<768x128xbf16>, vector<256x128xf32> -> vector<256x128xf32>
    %dot_general3A_250 = arith.constant dense<0.000000e+00> : vector<256x128xf32>
    %dot_general3A_251 = tpu.matmul %convert_element_type3A_247, %convert_element_type3A_87, %dot_general3A_250 {dimension_numbers = #tpu.dot_dimension_numbers<[1], [0], [0], [1], [0, 0, 1, 1], [], []>, transpose_lhs_hint = false} : vector<256x768xbf16>, vector<768x128xbf16>, vector<256x128xf32> -> vector<256x128xf32>
    %add3A_252 = arith.addf %dot_general3A_249, %dot_general3A_251 : vector<256x128xf32>
    %mul3A_253 = arith.constant 1.250000e-01 : f32
    %mul3A_254 = vector.broadcast %mul3A_253 : f32 to vector<256x128xf32>
    %mul3A_255 = arith.mulf %add3A_252, %mul3A_254 : vector<256x128xf32>
    %slice3A_256 = vector.extract_strided_slice %convert_element_type3A_83 {offsets = [0, 704], sizes = [256, 64], strides = [1, 1]} : vector<256x768xf32> to vector<256x64xf32>
    %concatenate3A_257 = tpu.concatenate %slice3A_256, %slice3A_256, %slice3A_256, %slice3A_256, %slice3A_256, %slice3A_256, %slice3A_256, %slice3A_256, %slice3A_256, %slice3A_256, %slice3A_256, %slice3A_256 in 1 : vector<256x64xf32>, vector<256x64xf32>, vector<256x64xf32>, vector<256x64xf32>, vector<256x64xf32>, vector<256x64xf32>, vector<256x64xf32>, vector<256x64xf32>, vector<256x64xf32>, vector<256x64xf32>, vector<256x64xf32>, vector<256x64xf32> -> vector<256x768xf32>
    %mul3A_258 = arith.mulf %convert_element_type3A_67, %concatenate3A_257 : vector<256x768xf32>
    %convert_element_type3A_259 = arith.truncf %mul3A_258 : vector<256x768xf32> to vector<256x768xbf16>
    %convert_element_type3A_260 = arith.extf %convert_element_type3A_259 : vector<256x768xbf16> to vector<256x768xf32>
    %sub3A_261 = arith.subf %mul3A_258, %convert_element_type3A_260 : vector<256x768xf32>
    %convert_element_type3A_262 = arith.truncf %sub3A_261 : vector<256x768xf32> to vector<256x768xbf16>
    %dot_general3A_263 = arith.constant dense<0.000000e+00> : vector<256x128xf32>
    %dot_general3A_264 = tpu.matmul %convert_element_type3A_259, %convert_element_type3A_87, %dot_general3A_263 {dimension_numbers = #tpu.dot_dimension_numbers<[1], [0], [0], [1], [0, 0, 1, 1], [], []>, transpose_lhs_hint = false} : vector<256x768xbf16>, vector<768x128xbf16>, vector<256x128xf32> -> vector<256x128xf32>
    %dot_general3A_265 = arith.constant dense<0.000000e+00> : vector<256x128xf32>
    %dot_general3A_266 = tpu.matmul %convert_element_type3A_262, %convert_element_type3A_87, %dot_general3A_265 {dimension_numbers = #tpu.dot_dimension_numbers<[1], [0], [0], [1], [0, 0, 1, 1], [], []>, transpose_lhs_hint = false} : vector<256x768xbf16>, vector<768x128xbf16>, vector<256x128xf32> -> vector<256x128xf32>
    %add3A_267 = arith.addf %dot_general3A_264, %dot_general3A_266 : vector<256x128xf32>
    %mul3A_268 = arith.constant 1.250000e-01 : f32
    %mul3A_269 = vector.broadcast %mul3A_268 : f32 to vector<256x128xf32>
    %mul3A_270 = arith.mulf %add3A_267, %mul3A_269 : vector<256x128xf32>
    %max3A = arith.maximumf %mul3A_105, %mul3A_120 : vector<256x128xf32>
    %max3A_271 = arith.maximumf %max3A, %mul3A_135 : vector<256x128xf32>
    %max3A_272 = arith.maximumf %max3A_271, %mul3A_150 : vector<256x128xf32>
    %max3A_273 = arith.maximumf %max3A_272, %mul3A_165 : vector<256x128xf32>
    %max3A_274 = arith.maximumf %max3A_273, %mul3A_180 : vector<256x128xf32>
    %max3A_275 = arith.maximumf %max3A_274, %mul3A_195 : vector<256x128xf32>
    %max3A_276 = arith.maximumf %max3A_275, %mul3A_210 : vector<256x128xf32>
    %max3A_277 = arith.maximumf %max3A_276, %mul3A_225 : vector<256x128xf32>
    %max3A_278 = arith.maximumf %max3A_277, %mul3A_240 : vector<256x128xf32>
    %max3A_279 = arith.maximumf %max3A_278, %mul3A_255 : vector<256x128xf32>
    %max3A_280 = arith.maximumf %max3A_279, %mul3A_270 : vector<256x128xf32>
    %sub3A_281 = arith.subf %mul3A_105, %max3A_280 : vector<256x128xf32>
    %exp3A = math.exp %sub3A_281 : vector<256x128xf32>
    %sub3A_282 = arith.subf %mul3A_120, %max3A_280 : vector<256x128xf32>
    %exp3A_283 = math.exp %sub3A_282 : vector<256x128xf32>
    %sub3A_284 = arith.subf %mul3A_135, %max3A_280 : vector<256x128xf32>
    %exp3A_285 = math.exp %sub3A_284 : vector<256x128xf32>
    %sub3A_286 = arith.subf %mul3A_150, %max3A_280 : vector<256x128xf32>
    %exp3A_287 = math.exp %sub3A_286 : vector<256x128xf32>
    %sub3A_288 = arith.subf %mul3A_165, %max3A_280 : vector<256x128xf32>
    %exp3A_289 = math.exp %sub3A_288 : vector<256x128xf32>
    %sub3A_290 = arith.subf %mul3A_180, %max3A_280 : vector<256x128xf32>
    %exp3A_291 = math.exp %sub3A_290 : vector<256x128xf32>
    %sub3A_292 = arith.subf %mul3A_195, %max3A_280 : vector<256x128xf32>
    %exp3A_293 = math.exp %sub3A_292 : vector<256x128xf32>
    %sub3A_294 = arith.subf %mul3A_210, %max3A_280 : vector<256x128xf32>
    %exp3A_295 = math.exp %sub3A_294 : vector<256x128xf32>
    %sub3A_296 = arith.subf %mul3A_225, %max3A_280 : vector<256x128xf32>
    %exp3A_297 = math.exp %sub3A_296 : vector<256x128xf32>
    %sub3A_298 = arith.subf %mul3A_240, %max3A_280 : vector<256x128xf32>
    %exp3A_299 = math.exp %sub3A_298 : vector<256x128xf32>
    %sub3A_300 = arith.subf %mul3A_255, %max3A_280 : vector<256x128xf32>
    %exp3A_301 = math.exp %sub3A_300 : vector<256x128xf32>
    %sub3A_302 = arith.subf %mul3A_270, %max3A_280 : vector<256x128xf32>
    %exp3A_303 = math.exp %sub3A_302 : vector<256x128xf32>
    %add3A_304 = arith.addf %exp3A, %exp3A_283 : vector<256x128xf32>
    %add3A_305 = arith.addf %add3A_304, %exp3A_285 : vector<256x128xf32>
    %add3A_306 = arith.addf %add3A_305, %exp3A_287 : vector<256x128xf32>
    %add3A_307 = arith.addf %add3A_306, %exp3A_289 : vector<256x128xf32>
    %add3A_308 = arith.addf %add3A_307, %exp3A_291 : vector<256x128xf32>
    %add3A_309 = arith.addf %add3A_308, %exp3A_293 : vector<256x128xf32>
    %add3A_310 = arith.addf %add3A_309, %exp3A_295 : vector<256x128xf32>
    %add3A_311 = arith.addf %add3A_310, %exp3A_297 : vector<256x128xf32>
    %add3A_312 = arith.addf %add3A_311, %exp3A_299 : vector<256x128xf32>
    %add3A_313 = arith.addf %add3A_312, %exp3A_301 : vector<256x128xf32>
    %add3A_314 = arith.addf %add3A_313, %exp3A_303 : vector<256x128xf32>
    %slice3A_315 = vector.extract_strided_slice %dot_general3A_30 {offsets = [0, 1536], sizes = [256, 64], strides = [1, 1]} : vector<256x2304xf32> to vector<256x64xf32>
    %convert_element_type3A_316 = arith.truncf %slice3A_315 : vector<256x64xf32> to vector<256x64xbf16>
    %convert_element_type3A_317 = arith.extf %convert_element_type3A_316 : vector<256x64xbf16> to vector<256x64xf32>
    %concatenate3A_318 = tpu.concatenate %convert_element_type3A_317, %convert_element_type3A_317, %convert_element_type3A_317, %convert_element_type3A_317, %convert_element_type3A_317, %convert_element_type3A_317, %convert_element_type3A_317, %convert_element_type3A_317, %convert_element_type3A_317, %convert_element_type3A_317, %convert_element_type3A_317, %convert_element_type3A_317 in 1 : vector<256x64xf32>, vector<256x64xf32>, vector<256x64xf32>, vector<256x64xf32>, vector<256x64xf32>, vector<256x64xf32>, vector<256x64xf32>, vector<256x64xf32>, vector<256x64xf32>, vector<256x64xf32>, vector<256x64xf32>, vector<256x64xf32> -> vector<256x768xf32>
    %div3A_319 = arith.divf %exp3A, %add3A_314 : vector<256x128xf32>
    %dot_general3A_320 = arith.constant dense<0.000000e+00> : vector<256x768xf32>
    %dot_general3A_321 = tpu.matmul %div3A_319, %get3A_90, %dot_general3A_320 {dimension_numbers = #tpu.dot_dimension_numbers<[1], [0], [0], [1], [0, 0, 1, 1], [], []>, transpose_lhs_hint = false} : vector<256x128xf32>, vector<128x768xf32>, vector<256x768xf32> -> vector<256x768xf32>
    %mul3A_322 = arith.mulf %dot_general3A_321, %concatenate3A_318 : vector<256x768xf32>
    %slice3A_323 = vector.extract_strided_slice %dot_general3A_30 {offsets = [0, 1600], sizes = [256, 64], strides = [1, 1]} : vector<256x2304xf32> to vector<256x64xf32>
    %convert_element_type3A_324 = arith.truncf %slice3A_323 : vector<256x64xf32> to vector<256x64xbf16>
    %convert_element_type3A_325 = arith.extf %convert_element_type3A_324 : vector<256x64xbf16> to vector<256x64xf32>
    %concatenate3A_326 = tpu.concatenate %convert_element_type3A_325, %convert_element_type3A_325, %convert_element_type3A_325, %convert_element_type3A_325, %convert_element_type3A_325, %convert_element_type3A_325, %convert_element_type3A_325, %convert_element_type3A_325, %convert_element_type3A_325, %convert_element_type3A_325, %convert_element_type3A_325, %convert_element_type3A_325 in 1 : vector<256x64xf32>, vector<256x64xf32>, vector<256x64xf32>, vector<256x64xf32>, vector<256x64xf32>, vector<256x64xf32>, vector<256x64xf32>, vector<256x64xf32>, vector<256x64xf32>, vector<256x64xf32>, vector<256x64xf32>, vector<256x64xf32> -> vector<256x768xf32>
    %div3A_327 = arith.divf %exp3A_283, %add3A_314 : vector<256x128xf32>
    %dot_general3A_328 = arith.constant dense<0.000000e+00> : vector<256x768xf32>
    %dot_general3A_329 = tpu.matmul %div3A_327, %get3A_90, %dot_general3A_328 {dimension_numbers = #tpu.dot_dimension_numbers<[1], [0], [0], [1], [0, 0, 1, 1], [], []>, transpose_lhs_hint = false} : vector<256x128xf32>, vector<128x768xf32>, vector<256x768xf32> -> vector<256x768xf32>
    %mul3A_330 = arith.mulf %dot_general3A_329, %concatenate3A_326 : vector<256x768xf32>
    %add3A_331 = arith.addf %mul3A_322, %mul3A_330 : vector<256x768xf32>
    %slice3A_332 = vector.extract_strided_slice %dot_general3A_30 {offsets = [0, 1664], sizes = [256, 64], strides = [1, 1]} : vector<256x2304xf32> to vector<256x64xf32>
    %convert_element_type3A_333 = arith.truncf %slice3A_332 : vector<256x64xf32> to vector<256x64xbf16>
    %convert_element_type3A_334 = arith.extf %convert_element_type3A_333 : vector<256x64xbf16> to vector<256x64xf32>
    %concatenate3A_335 = tpu.concatenate %convert_element_type3A_334, %convert_element_type3A_334, %convert_element_type3A_334, %convert_element_type3A_334, %convert_element_type3A_334, %convert_element_type3A_334, %convert_element_type3A_334, %convert_element_type3A_334, %convert_element_type3A_334, %convert_element_type3A_334, %convert_element_type3A_334, %convert_element_type3A_334 in 1 : vector<256x64xf32>, vector<256x64xf32>, vector<256x64xf32>, vector<256x64xf32>, vector<256x64xf32>, vector<256x64xf32>, vector<256x64xf32>, vector<256x64xf32>, vector<256x64xf32>, vector<256x64xf32>, vector<256x64xf32>, vector<256x64xf32> -> vector<256x768xf32>
    %div3A_336 = arith.divf %exp3A_285, %add3A_314 : vector<256x128xf32>
    %dot_general3A_337 = arith.constant dense<0.000000e+00> : vector<256x768xf32>
    %dot_general3A_338 = tpu.matmul %div3A_336, %get3A_90, %dot_general3A_337 {dimension_numbers = #tpu.dot_dimension_numbers<[1], [0], [0], [1], [0, 0, 1, 1], [], []>, transpose_lhs_hint = false} : vector<256x128xf32>, vector<128x768xf32>, vector<256x768xf32> -> vector<256x768xf32>
    %mul3A_339 = arith.mulf %dot_general3A_338, %concatenate3A_335 : vector<256x768xf32>
    %add3A_340 = arith.addf %add3A_331, %mul3A_339 : vector<256x768xf32>
    %slice3A_341 = vector.extract_strided_slice %dot_general3A_30 {offsets = [0, 1728], sizes = [256, 64], strides = [1, 1]} : vector<256x2304xf32> to vector<256x64xf32>
    %convert_element_type3A_342 = arith.truncf %slice3A_341 : vector<256x64xf32> to vector<256x64xbf16>
    %convert_element_type3A_343 = arith.extf %convert_element_type3A_342 : vector<256x64xbf16> to vector<256x64xf32>
    %concatenate3A_344 = tpu.concatenate %convert_element_type3A_343, %convert_element_type3A_343, %convert_element_type3A_343, %convert_element_type3A_343, %convert_element_type3A_343, %convert_element_type3A_343, %convert_element_type3A_343, %convert_element_type3A_343, %convert_element_type3A_343, %convert_element_type3A_343, %convert_element_type3A_343, %convert_element_type3A_343 in 1 : vector<256x64xf32>, vector<256x64xf32>, vector<256x64xf32>, vector<256x64xf32>, vector<256x64xf32>, vector<256x64xf32>, vector<256x64xf32>, vector<256x64xf32>, vector<256x64xf32>, vector<256x64xf32>, vector<256x64xf32>, vector<256x64xf32> -> vector<256x768xf32>
    %div3A_345 = arith.divf %exp3A_287, %add3A_314 : vector<256x128xf32>
    %dot_general3A_346 = arith.constant dense<0.000000e+00> : vector<256x768xf32>
    %dot_general3A_347 = tpu.matmul %div3A_345, %get3A_90, %dot_general3A_346 {dimension_numbers = #tpu.dot_dimension_numbers<[1], [0], [0], [1], [0, 0, 1, 1], [], []>, transpose_lhs_hint = false} : vector<256x128xf32>, vector<128x768xf32>, vector<256x768xf32> -> vector<256x768xf32>
    %mul3A_348 = arith.mulf %dot_general3A_347, %concatenate3A_344 : vector<256x768xf32>
    %add3A_349 = arith.addf %add3A_340, %mul3A_348 : vector<256x768xf32>
    %slice3A_350 = vector.extract_strided_slice %dot_general3A_30 {offsets = [0, 1792], sizes = [256, 64], strides = [1, 1]} : vector<256x2304xf32> to vector<256x64xf32>
    %convert_element_type3A_351 = arith.truncf %slice3A_350 : vector<256x64xf32> to vector<256x64xbf16>
    %convert_element_type3A_352 = arith.extf %convert_element_type3A_351 : vector<256x64xbf16> to vector<256x64xf32>
    %concatenate3A_353 = tpu.concatenate %convert_element_type3A_352, %convert_element_type3A_352, %convert_element_type3A_352, %convert_element_type3A_352, %convert_element_type3A_352, %convert_element_type3A_352, %convert_element_type3A_352, %convert_element_type3A_352, %convert_element_type3A_352, %convert_element_type3A_352, %convert_element_type3A_352, %convert_element_type3A_352 in 1 : vector<256x64xf32>, vector<256x64xf32>, vector<256x64xf32>, vector<256x64xf32>, vector<256x64xf32>, vector<256x64xf32>, vector<256x64xf32>, vector<256x64xf32>, vector<256x64xf32>, vector<256x64xf32>, vector<256x64xf32>, vector<256x64xf32> -> vector<256x768xf32>
    %div3A_354 = arith.divf %exp3A_289, %add3A_314 : vector<256x128xf32>
    %dot_general3A_355 = arith.constant dense<0.000000e+00> : vector<256x768xf32>
    %dot_general3A_356 = tpu.matmul %div3A_354, %get3A_90, %dot_general3A_355 {dimension_numbers = #tpu.dot_dimension_numbers<[1], [0], [0], [1], [0, 0, 1, 1], [], []>, transpose_lhs_hint = false} : vector<256x128xf32>, vector<128x768xf32>, vector<256x768xf32> -> vector<256x768xf32>
    %mul3A_357 = arith.mulf %dot_general3A_356, %concatenate3A_353 : vector<256x768xf32>
    %add3A_358 = arith.addf %add3A_349, %mul3A_357 : vector<256x768xf32>
    %slice3A_359 = vector.extract_strided_slice %dot_general3A_30 {offsets = [0, 1856], sizes = [256, 64], strides = [1, 1]} : vector<256x2304xf32> to vector<256x64xf32>
    %convert_element_type3A_360 = arith.truncf %slice3A_359 : vector<256x64xf32> to vector<256x64xbf16>
    %convert_element_type3A_361 = arith.extf %convert_element_type3A_360 : vector<256x64xbf16> to vector<256x64xf32>
    %concatenate3A_362 = tpu.concatenate %convert_element_type3A_361, %convert_element_type3A_361, %convert_element_type3A_361, %convert_element_type3A_361, %convert_element_type3A_361, %convert_element_type3A_361, %convert_element_type3A_361, %convert_element_type3A_361, %convert_element_type3A_361, %convert_element_type3A_361, %convert_element_type3A_361, %convert_element_type3A_361 in 1 : vector<256x64xf32>, vector<256x64xf32>, vector<256x64xf32>, vector<256x64xf32>, vector<256x64xf32>, vector<256x64xf32>, vector<256x64xf32>, vector<256x64xf32>, vector<256x64xf32>, vector<256x64xf32>, vector<256x64xf32>, vector<256x64xf32> -> vector<256x768xf32>
    %div3A_363 = arith.divf %exp3A_291, %add3A_314 : vector<256x128xf32>
    %dot_general3A_364 = arith.constant dense<0.000000e+00> : vector<256x768xf32>
    %dot_general3A_365 = tpu.matmul %div3A_363, %get3A_90, %dot_general3A_364 {dimension_numbers = #tpu.dot_dimension_numbers<[1], [0], [0], [1], [0, 0, 1, 1], [], []>, transpose_lhs_hint = false} : vector<256x128xf32>, vector<128x768xf32>, vector<256x768xf32> -> vector<256x768xf32>
    %mul3A_366 = arith.mulf %dot_general3A_365, %concatenate3A_362 : vector<256x768xf32>
    %add3A_367 = arith.addf %add3A_358, %mul3A_366 : vector<256x768xf32>
    %slice3A_368 = vector.extract_strided_slice %dot_general3A_30 {offsets = [0, 1920], sizes = [256, 64], strides = [1, 1]} : vector<256x2304xf32> to vector<256x64xf32>
    %convert_element_type3A_369 = arith.truncf %slice3A_368 : vector<256x64xf32> to vector<256x64xbf16>
    %convert_element_type3A_370 = arith.extf %convert_element_type3A_369 : vector<256x64xbf16> to vector<256x64xf32>
    %concatenate3A_371 = tpu.concatenate %convert_element_type3A_370, %convert_element_type3A_370, %convert_element_type3A_370, %convert_element_type3A_370, %convert_element_type3A_370, %convert_element_type3A_370, %convert_element_type3A_370, %convert_element_type3A_370, %convert_element_type3A_370, %convert_element_type3A_370, %convert_element_type3A_370, %convert_element_type3A_370 in 1 : vector<256x64xf32>, vector<256x64xf32>, vector<256x64xf32>, vector<256x64xf32>, vector<256x64xf32>, vector<256x64xf32>, vector<256x64xf32>, vector<256x64xf32>, vector<256x64xf32>, vector<256x64xf32>, vector<256x64xf32>, vector<256x64xf32> -> vector<256x768xf32>
    %div3A_372 = arith.divf %exp3A_293, %add3A_314 : vector<256x128xf32>
    %dot_general3A_373 = arith.constant dense<0.000000e+00> : vector<256x768xf32>
    %dot_general3A_374 = tpu.matmul %div3A_372, %get3A_90, %dot_general3A_373 {dimension_numbers = #tpu.dot_dimension_numbers<[1], [0], [0], [1], [0, 0, 1, 1], [], []>, transpose_lhs_hint = false} : vector<256x128xf32>, vector<128x768xf32>, vector<256x768xf32> -> vector<256x768xf32>
    %mul3A_375 = arith.mulf %dot_general3A_374, %concatenate3A_371 : vector<256x768xf32>
    %add3A_376 = arith.addf %add3A_367, %mul3A_375 : vector<256x768xf32>
    %slice3A_377 = vector.extract_strided_slice %dot_general3A_30 {offsets = [0, 1984], sizes = [256, 64], strides = [1, 1]} : vector<256x2304xf32> to vector<256x64xf32>
    %convert_element_type3A_378 = arith.truncf %slice3A_377 : vector<256x64xf32> to vector<256x64xbf16>
    %convert_element_type3A_379 = arith.extf %convert_element_type3A_378 : vector<256x64xbf16> to vector<256x64xf32>
    %concatenate3A_380 = tpu.concatenate %convert_element_type3A_379, %convert_element_type3A_379, %convert_element_type3A_379, %convert_element_type3A_379, %convert_element_type3A_379, %convert_element_type3A_379, %convert_element_type3A_379, %convert_element_type3A_379, %convert_element_type3A_379, %convert_element_type3A_379, %convert_element_type3A_379, %convert_element_type3A_379 in 1 : vector<256x64xf32>, vector<256x64xf32>, vector<256x64xf32>, vector<256x64xf32>, vector<256x64xf32>, vector<256x64xf32>, vector<256x64xf32>, vector<256x64xf32>, vector<256x64xf32>, vector<256x64xf32>, vector<256x64xf32>, vector<256x64xf32> -> vector<256x768xf32>
    %div3A_381 = arith.divf %exp3A_295, %add3A_314 : vector<256x128xf32>
    %dot_general3A_382 = arith.constant dense<0.000000e+00> : vector<256x768xf32>
    %dot_general3A_383 = tpu.matmul %div3A_381, %get3A_90, %dot_general3A_382 {dimension_numbers = #tpu.dot_dimension_numbers<[1], [0], [0], [1], [0, 0, 1, 1], [], []>, transpose_lhs_hint = false} : vector<256x128xf32>, vector<128x768xf32>, vector<256x768xf32> -> vector<256x768xf32>
    %mul3A_384 = arith.mulf %dot_general3A_383, %concatenate3A_380 : vector<256x768xf32>
    %add3A_385 = arith.addf %add3A_376, %mul3A_384 : vector<256x768xf32>
    %slice3A_386 = vector.extract_strided_slice %dot_general3A_30 {offsets = [0, 2048], sizes = [256, 64], strides = [1, 1]} : vector<256x2304xf32> to vector<256x64xf32>
    %convert_element_type3A_387 = arith.truncf %slice3A_386 : vector<256x64xf32> to vector<256x64xbf16>
    %convert_element_type3A_388 = arith.extf %convert_element_type3A_387 : vector<256x64xbf16> to vector<256x64xf32>
    %concatenate3A_389 = tpu.concatenate %convert_element_type3A_388, %convert_element_type3A_388, %convert_element_type3A_388, %convert_element_type3A_388, %convert_element_type3A_388, %convert_element_type3A_388, %convert_element_type3A_388, %convert_element_type3A_388, %convert_element_type3A_388, %convert_element_type3A_388, %convert_element_type3A_388, %convert_element_type3A_388 in 1 : vector<256x64xf32>, vector<256x64xf32>, vector<256x64xf32>, vector<256x64xf32>, vector<256x64xf32>, vector<256x64xf32>, vector<256x64xf32>, vector<256x64xf32>, vector<256x64xf32>, vector<256x64xf32>, vector<256x64xf32>, vector<256x64xf32> -> vector<256x768xf32>
    %div3A_390 = arith.divf %exp3A_297, %add3A_314 : vector<256x128xf32>
    %dot_general3A_391 = arith.constant dense<0.000000e+00> : vector<256x768xf32>
    %dot_general3A_392 = tpu.matmul %div3A_390, %get3A_90, %dot_general3A_391 {dimension_numbers = #tpu.dot_dimension_numbers<[1], [0], [0], [1], [0, 0, 1, 1], [], []>, transpose_lhs_hint = false} : vector<256x128xf32>, vector<128x768xf32>, vector<256x768xf32> -> vector<256x768xf32>
    %mul3A_393 = arith.mulf %dot_general3A_392, %concatenate3A_389 : vector<256x768xf32>
    %add3A_394 = arith.addf %add3A_385, %mul3A_393 : vector<256x768xf32>
    %slice3A_395 = vector.extract_strided_slice %dot_general3A_30 {offsets = [0, 2112], sizes = [256, 64], strides = [1, 1]} : vector<256x2304xf32> to vector<256x64xf32>
    %convert_element_type3A_396 = arith.truncf %slice3A_395 : vector<256x64xf32> to vector<256x64xbf16>
    %convert_element_type3A_397 = arith.extf %convert_element_type3A_396 : vector<256x64xbf16> to vector<256x64xf32>
    %concatenate3A_398 = tpu.concatenate %convert_element_type3A_397, %convert_element_type3A_397, %convert_element_type3A_397, %convert_element_type3A_397, %convert_element_type3A_397, %convert_element_type3A_397, %convert_element_type3A_397, %convert_element_type3A_397, %convert_element_type3A_397, %convert_element_type3A_397, %convert_element_type3A_397, %convert_element_type3A_397 in 1 : vector<256x64xf32>, vector<256x64xf32>, vector<256x64xf32>, vector<256x64xf32>, vector<256x64xf32>, vector<256x64xf32>, vector<256x64xf32>, vector<256x64xf32>, vector<256x64xf32>, vector<256x64xf32>, vector<256x64xf32>, vector<256x64xf32> -> vector<256x768xf32>
    %div3A_399 = arith.divf %exp3A_299, %add3A_314 : vector<256x128xf32>
    %dot_general3A_400 = arith.constant dense<0.000000e+00> : vector<256x768xf32>
    %dot_general3A_401 = tpu.matmul %div3A_399, %get3A_90, %dot_general3A_400 {dimension_numbers = #tpu.dot_dimension_numbers<[1], [0], [0], [1], [0, 0, 1, 1], [], []>, transpose_lhs_hint = false} : vector<256x128xf32>, vector<128x768xf32>, vector<256x768xf32> -> vector<256x768xf32>
    %mul3A_402 = arith.mulf %dot_general3A_401, %concatenate3A_398 : vector<256x768xf32>
    %add3A_403 = arith.addf %add3A_394, %mul3A_402 : vector<256x768xf32>
    %slice3A_404 = vector.extract_strided_slice %dot_general3A_30 {offsets = [0, 2176], sizes = [256, 64], strides = [1, 1]} : vector<256x2304xf32> to vector<256x64xf32>
    %convert_element_type3A_405 = arith.truncf %slice3A_404 : vector<256x64xf32> to vector<256x64xbf16>
    %convert_element_type3A_406 = arith.extf %convert_element_type3A_405 : vector<256x64xbf16> to vector<256x64xf32>
    %concatenate3A_407 = tpu.concatenate %convert_element_type3A_406, %convert_element_type3A_406, %convert_element_type3A_406, %convert_element_type3A_406, %convert_element_type3A_406, %convert_element_type3A_406, %convert_element_type3A_406, %convert_element_type3A_406, %convert_element_type3A_406, %convert_element_type3A_406, %convert_element_type3A_406, %convert_element_type3A_406 in 1 : vector<256x64xf32>, vector<256x64xf32>, vector<256x64xf32>, vector<256x64xf32>, vector<256x64xf32>, vector<256x64xf32>, vector<256x64xf32>, vector<256x64xf32>, vector<256x64xf32>, vector<256x64xf32>, vector<256x64xf32>, vector<256x64xf32> -> vector<256x768xf32>
    %div3A_408 = arith.divf %exp3A_301, %add3A_314 : vector<256x128xf32>
    %dot_general3A_409 = arith.constant dense<0.000000e+00> : vector<256x768xf32>
    %dot_general3A_410 = tpu.matmul %div3A_408, %get3A_90, %dot_general3A_409 {dimension_numbers = #tpu.dot_dimension_numbers<[1], [0], [0], [1], [0, 0, 1, 1], [], []>, transpose_lhs_hint = false} : vector<256x128xf32>, vector<128x768xf32>, vector<256x768xf32> -> vector<256x768xf32>
    %mul3A_411 = arith.mulf %dot_general3A_410, %concatenate3A_407 : vector<256x768xf32>
    %add3A_412 = arith.addf %add3A_403, %mul3A_411 : vector<256x768xf32>
    %slice3A_413 = vector.extract_strided_slice %dot_general3A_30 {offsets = [0, 2240], sizes = [256, 64], strides = [1, 1]} : vector<256x2304xf32> to vector<256x64xf32>
    %convert_element_type3A_414 = arith.truncf %slice3A_413 : vector<256x64xf32> to vector<256x64xbf16>
    %convert_element_type3A_415 = arith.extf %convert_element_type3A_414 : vector<256x64xbf16> to vector<256x64xf32>
    %concatenate3A_416 = tpu.concatenate %convert_element_type3A_415, %convert_element_type3A_415, %convert_element_type3A_415, %convert_element_type3A_415, %convert_element_type3A_415, %convert_element_type3A_415, %convert_element_type3A_415, %convert_element_type3A_415, %convert_element_type3A_415, %convert_element_type3A_415, %convert_element_type3A_415, %convert_element_type3A_415 in 1 : vector<256x64xf32>, vector<256x64xf32>, vector<256x64xf32>, vector<256x64xf32>, vector<256x64xf32>, vector<256x64xf32>, vector<256x64xf32>, vector<256x64xf32>, vector<256x64xf32>, vector<256x64xf32>, vector<256x64xf32>, vector<256x64xf32> -> vector<256x768xf32>
    %div3A_417 = arith.divf %exp3A_303, %add3A_314 : vector<256x128xf32>
    %dot_general3A_418 = arith.constant dense<0.000000e+00> : vector<256x768xf32>
    %dot_general3A_419 = tpu.matmul %div3A_417, %get3A_90, %dot_general3A_418 {dimension_numbers = #tpu.dot_dimension_numbers<[1], [0], [0], [1], [0, 0, 1, 1], [], []>, transpose_lhs_hint = false} : vector<256x128xf32>, vector<128x768xf32>, vector<256x768xf32> -> vector<256x768xf32>
    %mul3A_420 = arith.mulf %dot_general3A_419, %concatenate3A_416 : vector<256x768xf32>
    %add3A_421 = arith.addf %add3A_412, %mul3A_420 : vector<256x768xf32>
    %slice3A_422 = vector.extract_strided_slice %add3A_421 {offsets = [0, 0], sizes = [256, 64], strides = [1, 1]} : vector<256x768xf32> to vector<256x64xf32>
    %swap3A = arith.constant 0 : index
    %swap3A_423 = arith.constant 0 : index
    %swap3A_424 = arith.constant 0 : index
    %swap3A_425 = vector.load %arg9[%swap3A, %swap3A_423, %swap3A_424] : memref<12x256x64xf32, #tpu.memory_space<vmem>>, vector<1x256x64xf32>
    %swap3A_426 = vector.shape_cast %swap3A_425 : vector<1x256x64xf32> to vector<256x64xf32>
    %swap3A_427 = vector.shape_cast %slice3A_422 : vector<256x64xf32> to vector<1x256x64xf32>
    tpu.vector_store %arg9[%swap3A, %swap3A_423, %swap3A_424], %swap3A_427 {strides = array<i32>} : memref<12x256x64xf32, #tpu.memory_space<vmem>>, vector<1x256x64xf32>,
    %slice3A_428 = vector.extract_strided_slice %add3A_421 {offsets = [0, 64], sizes = [256, 64], strides = [1, 1]} : vector<256x768xf32> to vector<256x64xf32>
    %swap3A_429 = arith.constant 1 : index
    %swap3A_430 = arith.constant 0 : index
    %swap3A_431 = arith.constant 0 : index
    %swap3A_432 = vector.load %arg9[%swap3A_429, %swap3A_430, %swap3A_431] : memref<12x256x64xf32, #tpu.memory_space<vmem>>, vector<1x256x64xf32>
    %swap3A_433 = vector.shape_cast %swap3A_432 : vector<1x256x64xf32> to vector<256x64xf32>
    %swap3A_434 = vector.shape_cast %slice3A_428 : vector<256x64xf32> to vector<1x256x64xf32>
    tpu.vector_store %arg9[%swap3A_429, %swap3A_430, %swap3A_431], %swap3A_434 {strides = array<i32>} : memref<12x256x64xf32, #tpu.memory_space<vmem>>, vector<1x256x64xf32>,
    %slice3A_435 = vector.extract_strided_slice %add3A_421 {offsets = [0, 128], sizes = [256, 64], strides = [1, 1]} : vector<256x768xf32> to vector<256x64xf32>
    %swap3A_436 = arith.constant 2 : index
    %swap3A_437 = arith.constant 0 : index
    %swap3A_438 = arith.constant 0 : index
    %swap3A_439 = vector.load %arg9[%swap3A_436, %swap3A_437, %swap3A_438] : memref<12x256x64xf32, #tpu.memory_space<vmem>>, vector<1x256x64xf32>
    %swap3A_440 = vector.shape_cast %swap3A_439 : vector<1x256x64xf32> to vector<256x64xf32>
    %swap3A_441 = vector.shape_cast %slice3A_435 : vector<256x64xf32> to vector<1x256x64xf32>
    tpu.vector_store %arg9[%swap3A_436, %swap3A_437, %swap3A_438], %swap3A_441 {strides = array<i32>} : memref<12x256x64xf32, #tpu.memory_space<vmem>>, vector<1x256x64xf32>,
    %slice3A_442 = vector.extract_strided_slice %add3A_421 {offsets = [0, 192], sizes = [256, 64], strides = [1, 1]} : vector<256x768xf32> to vector<256x64xf32>
    %swap3A_443 = arith.constant 3 : index
    %swap3A_444 = arith.constant 0 : index
    %swap3A_445 = arith.constant 0 : index
    %swap3A_446 = vector.load %arg9[%swap3A_443, %swap3A_444, %swap3A_445] : memref<12x256x64xf32, #tpu.memory_space<vmem>>, vector<1x256x64xf32>
    %swap3A_447 = vector.shape_cast %swap3A_446 : vector<1x256x64xf32> to vector<256x64xf32>
    %swap3A_448 = vector.shape_cast %slice3A_442 : vector<256x64xf32> to vector<1x256x64xf32>
    tpu.vector_store %arg9[%swap3A_443, %swap3A_444, %swap3A_445], %swap3A_448 {strides = array<i32>} : memref<12x256x64xf32, #tpu.memory_space<vmem>>, vector<1x256x64xf32>,
    %slice3A_449 = vector.extract_strided_slice %add3A_421 {offsets = [0, 256], sizes = [256, 64], strides = [1, 1]} : vector<256x768xf32> to vector<256x64xf32>
    %swap3A_450 = arith.constant 4 : index
    %swap3A_451 = arith.constant 0 : index
    %swap3A_452 = arith.constant 0 : index
    %swap3A_453 = vector.load %arg9[%swap3A_450, %swap3A_451, %swap3A_452] : memref<12x256x64xf32, #tpu.memory_space<vmem>>, vector<1x256x64xf32>
    %swap3A_454 = vector.shape_cast %swap3A_453 : vector<1x256x64xf32> to vector<256x64xf32>
    %swap3A_455 = vector.shape_cast %slice3A_449 : vector<256x64xf32> to vector<1x256x64xf32>
    tpu.vector_store %arg9[%swap3A_450, %swap3A_451, %swap3A_452], %swap3A_455 {strides = array<i32>} : memref<12x256x64xf32, #tpu.memory_space<vmem>>, vector<1x256x64xf32>,
    %slice3A_456 = vector.extract_strided_slice %add3A_421 {offsets = [0, 320], sizes = [256, 64], strides = [1, 1]} : vector<256x768xf32> to vector<256x64xf32>
    %swap3A_457 = arith.constant 5 : index
    %swap3A_458 = arith.constant 0 : index
    %swap3A_459 = arith.constant 0 : index
    %swap3A_460 = vector.load %arg9[%swap3A_457, %swap3A_458, %swap3A_459] : memref<12x256x64xf32, #tpu.memory_space<vmem>>, vector<1x256x64xf32>
    %swap3A_461 = vector.shape_cast %swap3A_460 : vector<1x256x64xf32> to vector<256x64xf32>
    %swap3A_462 = vector.shape_cast %slice3A_456 : vector<256x64xf32> to vector<1x256x64xf32>
    tpu.vector_store %arg9[%swap3A_457, %swap3A_458, %swap3A_459], %swap3A_462 {strides = array<i32>} : memref<12x256x64xf32, #tpu.memory_space<vmem>>, vector<1x256x64xf32>,
    %slice3A_463 = vector.extract_strided_slice %add3A_421 {offsets = [0, 384], sizes = [256, 64], strides = [1, 1]} : vector<256x768xf32> to vector<256x64xf32>
    %swap3A_464 = arith.constant 6 : index
    %swap3A_465 = arith.constant 0 : index
    %swap3A_466 = arith.constant 0 : index
    %swap3A_467 = vector.load %arg9[%swap3A_464, %swap3A_465, %swap3A_466] : memref<12x256x64xf32, #tpu.memory_space<vmem>>, vector<1x256x64xf32>
    %swap3A_468 = vector.shape_cast %swap3A_467 : vector<1x256x64xf32> to vector<256x64xf32>
    %swap3A_469 = vector.shape_cast %slice3A_463 : vector<256x64xf32> to vector<1x256x64xf32>
    tpu.vector_store %arg9[%swap3A_464, %swap3A_465, %swap3A_466], %swap3A_469 {strides = array<i32>} : memref<12x256x64xf32, #tpu.memory_space<vmem>>, vector<1x256x64xf32>,
    %slice3A_470 = vector.extract_strided_slice %add3A_421 {offsets = [0, 448], sizes = [256, 64], strides = [1, 1]} : vector<256x768xf32> to vector<256x64xf32>
    %swap3A_471 = arith.constant 7 : index
    %swap3A_472 = arith.constant 0 : index
    %swap3A_473 = arith.constant 0 : index
    %swap3A_474 = vector.load %arg9[%swap3A_471, %swap3A_472, %swap3A_473] : memref<12x256x64xf32, #tpu.memory_space<vmem>>, vector<1x256x64xf32>
    %swap3A_475 = vector.shape_cast %swap3A_474 : vector<1x256x64xf32> to vector<256x64xf32>
    %swap3A_476 = vector.shape_cast %slice3A_470 : vector<256x64xf32> to vector<1x256x64xf32>
    tpu.vector_store %arg9[%swap3A_471, %swap3A_472, %swap3A_473], %swap3A_476 {strides = array<i32>} : memref<12x256x64xf32, #tpu.memory_space<vmem>>, vector<1x256x64xf32>,
    %slice3A_477 = vector.extract_strided_slice %add3A_421 {offsets = [0, 512], sizes = [256, 64], strides = [1, 1]} : vector<256x768xf32> to vector<256x64xf32>
    %swap3A_478 = arith.constant 8 : index
    %swap3A_479 = arith.constant 0 : index
    %swap3A_480 = arith.constant 0 : index
    %swap3A_481 = vector.load %arg9[%swap3A_478, %swap3A_479, %swap3A_480] : memref<12x256x64xf32, #tpu.memory_space<vmem>>, vector<1x256x64xf32>
    %swap3A_482 = vector.shape_cast %swap3A_481 : vector<1x256x64xf32> to vector<256x64xf32>
    %swap3A_483 = vector.shape_cast %slice3A_477 : vector<256x64xf32> to vector<1x256x64xf32>
    tpu.vector_store %arg9[%swap3A_478, %swap3A_479, %swap3A_480], %swap3A_483 {strides = array<i32>} : memref<12x256x64xf32, #tpu.memory_space<vmem>>, vector<1x256x64xf32>,
    %slice3A_484 = vector.extract_strided_slice %add3A_421 {offsets = [0, 576], sizes = [256, 64], strides = [1, 1]} : vector<256x768xf32> to vector<256x64xf32>
    %swap3A_485 = arith.constant 9 : index
    %swap3A_486 = arith.constant 0 : index
    %swap3A_487 = arith.constant 0 : index
    %swap3A_488 = vector.load %arg9[%swap3A_485, %swap3A_486, %swap3A_487] : memref<12x256x64xf32, #tpu.memory_space<vmem>>, vector<1x256x64xf32>
    %swap3A_489 = vector.shape_cast %swap3A_488 : vector<1x256x64xf32> to vector<256x64xf32>
    %swap3A_490 = vector.shape_cast %slice3A_484 : vector<256x64xf32> to vector<1x256x64xf32>
    tpu.vector_store %arg9[%swap3A_485, %swap3A_486, %swap3A_487], %swap3A_490 {strides = array<i32>} : memref<12x256x64xf32, #tpu.memory_space<vmem>>, vector<1x256x64xf32>,
    %slice3A_491 = vector.extract_strided_slice %add3A_421 {offsets = [0, 640], sizes = [256, 64], strides = [1, 1]} : vector<256x768xf32> to vector<256x64xf32>
    %swap3A_492 = arith.constant 10 : index
    %swap3A_493 = arith.constant 0 : index
    %swap3A_494 = arith.constant 0 : index
    %swap3A_495 = vector.load %arg9[%swap3A_492, %swap3A_493, %swap3A_494] : memref<12x256x64xf32, #tpu.memory_space<vmem>>, vector<1x256x64xf32>
    %swap3A_496 = vector.shape_cast %swap3A_495 : vector<1x256x64xf32> to vector<256x64xf32>
    %swap3A_497 = vector.shape_cast %slice3A_491 : vector<256x64xf32> to vector<1x256x64xf32>
    tpu.vector_store %arg9[%swap3A_492, %swap3A_493, %swap3A_494], %swap3A_497 {strides = array<i32>} : memref<12x256x64xf32, #tpu.memory_space<vmem>>, vector<1x256x64xf32>,
    %slice3A_498 = vector.extract_strided_slice %add3A_421 {offsets = [0, 704], sizes = [256, 64], strides = [1, 1]} : vector<256x768xf32> to vector<256x64xf32>
    %swap3A_499 = arith.constant 11 : index
    %swap3A_500 = arith.constant 0 : index
    %swap3A_501 = arith.constant 0 : index
    %swap3A_502 = vector.load %arg9[%swap3A_499, %swap3A_500, %swap3A_501] : memref<12x256x64xf32, #tpu.memory_space<vmem>>, vector<1x256x64xf32>
    %swap3A_503 = vector.shape_cast %swap3A_502 : vector<1x256x64xf32> to vector<256x64xf32>
    %swap3A_504 = vector.shape_cast %slice3A_498 : vector<256x64xf32> to vector<1x256x64xf32>
    tpu.vector_store %arg9[%swap3A_499, %swap3A_500, %swap3A_501], %swap3A_504 {strides = array<i32>} : memref<12x256x64xf32, #tpu.memory_space<vmem>>, vector<1x256x64xf32>,
    return
  }
  func.func @transform_0(%arg0: i32) -> (i32, i32) {
    %c0_i32 = arith.constant 0 : i32
    %c0_i32_0 = arith.constant 0 : i32
    return %arg0, %c0_i32 : i32, i32
  }
  func.func @transform_1(%arg0: i32) -> (i32, i32) {
    %c0_i32 = arith.constant 0 : i32
    %c0_i32_0 = arith.constant 0 : i32
    %c0_i32_1 = arith.constant 0 : i32
    return %c0_i32, %c0_i32_0 : i32, i32
  }
  func.func @transform_2(%arg0: i32) -> (i32, i32) {
    %c0_i32 = arith.constant 0 : i32
    %c0_i32_0 = arith.constant 0 : i32
    %c0_i32_1 = arith.constant 0 : i32
    return %c0_i32, %c0_i32_0 : i32, i32
  }
  func.func @transform_3(%arg0: i32) -> (i32, i32) {
    %c0_i32 = arith.constant 0 : i32
    %c0_i32_0 = arith.constant 0 : i32
    %c0_i32_1 = arith.constant 0 : i32
    return %c0_i32, %c0_i32_0 : i32, i32
  }
  func.func @transform_4(%arg0: i32) -> (i32, i32) {
    %c0_i32 = arith.constant 0 : i32
    %c0_i32_0 = arith.constant 0 : i32
    return %arg0, %c0_i32 : i32, i32
  }
  func.func @transform_5(%arg0: i32) -> (i32, i32) {
    %c0_i32 = arith.constant 0 : i32
    %c0_i32_0 = arith.constant 0 : i32
    return %arg0, %c0_i32 : i32, i32
  }
  func.func @transform_6(%arg0: i32) -> (i32, i32) {
    %c0_i32 = arith.constant 0 : i32
    %c0_i32_0 = arith.constant 0 : i32
    %c0_i32_1 = arith.constant 0 : i32
    return %c0_i32, %c0_i32_0 : i32, i32
  }
  func.func @transform_7(%arg0: i32) -> (i32, i32) {
    %c0_i32 = arith.constant 0 : i32
    %c0_i32_0 = arith.constant 0 : i32
    %c0_i32_1 = arith.constant 0 : i32
    return %c0_i32, %c0_i32_0 : i32, i32
  }
  func.func @transform_8(%arg0: i32) -> (i32, i32, i32) {
    %c0_i32 = arith.constant 0 : i32
    %c0_i32_0 = arith.constant 0 : i32
    %c0_i32_1 = arith.constant 0 : i32
    return %c0_i32, %arg0, %c0_i32_0 : i32, i32, i32
  }
}

module attributes {stable_mosaic.version = 14 : i64} {
  func.func @_mid_body(%arg0: i32, %arg1: memref<256x768xf32, #tpu.memory_space<vmem>>, %arg2: memref<256x768xf32, #tpu.memory_space<vmem>>, %arg3: memref<768x768xf32, #tpu.memory_space<vmem>>, %arg4: memref<1x768xf32, #tpu.memory_space<vmem>>, %arg5: memref<1x768xf32, #tpu.memory_space<vmem>>, %arg6: memref<768x128xf32, #tpu.memory_space<vmem>>, %arg7: memref<1x128xf32, #tpu.memory_space<vmem>>, %arg8: memref<256x768xf32, #tpu.memory_space<vmem>>, %arg9: memref<256x768xf32, #tpu.memory_space<vmem>>, %arg10: memref<256x8xf32, #tpu.memory_space<vmem>>, %arg11: memref<2048x1xi32, #tpu.memory_space<vmem>>, %arg12: memref<2048x1xi32, #tpu.memory_space<vmem>>, %arg13: memref<1x32xi32, #tpu.memory_space<vmem>>, %arg14: memref<1x1xi32, #tpu.memory_space<vmem>>, %arg15: memref<1x1xf32, #tpu.memory_space<vmem>>, %arg16: memref<2048x1xi32, #tpu.memory_space<vmem>>, %arg17: memref<2048x1xi32, #tpu.memory_space<vmem>>, %arg18: memref<1x128xf32, #tpu.memory_space<vmem>>) attributes {dimension_semantics = [#tpu.dimension_semantics<arbitrary>], iteration_bounds = array<i64: 8>, scalar_prefetch = 0 : i64, scratch_operands = 3 : i64, tpu.core_type = #tpu.core_type<tc>, window_params = [{transform_indices = @transform_0, window_bounds = array<i64: 256, 768>}, {transform_indices = @transform_1, window_bounds = array<i64: 256, 768>}, {pipeline_mode = #tpu.pipeline_mode<synchronous>, transform_indices = @transform_2, window_bounds = array<i64: 768, 768>}, {pipeline_mode = #tpu.pipeline_mode<synchronous>, transform_indices = @transform_3, window_bounds = array<i64: 1, 768>}, {pipeline_mode = #tpu.pipeline_mode<synchronous>, transform_indices = @transform_4, window_bounds = array<i64: 1, 768>}, {pipeline_mode = #tpu.pipeline_mode<synchronous>, transform_indices = @transform_5, window_bounds = array<i64: 768, 128>}, {pipeline_mode = #tpu.pipeline_mode<synchronous>, transform_indices = @transform_6, window_bounds = array<i64: 1, 128>}, {transform_indices = @transform_7, window_bounds = array<i64: 256, 768>}, {transform_indices = @transform_8, window_bounds = array<i64: 256, 768>}, {transform_indices = @transform_9, window_bounds = array<i64: 256, 8>}, {pipeline_mode = #tpu.pipeline_mode<synchronous>, transform_indices = @transform_10, window_bounds = array<i64: 2048, 1>}, {pipeline_mode = #tpu.pipeline_mode<synchronous>, transform_indices = @transform_11, window_bounds = array<i64: 2048, 1>}, {pipeline_mode = #tpu.pipeline_mode<synchronous>, transform_indices = @transform_12, window_bounds = array<i64: 1, 32>}, {pipeline_mode = #tpu.pipeline_mode<synchronous>, transform_indices = @transform_13, window_bounds = array<i64: 1, 1>}, {pipeline_mode = #tpu.pipeline_mode<synchronous>, transform_indices = @transform_14, window_bounds = array<i64: 1, 1>}]} {
    %get3A = arith.constant 0 : index
    %get3A_0 = arith.constant 0 : index
    %get3A_1 = vector.load %arg1[%get3A, %get3A_0] : memref<256x768xf32, #tpu.memory_space<vmem>>, vector<256x768xf32>
    %get3A_2 = arith.constant 0 : index
    %get3A_3 = arith.constant 0 : index
    %get3A_4 = vector.load %arg2[%get3A_2, %get3A_3] : memref<256x768xf32, #tpu.memory_space<vmem>>, vector<256x768xf32>
    %convert_element_type3A = arith.truncf %get3A_4 : vector<256x768xf32> to vector<256x768xbf16>
    %get3A_5 = arith.constant 0 : index
    %get3A_6 = arith.constant 0 : index
    %get3A_7 = vector.load %arg3[%get3A_5, %get3A_6] : memref<768x768xf32, #tpu.memory_space<vmem>>, vector<768x768xf32>
    %convert_element_type3A_8 = arith.truncf %get3A_7 : vector<768x768xf32> to vector<768x768xbf16>
    %dot_general3A = arith.constant dense<0.000000e+00> : vector<256x768xf32>
    %dot_general3A_9 = tpu.matmul %convert_element_type3A, %convert_element_type3A_8, %dot_general3A {dimension_numbers = #tpu.dot_dimension_numbers<[1], [0], [0], [1], [0, 0, 1, 1], [], []>, transpose_lhs_hint = false} : vector<256x768xbf16>, vector<768x768xbf16>, vector<256x768xf32> -> vector<256x768xf32>
    %add3A = arith.addf %get3A_1, %dot_general3A_9 : vector<256x768xf32>
    %swap3A = arith.constant 0 : index
    %swap3A_10 = arith.constant 0 : index
    %swap3A_11 = vector.load %arg8[%swap3A, %swap3A_10] : memref<256x768xf32, #tpu.memory_space<vmem>>, vector<256x768xf32>
    tpu.vector_store %arg8[%swap3A, %swap3A_10], %add3A {strides = array<i32>} : memref<256x768xf32, #tpu.memory_space<vmem>>, vector<256x768xf32>,
    %reduce_sum3A = arith.constant dense<0.000000e+00> : vector<256xf32>
    %reduce_sum3A_12 = vector.multi_reduction <add>, %add3A, %reduce_sum3A [1] : vector<256x768xf32> to vector<256xf32>
    %broadcast_in_dim3A = vector.shape_cast %reduce_sum3A_12 : vector<256xf32> to vector<256x1xf32>
    %div3A = arith.constant 7.680000e+02 : f32
    %div3A_13 = vector.broadcast %div3A : f32 to vector<256x1xf32>
    %div3A_14 = arith.divf %broadcast_in_dim3A, %div3A_13 : vector<256x1xf32>
    %sub3A = vector.broadcast %div3A_14 : vector<256x1xf32> to vector<256x768xf32>
    %sub3A_15 = arith.subf %add3A, %sub3A : vector<256x768xf32>
    %mul3A = arith.mulf %sub3A_15, %sub3A_15 : vector<256x768xf32>
    %reduce_sum3A_16 = arith.constant dense<0.000000e+00> : vector<256xf32>
    %reduce_sum3A_17 = vector.multi_reduction <add>, %mul3A, %reduce_sum3A_16 [1] : vector<256x768xf32> to vector<256xf32>
    %broadcast_in_dim3A_18 = vector.shape_cast %reduce_sum3A_17 : vector<256xf32> to vector<256x1xf32>
    %div3A_19 = arith.constant 7.680000e+02 : f32
    %div3A_20 = vector.broadcast %div3A_19 : f32 to vector<256x1xf32>
    %div3A_21 = arith.divf %broadcast_in_dim3A_18, %div3A_20 : vector<256x1xf32>
    %add3A_22 = arith.constant 9.99999974E-6 : f32
    %add3A_23 = vector.broadcast %add3A_22 : f32 to vector<256x1xf32>
    %add3A_24 = arith.addf %div3A_21, %add3A_23 : vector<256x1xf32>
    %rsqrt3A = math.rsqrt %add3A_24 : vector<256x1xf32>
    %mul3A_25 = vector.broadcast %rsqrt3A : vector<256x1xf32> to vector<256x768xf32>
    %mul3A_26 = arith.mulf %sub3A_15, %mul3A_25 : vector<256x768xf32>
    %get3A_27 = arith.constant 0 : index
    %get3A_28 = arith.constant 0 : index
    %get3A_29 = vector.load %arg4[%get3A_27, %get3A_28] : memref<1x768xf32, #tpu.memory_space<vmem>>, vector<1x768xf32>
    %mul3A_30 = vector.broadcast %get3A_29 : vector<1x768xf32> to vector<256x768xf32>
    %mul3A_31 = arith.mulf %mul3A_26, %mul3A_30 : vector<256x768xf32>
    %get3A_32 = arith.constant 0 : index
    %get3A_33 = arith.constant 0 : index
    %get3A_34 = vector.load %arg5[%get3A_32, %get3A_33] : memref<1x768xf32, #tpu.memory_space<vmem>>, vector<1x768xf32>
    %add3A_35 = vector.broadcast %get3A_34 : vector<1x768xf32> to vector<256x768xf32>
    %add3A_36 = arith.addf %mul3A_31, %add3A_35 : vector<256x768xf32>
    %swap3A_37 = arith.constant 0 : index
    %swap3A_38 = arith.constant 0 : index
    %swap3A_39 = vector.load %arg9[%swap3A_37, %swap3A_38] : memref<256x768xf32, #tpu.memory_space<vmem>>, vector<256x768xf32>
    tpu.vector_store %arg9[%swap3A_37, %swap3A_38], %add3A_36 {strides = array<i32>} : memref<256x768xf32, #tpu.memory_space<vmem>>, vector<256x768xf32>,
    %convert_element_type3A_40 = arith.truncf %add3A_36 : vector<256x768xf32> to vector<256x768xbf16>
    %get3A_41 = arith.constant 0 : index
    %get3A_42 = arith.constant 0 : index
    %get3A_43 = vector.load %arg6[%get3A_41, %get3A_42] : memref<768x128xf32, #tpu.memory_space<vmem>>, vector<768x128xf32>
    %convert_element_type3A_44 = arith.truncf %get3A_43 : vector<768x128xf32> to vector<768x128xbf16>
    %dot_general3A_45 = arith.constant dense<0.000000e+00> : vector<256x128xf32>
    %dot_general3A_46 = tpu.matmul %convert_element_type3A_40, %convert_element_type3A_44, %dot_general3A_45 {dimension_numbers = #tpu.dot_dimension_numbers<[1], [0], [0], [1], [0, 0, 1, 1], [], []>, transpose_lhs_hint = false} : vector<256x768xbf16>, vector<768x128xbf16>, vector<256x128xf32> -> vector<256x128xf32>
    %get3A_47 = arith.constant 0 : index
    %get3A_48 = arith.constant 0 : index
    %get3A_49 = vector.load %arg7[%get3A_47, %get3A_48] : memref<1x128xf32, #tpu.memory_space<vmem>>, vector<1x128xf32>
    %add3A_50 = vector.broadcast %get3A_49 : vector<1x128xf32> to vector<256x128xf32>
    %add3A_51 = arith.addf %dot_general3A_46, %add3A_50 : vector<256x128xf32>
    %iota3A = tpu.iota {dimensions = array<i32: 1>} : vector<256x128xi32>
    %reduce_max3A = arith.constant dense<0xFF800000> : vector<256xf32>
    %reduce_max3A_52 = vector.multi_reduction <maximumf>, %add3A_51, %reduce_max3A [1] : vector<256x128xf32> to vector<256xf32>
    %broadcast_in_dim3A_53 = vector.shape_cast %reduce_max3A_52 : vector<256xf32> to vector<256x1xf32>
    %eq3A = vector.broadcast %broadcast_in_dim3A_53 : vector<256x1xf32> to vector<256x128xf32>
    %eq3A_54 = arith.cmpf oeq, %add3A_51, %eq3A : vector<256x128xf32>
    %jit3A = arith.constant 1000000000 : i32
    %broadcast_in_dim3A_55 = vector.broadcast %jit3A : i32 to vector<256x128xi32>
    %select_n3A = arith.select %eq3A_54, %iota3A, %broadcast_in_dim3A_55 : vector<256x128xi1>, vector<256x128xi32>
    %reduce_min3A = arith.constant dense<2147483647> : vector<256xi32>
    %reduce_min3A_56 = vector.multi_reduction <minsi>, %select_n3A, %reduce_min3A [1] : vector<256x128xi32> to vector<256xi32>
    %broadcast_in_dim3A_57 = vector.shape_cast %reduce_min3A_56 : vector<256xi32> to vector<256x1xi32>
    %eq3A_58 = vector.broadcast %broadcast_in_dim3A_57 : vector<256x1xi32> to vector<256x128xi32>
    %eq3A_59 = arith.cmpi eq, %iota3A, %eq3A_58 : vector<256x128xi32>
    %jit3A_60 = arith.constant -1.000000e+30 : f32
    %broadcast_in_dim3A_61 = vector.broadcast %jit3A_60 : f32 to vector<256x128xf32>
    %select_n3A_62 = arith.select %eq3A_59, %broadcast_in_dim3A_61, %add3A_51 : vector<256x128xi1>, vector<256x128xf32>
    %reduce_max3A_63 = arith.constant dense<0xFF800000> : vector<256xf32>
    %reduce_max3A_64 = vector.multi_reduction <maximumf>, %select_n3A_62, %reduce_max3A_63 [1] : vector<256x128xf32> to vector<256xf32>
    %broadcast_in_dim3A_65 = vector.shape_cast %reduce_max3A_64 : vector<256xf32> to vector<256x1xf32>
    %eq3A_66 = vector.broadcast %broadcast_in_dim3A_65 : vector<256x1xf32> to vector<256x128xf32>
    %eq3A_67 = arith.cmpf oeq, %select_n3A_62, %eq3A_66 : vector<256x128xf32>
    %jit3A_68 = arith.constant 1000000000 : i32
    %broadcast_in_dim3A_69 = vector.broadcast %jit3A_68 : i32 to vector<256x128xi32>
    %select_n3A_70 = arith.select %eq3A_67, %iota3A, %broadcast_in_dim3A_69 : vector<256x128xi1>, vector<256x128xi32>
    %reduce_min3A_71 = arith.constant dense<2147483647> : vector<256xi32>
    %reduce_min3A_72 = vector.multi_reduction <minsi>, %select_n3A_70, %reduce_min3A_71 [1] : vector<256x128xi32> to vector<256xi32>
    %broadcast_in_dim3A_73 = vector.shape_cast %reduce_min3A_72 : vector<256xi32> to vector<256x1xi32>
    %sub3A_74 = arith.subf %broadcast_in_dim3A_65, %broadcast_in_dim3A_53 : vector<256x1xf32>
    %exp3A = math.exp %sub3A_74 : vector<256x1xf32>
    %add3A_75 = arith.constant 1.000000e+00 : f32
    %add3A_76 = vector.broadcast %add3A_75 : f32 to vector<256x1xf32>
    %add3A_77 = arith.addf %add3A_76, %exp3A : vector<256x1xf32>
    %div3A_78 = arith.constant 1.000000e+00 : f32
    %div3A_79 = vector.broadcast %div3A_78 : f32 to vector<256x1xf32>
    %div3A_80 = arith.divf %div3A_79, %add3A_77 : vector<256x1xf32>
    %div3A_81 = arith.divf %exp3A, %add3A_77 : vector<256x1xf32>
    %broadcast_in_dim3A_82 = arith.constant 0.000000e+00 : f32
    %broadcast_in_dim3A_83 = vector.broadcast %broadcast_in_dim3A_82 : f32 to vector<256x1xf32>
    %concatenate3A = tpu.concatenate %div3A_80, %div3A_81, %broadcast_in_dim3A_83, %broadcast_in_dim3A_83, %broadcast_in_dim3A_83, %broadcast_in_dim3A_83, %broadcast_in_dim3A_83, %broadcast_in_dim3A_83 in 1 : vector<256x1xf32>, vector<256x1xf32>, vector<256x1xf32>, vector<256x1xf32>, vector<256x1xf32>, vector<256x1xf32>, vector<256x1xf32>, vector<256x1xf32> -> vector<256x8xf32>
    %swap3A_84 = arith.constant 0 : index
    %swap3A_85 = arith.constant 0 : index
    %swap3A_86 = vector.load %arg10[%swap3A_84, %swap3A_85] : memref<256x8xf32, #tpu.memory_space<vmem>>, vector<256x8xf32>
    tpu.vector_store %arg10[%swap3A_84, %swap3A_85], %concatenate3A {strides = array<i32>} : memref<256x8xf32, #tpu.memory_space<vmem>>, vector<256x8xf32>,
    %mul3A_87 = arith.constant 256 : i32
    %mul3A_88 = arith.muli %arg0, %mul3A_87 : i32
    %swap3A_89 = arith.index_cast %mul3A_88 : i32 to index
    %swap3A_90 = arith.constant 0 : index
    %swap3A_91 = vector.load %arg16[%swap3A_89, %swap3A_90] : memref<2048x1xi32, #tpu.memory_space<vmem>>, vector<256x1xi32>
    tpu.vector_store %arg16[%swap3A_89, %swap3A_90], %broadcast_in_dim3A_57 {strides = array<i32>} : memref<2048x1xi32, #tpu.memory_space<vmem>>, vector<256x1xi32>,
    %mul3A_92 = arith.constant 256 : i32
    %mul3A_93 = arith.muli %arg0, %mul3A_92 : i32
    %swap3A_94 = arith.index_cast %mul3A_93 : i32 to index
    %swap3A_95 = arith.constant 0 : index
    %swap3A_96 = vector.load %arg17[%swap3A_94, %swap3A_95] : memref<2048x1xi32, #tpu.memory_space<vmem>>, vector<256x1xi32>
    tpu.vector_store %arg17[%swap3A_94, %swap3A_95], %broadcast_in_dim3A_73 {strides = array<i32>} : memref<2048x1xi32, #tpu.memory_space<vmem>>, vector<256x1xi32>,
    %sub3A_97 = vector.broadcast %broadcast_in_dim3A_53 : vector<256x1xf32> to vector<256x128xf32>
    %sub3A_98 = arith.subf %add3A_51, %sub3A_97 : vector<256x128xf32>
    %exp3A_99 = math.exp %sub3A_98 : vector<256x128xf32>
    %reduce_sum3A_100 = arith.constant dense<0.000000e+00> : vector<256xf32>
    %reduce_sum3A_101 = vector.multi_reduction <add>, %exp3A_99, %reduce_sum3A_100 [1] : vector<256x128xf32> to vector<256xf32>
    %broadcast_in_dim3A_102 = vector.shape_cast %reduce_sum3A_101 : vector<256xf32> to vector<256x1xf32>
    %div3A_103 = vector.broadcast %broadcast_in_dim3A_102 : vector<256x1xf32> to vector<256x128xf32>
    %div3A_104 = arith.divf %exp3A_99, %div3A_103 : vector<256x128xf32>
    %reduce_sum3A_105 = arith.constant dense<0.000000e+00> : vector<128xf32>
    %reduce_sum3A_106 = vector.multi_reduction <add>, %div3A_104, %reduce_sum3A_105 [0] : vector<256x128xf32> to vector<128xf32>
    %broadcast_in_dim3A_107 = vector.shape_cast %reduce_sum3A_106 : vector<128xf32> to vector<1x128xf32>
    %eq3A_108 = arith.constant 0 : i32
    %eq3A_109 = arith.cmpi eq, %arg0, %eq3A_108 : i32
    %convert_element_type3A_110 = arith.extui %eq3A_109 : i1 to i32
    %cond3A = arith.constant 0 : i32
    %cond3A_111 = arith.cmpi ne, %convert_element_type3A_110, %cond3A : i32
    scf.if %cond3A_111 {
      %swap3A_121 = arith.constant 0 : index
      %swap3A_122 = arith.constant 0 : index
      %swap3A_123 = vector.load %arg18[%swap3A_121, %swap3A_122] : memref<1x128xf32, #tpu.memory_space<vmem>>, vector<1x128xf32>
      tpu.vector_store %arg18[%swap3A_121, %swap3A_122], %broadcast_in_dim3A_107 {strides = array<i32>} : memref<1x128xf32, #tpu.memory_space<vmem>>, vector<1x128xf32>,
    } else {
    }
    %gt3A = arith.constant 0 : i32
    %gt3A_112 = arith.cmpi sgt, %arg0, %gt3A : i32
    %convert_element_type3A_113 = arith.extui %gt3A_112 : i1 to i32
    %cond3A_114 = arith.constant 0 : i32
    %cond3A_115 = arith.cmpi ne, %convert_element_type3A_113, %cond3A_114 : i32
    scf.if %cond3A_115 {
      %get3A_121 = arith.constant 0 : index
      %get3A_122 = arith.constant 0 : index
      %get3A_123 = vector.load %arg18[%get3A_121, %get3A_122] : memref<1x128xf32, #tpu.memory_space<vmem>>, vector<1x128xf32>
      %add3A_124 = arith.addf %get3A_123, %broadcast_in_dim3A_107 : vector<1x128xf32>
      %swap3A_125 = arith.constant 0 : index
      %swap3A_126 = arith.constant 0 : index
      %swap3A_127 = vector.load %arg18[%swap3A_125, %swap3A_126] : memref<1x128xf32, #tpu.memory_space<vmem>>, vector<1x128xf32>
      tpu.vector_store %arg18[%swap3A_125, %swap3A_126], %add3A_124 {strides = array<i32>} : memref<1x128xf32, #tpu.memory_space<vmem>>, vector<1x128xf32>,
    } else {
    }
    %eq3A_116 = arith.constant 7 : i32
    %eq3A_117 = arith.cmpi eq, %arg0, %eq3A_116 : i32
    %convert_element_type3A_118 = arith.extui %eq3A_117 : i1 to i32
    %cond3A_119 = arith.constant 0 : i32
    %cond3A_120 = arith.cmpi ne, %convert_element_type3A_118, %cond3A_119 : i32
    scf.if %cond3A_120 {
      %iota3A_121 = tpu.iota {dimensions = array<i32: 1>} : vector<2048x16xi32>
      %get3A_122 = arith.constant 0 : index
      %get3A_123 = arith.constant 0 : index
      %get3A_124 = vector.load %arg16[%get3A_122, %get3A_123] : memref<2048x1xi32, #tpu.memory_space<vmem>>, vector<2048x1xi32>
      %get3A_125 = arith.constant 0 : index
      %get3A_126 = arith.constant 0 : index
      %get3A_127 = vector.load %arg17[%get3A_125, %get3A_126] : memref<2048x1xi32, #tpu.memory_space<vmem>>, vector<2048x1xi32>
      %broadcast_in_dim3A_128 = vector.shape_cast %get3A_124 : vector<2048x1xi32> to vector<2048x1xi32>
      %broadcast_in_dim3A_129 = vector.broadcast %broadcast_in_dim3A_128 : vector<2048x1xi32> to vector<2048x16xi32>
      %eq3A_130 = arith.cmpi eq, %broadcast_in_dim3A_129, %iota3A_121 : vector<2048x16xi32>
      %convert_element_type3A_131 = arith.extui %eq3A_130 : vector<2048x16xi1> to vector<2048x16xi32>
      %convert_element_type3A_132 = arith.sitofp %convert_element_type3A_131 : vector<2048x16xi32> to vector<2048x16xf32>
      %broadcast_in_dim3A_133 = vector.shape_cast %get3A_127 : vector<2048x1xi32> to vector<2048x1xi32>
      %broadcast_in_dim3A_134 = vector.broadcast %broadcast_in_dim3A_133 : vector<2048x1xi32> to vector<2048x16xi32>
      %eq3A_135 = arith.cmpi eq, %broadcast_in_dim3A_134, %iota3A_121 : vector<2048x16xi32>
      %convert_element_type3A_136 = arith.extui %eq3A_135 : vector<2048x16xi1> to vector<2048x16xi32>
      %convert_element_type3A_137 = arith.sitofp %convert_element_type3A_136 : vector<2048x16xi32> to vector<2048x16xf32>
      %add3A_138 = arith.addf %convert_element_type3A_132, %convert_element_type3A_137 : vector<2048x16xf32>
      %broadcast_in_dim3A_139 = arith.constant 0.000000e+00 : f32
      %broadcast_in_dim3A_140 = vector.broadcast %broadcast_in_dim3A_139 : f32 to vector<1x16xf32>
      %slice3A = vector.extract_strided_slice %add3A_138 {offsets = [0, 0], sizes = [2047, 16], strides = [1, 1]} : vector<2048x16xf32> to vector<2047x16xf32>
      %concatenate3A_141 = tpu.concatenate %broadcast_in_dim3A_140, %slice3A in 0 : vector<1x16xf32>, vector<2047x16xf32> -> vector<2048x16xf32>
      %add3A_142 = arith.addf %add3A_138, %concatenate3A_141 : vector<2048x16xf32>
      %broadcast_in_dim3A_143 = arith.constant 0.000000e+00 : f32
      %broadcast_in_dim3A_144 = vector.broadcast %broadcast_in_dim3A_143 : f32 to vector<2x16xf32>
      %slice3A_145 = vector.extract_strided_slice %add3A_142 {offsets = [0, 0], sizes = [2046, 16], strides = [1, 1]} : vector<2048x16xf32> to vector<2046x16xf32>
      %concatenate3A_146 = tpu.concatenate %broadcast_in_dim3A_144, %slice3A_145 in 0 : vector<2x16xf32>, vector<2046x16xf32> -> vector<2048x16xf32>
      %add3A_147 = arith.addf %add3A_142, %concatenate3A_146 : vector<2048x16xf32>
      %broadcast_in_dim3A_148 = arith.constant 0.000000e+00 : f32
      %broadcast_in_dim3A_149 = vector.broadcast %broadcast_in_dim3A_148 : f32 to vector<4x16xf32>
      %slice3A_150 = vector.extract_strided_slice %add3A_147 {offsets = [0, 0], sizes = [2044, 16], strides = [1, 1]} : vector<2048x16xf32> to vector<2044x16xf32>
      %concatenate3A_151 = tpu.concatenate %broadcast_in_dim3A_149, %slice3A_150 in 0 : vector<4x16xf32>, vector<2044x16xf32> -> vector<2048x16xf32>
      %add3A_152 = arith.addf %add3A_147, %concatenate3A_151 : vector<2048x16xf32>
      %broadcast_in_dim3A_153 = arith.constant 0.000000e+00 : f32
      %broadcast_in_dim3A_154 = vector.broadcast %broadcast_in_dim3A_153 : f32 to vector<8x16xf32>
      %slice3A_155 = vector.extract_strided_slice %add3A_152 {offsets = [0, 0], sizes = [2040, 16], strides = [1, 1]} : vector<2048x16xf32> to vector<2040x16xf32>
      %concatenate3A_156 = tpu.concatenate %broadcast_in_dim3A_154, %slice3A_155 in 0 : vector<8x16xf32>, vector<2040x16xf32> -> vector<2048x16xf32>
      %add3A_157 = arith.addf %add3A_152, %concatenate3A_156 : vector<2048x16xf32>
      %broadcast_in_dim3A_158 = arith.constant 0.000000e+00 : f32
      %broadcast_in_dim3A_159 = vector.broadcast %broadcast_in_dim3A_158 : f32 to vector<16x16xf32>
      %slice3A_160 = vector.extract_strided_slice %add3A_157 {offsets = [0, 0], sizes = [2032, 16], strides = [1, 1]} : vector<2048x16xf32> to vector<2032x16xf32>
      %concatenate3A_161 = tpu.concatenate %broadcast_in_dim3A_159, %slice3A_160 in 0 : vector<16x16xf32>, vector<2032x16xf32> -> vector<2048x16xf32>
      %add3A_162 = arith.addf %add3A_157, %concatenate3A_161 : vector<2048x16xf32>
      %broadcast_in_dim3A_163 = arith.constant 0.000000e+00 : f32
      %broadcast_in_dim3A_164 = vector.broadcast %broadcast_in_dim3A_163 : f32 to vector<32x16xf32>
      %slice3A_165 = vector.extract_strided_slice %add3A_162 {offsets = [0, 0], sizes = [2016, 16], strides = [1, 1]} : vector<2048x16xf32> to vector<2016x16xf32>
      %concatenate3A_166 = tpu.concatenate %broadcast_in_dim3A_164, %slice3A_165 in 0 : vector<32x16xf32>, vector<2016x16xf32> -> vector<2048x16xf32>
      %add3A_167 = arith.addf %add3A_162, %concatenate3A_166 : vector<2048x16xf32>
      %broadcast_in_dim3A_168 = arith.constant 0.000000e+00 : f32
      %broadcast_in_dim3A_169 = vector.broadcast %broadcast_in_dim3A_168 : f32 to vector<64x16xf32>
      %slice3A_170 = vector.extract_strided_slice %add3A_167 {offsets = [0, 0], sizes = [1984, 16], strides = [1, 1]} : vector<2048x16xf32> to vector<1984x16xf32>
      %concatenate3A_171 = tpu.concatenate %broadcast_in_dim3A_169, %slice3A_170 in 0 : vector<64x16xf32>, vector<1984x16xf32> -> vector<2048x16xf32>
      %add3A_172 = arith.addf %add3A_167, %concatenate3A_171 : vector<2048x16xf32>
      %broadcast_in_dim3A_173 = arith.constant 0.000000e+00 : f32
      %broadcast_in_dim3A_174 = vector.broadcast %broadcast_in_dim3A_173 : f32 to vector<128x16xf32>
      %slice3A_175 = vector.extract_strided_slice %add3A_172 {offsets = [0, 0], sizes = [1920, 16], strides = [1, 1]} : vector<2048x16xf32> to vector<1920x16xf32>
      %concatenate3A_176 = tpu.concatenate %broadcast_in_dim3A_174, %slice3A_175 in 0 : vector<128x16xf32>, vector<1920x16xf32> -> vector<2048x16xf32>
      %add3A_177 = arith.addf %add3A_172, %concatenate3A_176 : vector<2048x16xf32>
      %broadcast_in_dim3A_178 = arith.constant 0.000000e+00 : f32
      %broadcast_in_dim3A_179 = vector.broadcast %broadcast_in_dim3A_178 : f32 to vector<256x16xf32>
      %slice3A_180 = vector.extract_strided_slice %add3A_177 {offsets = [0, 0], sizes = [1792, 16], strides = [1, 1]} : vector<2048x16xf32> to vector<1792x16xf32>
      %concatenate3A_181 = tpu.concatenate %broadcast_in_dim3A_179, %slice3A_180 in 0 : vector<256x16xf32>, vector<1792x16xf32> -> vector<2048x16xf32>
      %add3A_182 = arith.addf %add3A_177, %concatenate3A_181 : vector<2048x16xf32>
      %broadcast_in_dim3A_183 = arith.constant 0.000000e+00 : f32
      %broadcast_in_dim3A_184 = vector.broadcast %broadcast_in_dim3A_183 : f32 to vector<512x16xf32>
      %slice3A_185 = vector.extract_strided_slice %add3A_182 {offsets = [0, 0], sizes = [1536, 16], strides = [1, 1]} : vector<2048x16xf32> to vector<1536x16xf32>
      %concatenate3A_186 = tpu.concatenate %broadcast_in_dim3A_184, %slice3A_185 in 0 : vector<512x16xf32>, vector<1536x16xf32> -> vector<2048x16xf32>
      %add3A_187 = arith.addf %add3A_182, %concatenate3A_186 : vector<2048x16xf32>
      %broadcast_in_dim3A_188 = arith.constant 0.000000e+00 : f32
      %broadcast_in_dim3A_189 = vector.broadcast %broadcast_in_dim3A_188 : f32 to vector<1024x16xf32>
      %slice3A_190 = vector.extract_strided_slice %add3A_187 {offsets = [0, 0], sizes = [1024, 16], strides = [1, 1]} : vector<2048x16xf32> to vector<1024x16xf32>
      %concatenate3A_191 = tpu.concatenate %broadcast_in_dim3A_189, %slice3A_190 in 0 : vector<1024x16xf32>, vector<1024x16xf32> -> vector<2048x16xf32>
      %add3A_192 = arith.addf %add3A_187, %concatenate3A_191 : vector<2048x16xf32>
      %sub3A_193 = arith.subf %add3A_192, %add3A_138 : vector<2048x16xf32>
      %reduce_sum3A_194 = arith.constant dense<0.000000e+00> : vector<16xf32>
      %reduce_sum3A_195 = vector.multi_reduction <add>, %add3A_138, %reduce_sum3A_194 [0] : vector<2048x16xf32> to vector<16xf32>
      %broadcast_in_dim3A_196 = vector.shape_cast %reduce_sum3A_195 : vector<16xf32> to vector<1x16xf32>
      %convert_element_type3A_197 = arith.fptosi %broadcast_in_dim3A_196 : vector<1x16xf32> to vector<1x16xi32>
      %add3A_198 = arith.constant 255 : i32
      %add3A_199 = vector.broadcast %add3A_198 : i32 to vector<1x16xi32>
      %add3A_200 = arith.addi %convert_element_type3A_197, %add3A_199 : vector<1x16xi32>
      %jit3A_201 = arith.constant 256 : i32
      %div3A_202 = vector.broadcast %jit3A_201 : i32 to vector<1x16xi32>
      %div3A_203 = arith.divsi %add3A_200, %div3A_202 : vector<1x16xi32>
      %sign3A = arith.constant 0 : i32
      %sign3A_204 = vector.broadcast %sign3A : i32 to vector<1x16xi32>
      %sign3A_205 = arith.cmpi sgt, %add3A_200, %sign3A_204 : vector<1x16xi32>
      %sign3A_206 = arith.extui %sign3A_205 : vector<1x16xi1> to vector<1x16xi32>
      %sign3A_207 = arith.constant 0 : i32
      %sign3A_208 = vector.broadcast %sign3A_207 : i32 to vector<1x16xi32>
      %sign3A_209 = arith.cmpi slt, %add3A_200, %sign3A_208 : vector<1x16xi32>
      %sign3A_210 = arith.extui %sign3A_209 : vector<1x16xi1> to vector<1x16xi32>
      %sign3A_211 = arith.subi %sign3A_206, %sign3A_210 : vector<1x16xi32>
      %sign3A_212 = arith.constant 0 : i32
      %sign3A_213 = arith.cmpi sgt, %jit3A_201, %sign3A_212 : i32
      %sign3A_214 = arith.extui %sign3A_213 : i1 to i32
      %sign3A_215 = arith.constant 0 : i32
      %sign3A_216 = arith.cmpi slt, %jit3A_201, %sign3A_215 : i32
      %sign3A_217 = arith.extui %sign3A_216 : i1 to i32
      %sign3A_218 = arith.subi %sign3A_214, %sign3A_217 : i32
      %ne3A = vector.broadcast %sign3A_218 : i32 to vector<1x16xi32>
      %ne3A_219 = arith.cmpi ne, %sign3A_211, %ne3A : vector<1x16xi32>
      %rem3A = vector.broadcast %jit3A_201 : i32 to vector<1x16xi32>
      %rem3A_220 = arith.remsi %add3A_200, %rem3A : vector<1x16xi32>
      %ne3A_221 = arith.constant 0 : i32
      %ne3A_222 = vector.broadcast %ne3A_221 : i32 to vector<1x16xi32>
      %ne3A_223 = arith.cmpi ne, %rem3A_220, %ne3A_222 : vector<1x16xi32>
      %and3A = arith.andi %ne3A_219, %ne3A_223 : vector<1x16xi1>
      %sub3A_224 = arith.constant 1 : i32
      %sub3A_225 = vector.broadcast %sub3A_224 : i32 to vector<1x16xi32>
      %sub3A_226 = arith.subi %div3A_203, %sub3A_225 : vector<1x16xi32>
      %select_n3A_227 = arith.select %and3A, %sub3A_226, %div3A_203 : vector<1x16xi1>, vector<1x16xi32>
      %broadcast_in_dim3A_228 = arith.constant 0 : i32
      %broadcast_in_dim3A_229 = vector.broadcast %broadcast_in_dim3A_228 : i32 to vector<1x1xi32>
      %slice3A_230 = vector.extract_strided_slice %select_n3A_227 {offsets = [0, 0], sizes = [1, 15], strides = [1, 1]} : vector<1x16xi32> to vector<1x15xi32>
      %concatenate3A_231 = tpu.concatenate %broadcast_in_dim3A_229, %slice3A_230 in 1 : vector<1x1xi32>, vector<1x15xi32> -> vector<1x16xi32>
      %add3A_232 = arith.addi %select_n3A_227, %concatenate3A_231 : vector<1x16xi32>
      %broadcast_in_dim3A_233 = arith.constant 0 : i32
      %broadcast_in_dim3A_234 = vector.broadcast %broadcast_in_dim3A_233 : i32 to vector<1x2xi32>
      %slice3A_235 = vector.extract_strided_slice %add3A_232 {offsets = [0, 0], sizes = [1, 14], strides = [1, 1]} : vector<1x16xi32> to vector<1x14xi32>
      %concatenate3A_236 = tpu.concatenate %broadcast_in_dim3A_234, %slice3A_235 in 1 : vector<1x2xi32>, vector<1x14xi32> -> vector<1x16xi32>
      %add3A_237 = arith.addi %add3A_232, %concatenate3A_236 : vector<1x16xi32>
      %broadcast_in_dim3A_238 = arith.constant 0 : i32
      %broadcast_in_dim3A_239 = vector.broadcast %broadcast_in_dim3A_238 : i32 to vector<1x4xi32>
      %slice3A_240 = vector.extract_strided_slice %add3A_237 {offsets = [0, 0], sizes = [1, 12], strides = [1, 1]} : vector<1x16xi32> to vector<1x12xi32>
      %concatenate3A_241 = tpu.concatenate %broadcast_in_dim3A_239, %slice3A_240 in 1 : vector<1x4xi32>, vector<1x12xi32> -> vector<1x16xi32>
      %add3A_242 = arith.addi %add3A_237, %concatenate3A_241 : vector<1x16xi32>
      %broadcast_in_dim3A_243 = arith.constant 0 : i32
      %broadcast_in_dim3A_244 = vector.broadcast %broadcast_in_dim3A_243 : i32 to vector<1x8xi32>
      %slice3A_245 = vector.extract_strided_slice %add3A_242 {offsets = [0, 0], sizes = [1, 8], strides = [1, 1]} : vector<1x16xi32> to vector<1x8xi32>
      %concatenate3A_246 = tpu.concatenate %broadcast_in_dim3A_244, %slice3A_245 in 1 : vector<1x8xi32>, vector<1x8xi32> -> vector<1x16xi32>
      %add3A_247 = arith.addi %add3A_242, %concatenate3A_246 : vector<1x16xi32>
      %sub3A_248 = arith.subi %add3A_247, %select_n3A_227 : vector<1x16xi32>
      %slice3A_249 = vector.extract_strided_slice %add3A_247 {offsets = [0, 15], sizes = [1, 1], strides = [1, 1]} : vector<1x16xi32> to vector<1x1xi32>
      %swap3A_250 = arith.constant 0 : index
      %swap3A_251 = arith.constant 0 : index
      %swap3A_252 = vector.load %arg14[%swap3A_250, %swap3A_251] : memref<1x1xi32, #tpu.memory_space<vmem>>, vector<1x1xi32>
      tpu.vector_store %arg14[%swap3A_250, %swap3A_251], %slice3A_249 {strides = array<i32>} : memref<1x1xi32, #tpu.memory_space<vmem>>, vector<1x1xi32>,
      %mul3A_253 = arith.constant 256 : i32
      %mul3A_254 = vector.broadcast %mul3A_253 : i32 to vector<1x16xi32>
      %mul3A_255 = arith.muli %sub3A_248, %mul3A_254 : vector<1x16xi32>
      %convert_element_type3A_256 = arith.sitofp %mul3A_255 : vector<1x16xi32> to vector<1x16xf32>
      %broadcast_in_dim3A_257 = vector.shape_cast %convert_element_type3A_256 : vector<1x16xf32> to vector<1x16xf32>
      %broadcast_in_dim3A_258 = vector.broadcast %broadcast_in_dim3A_257 : vector<1x16xf32> to vector<2048x16xf32>
      %add3A_259 = arith.addf %broadcast_in_dim3A_258, %sub3A_193 : vector<2048x16xf32>
      %mul3A_260 = arith.mulf %convert_element_type3A_132, %add3A_259 : vector<2048x16xf32>
      %reduce_sum3A_261 = arith.constant dense<0.000000e+00> : vector<2048xf32>
      %reduce_sum3A_262 = vector.multi_reduction <add>, %mul3A_260, %reduce_sum3A_261 [1] : vector<2048x16xf32> to vector<2048xf32>
      %broadcast_in_dim3A_263 = vector.shape_cast %reduce_sum3A_262 : vector<2048xf32> to vector<2048x1xf32>
      %add3A_264 = arith.addf %broadcast_in_dim3A_258, %sub3A_193 : vector<2048x16xf32>
      %add3A_265 = arith.addf %add3A_264, %convert_element_type3A_132 : vector<2048x16xf32>
      %mul3A_266 = arith.mulf %convert_element_type3A_137, %add3A_265 : vector<2048x16xf32>
      %reduce_sum3A_267 = arith.constant dense<0.000000e+00> : vector<2048xf32>
      %reduce_sum3A_268 = vector.multi_reduction <add>, %mul3A_266, %reduce_sum3A_267 [1] : vector<2048x16xf32> to vector<2048xf32>
      %broadcast_in_dim3A_269 = vector.shape_cast %reduce_sum3A_268 : vector<2048xf32> to vector<2048x1xf32>
      %convert_element_type3A_270 = arith.fptosi %broadcast_in_dim3A_263 : vector<2048x1xf32> to vector<2048x1xi32>
      %swap3A_271 = arith.constant 0 : index
      %swap3A_272 = arith.constant 0 : index
      %swap3A_273 = vector.load %arg11[%swap3A_271, %swap3A_272] : memref<2048x1xi32, #tpu.memory_space<vmem>>, vector<2048x1xi32>
      tpu.vector_store %arg11[%swap3A_271, %swap3A_272], %convert_element_type3A_270 {strides = array<i32>} : memref<2048x1xi32, #tpu.memory_space<vmem>>, vector<2048x1xi32>,
      %convert_element_type3A_274 = arith.fptosi %broadcast_in_dim3A_269 : vector<2048x1xf32> to vector<2048x1xi32>
      %swap3A_275 = arith.constant 0 : index
      %swap3A_276 = arith.constant 0 : index
      %swap3A_277 = vector.load %arg12[%swap3A_275, %swap3A_276] : memref<2048x1xi32, #tpu.memory_space<vmem>>, vector<2048x1xi32>
      tpu.vector_store %arg12[%swap3A_275, %swap3A_276], %convert_element_type3A_274 {strides = array<i32>} : memref<2048x1xi32, #tpu.memory_space<vmem>>, vector<2048x1xi32>,
      %iota3A_278 = tpu.iota {dimensions = array<i32: 1>} : vector<1x32xi32>
      %broadcast_in_dim3A_279 = arith.constant -1 : i32
      %broadcast_in_dim3A_280 = vector.broadcast %broadcast_in_dim3A_279 : i32 to vector<1x32xi32>
      %slice3A_281 = vector.extract_strided_slice %sub3A_248 {offsets = [0, 0], sizes = [1, 1], strides = [1, 1]} : vector<1x16xi32> to vector<1x1xi32>
      %broadcast_in_dim3A_282 = vector.shape_cast %slice3A_281 : vector<1x1xi32> to vector<1x1xi32>
      %broadcast_in_dim3A_283 = vector.broadcast %broadcast_in_dim3A_282 : vector<1x1xi32> to vector<1x32xi32>
      %le3A = arith.cmpi sle, %broadcast_in_dim3A_283, %iota3A_278 : vector<1x32xi32>
      %convert_element_type3A_284 = arith.extui %le3A : vector<1x32xi1> to vector<1x32xi32>
      %add3A_285 = arith.addi %broadcast_in_dim3A_280, %convert_element_type3A_284 : vector<1x32xi32>
      %slice3A_286 = vector.extract_strided_slice %sub3A_248 {offsets = [0, 1], sizes = [1, 1], strides = [1, 1]} : vector<1x16xi32> to vector<1x1xi32>
      %broadcast_in_dim3A_287 = vector.shape_cast %slice3A_286 : vector<1x1xi32> to vector<1x1xi32>
      %broadcast_in_dim3A_288 = vector.broadcast %broadcast_in_dim3A_287 : vector<1x1xi32> to vector<1x32xi32>
      %le3A_289 = arith.cmpi sle, %broadcast_in_dim3A_288, %iota3A_278 : vector<1x32xi32>
      %convert_element_type3A_290 = arith.extui %le3A_289 : vector<1x32xi1> to vector<1x32xi32>
      %add3A_291 = arith.addi %add3A_285, %convert_element_type3A_290 : vector<1x32xi32>
      %slice3A_292 = vector.extract_strided_slice %sub3A_248 {offsets = [0, 2], sizes = [1, 1], strides = [1, 1]} : vector<1x16xi32> to vector<1x1xi32>
      %broadcast_in_dim3A_293 = vector.shape_cast %slice3A_292 : vector<1x1xi32> to vector<1x1xi32>
      %broadcast_in_dim3A_294 = vector.broadcast %broadcast_in_dim3A_293 : vector<1x1xi32> to vector<1x32xi32>
      %le3A_295 = arith.cmpi sle, %broadcast_in_dim3A_294, %iota3A_278 : vector<1x32xi32>
      %convert_element_type3A_296 = arith.extui %le3A_295 : vector<1x32xi1> to vector<1x32xi32>
      %add3A_297 = arith.addi %add3A_291, %convert_element_type3A_296 : vector<1x32xi32>
      %slice3A_298 = vector.extract_strided_slice %sub3A_248 {offsets = [0, 3], sizes = [1, 1], strides = [1, 1]} : vector<1x16xi32> to vector<1x1xi32>
      %broadcast_in_dim3A_299 = vector.shape_cast %slice3A_298 : vector<1x1xi32> to vector<1x1xi32>
      %broadcast_in_dim3A_300 = vector.broadcast %broadcast_in_dim3A_299 : vector<1x1xi32> to vector<1x32xi32>
      %le3A_301 = arith.cmpi sle, %broadcast_in_dim3A_300, %iota3A_278 : vector<1x32xi32>
      %convert_element_type3A_302 = arith.extui %le3A_301 : vector<1x32xi1> to vector<1x32xi32>
      %add3A_303 = arith.addi %add3A_297, %convert_element_type3A_302 : vector<1x32xi32>
      %slice3A_304 = vector.extract_strided_slice %sub3A_248 {offsets = [0, 4], sizes = [1, 1], strides = [1, 1]} : vector<1x16xi32> to vector<1x1xi32>
      %broadcast_in_dim3A_305 = vector.shape_cast %slice3A_304 : vector<1x1xi32> to vector<1x1xi32>
      %broadcast_in_dim3A_306 = vector.broadcast %broadcast_in_dim3A_305 : vector<1x1xi32> to vector<1x32xi32>
      %le3A_307 = arith.cmpi sle, %broadcast_in_dim3A_306, %iota3A_278 : vector<1x32xi32>
      %convert_element_type3A_308 = arith.extui %le3A_307 : vector<1x32xi1> to vector<1x32xi32>
      %add3A_309 = arith.addi %add3A_303, %convert_element_type3A_308 : vector<1x32xi32>
      %slice3A_310 = vector.extract_strided_slice %sub3A_248 {offsets = [0, 5], sizes = [1, 1], strides = [1, 1]} : vector<1x16xi32> to vector<1x1xi32>
      %broadcast_in_dim3A_311 = vector.shape_cast %slice3A_310 : vector<1x1xi32> to vector<1x1xi32>
      %broadcast_in_dim3A_312 = vector.broadcast %broadcast_in_dim3A_311 : vector<1x1xi32> to vector<1x32xi32>
      %le3A_313 = arith.cmpi sle, %broadcast_in_dim3A_312, %iota3A_278 : vector<1x32xi32>
      %convert_element_type3A_314 = arith.extui %le3A_313 : vector<1x32xi1> to vector<1x32xi32>
      %add3A_315 = arith.addi %add3A_309, %convert_element_type3A_314 : vector<1x32xi32>
      %slice3A_316 = vector.extract_strided_slice %sub3A_248 {offsets = [0, 6], sizes = [1, 1], strides = [1, 1]} : vector<1x16xi32> to vector<1x1xi32>
      %broadcast_in_dim3A_317 = vector.shape_cast %slice3A_316 : vector<1x1xi32> to vector<1x1xi32>
      %broadcast_in_dim3A_318 = vector.broadcast %broadcast_in_dim3A_317 : vector<1x1xi32> to vector<1x32xi32>
      %le3A_319 = arith.cmpi sle, %broadcast_in_dim3A_318, %iota3A_278 : vector<1x32xi32>
      %convert_element_type3A_320 = arith.extui %le3A_319 : vector<1x32xi1> to vector<1x32xi32>
      %add3A_321 = arith.addi %add3A_315, %convert_element_type3A_320 : vector<1x32xi32>
      %slice3A_322 = vector.extract_strided_slice %sub3A_248 {offsets = [0, 7], sizes = [1, 1], strides = [1, 1]} : vector<1x16xi32> to vector<1x1xi32>
      %broadcast_in_dim3A_323 = vector.shape_cast %slice3A_322 : vector<1x1xi32> to vector<1x1xi32>
      %broadcast_in_dim3A_324 = vector.broadcast %broadcast_in_dim3A_323 : vector<1x1xi32> to vector<1x32xi32>
      %le3A_325 = arith.cmpi sle, %broadcast_in_dim3A_324, %iota3A_278 : vector<1x32xi32>
      %convert_element_type3A_326 = arith.extui %le3A_325 : vector<1x32xi1> to vector<1x32xi32>
      %add3A_327 = arith.addi %add3A_321, %convert_element_type3A_326 : vector<1x32xi32>
      %slice3A_328 = vector.extract_strided_slice %sub3A_248 {offsets = [0, 8], sizes = [1, 1], strides = [1, 1]} : vector<1x16xi32> to vector<1x1xi32>
      %broadcast_in_dim3A_329 = vector.shape_cast %slice3A_328 : vector<1x1xi32> to vector<1x1xi32>
      %broadcast_in_dim3A_330 = vector.broadcast %broadcast_in_dim3A_329 : vector<1x1xi32> to vector<1x32xi32>
      %le3A_331 = arith.cmpi sle, %broadcast_in_dim3A_330, %iota3A_278 : vector<1x32xi32>
      %convert_element_type3A_332 = arith.extui %le3A_331 : vector<1x32xi1> to vector<1x32xi32>
      %add3A_333 = arith.addi %add3A_327, %convert_element_type3A_332 : vector<1x32xi32>
      %slice3A_334 = vector.extract_strided_slice %sub3A_248 {offsets = [0, 9], sizes = [1, 1], strides = [1, 1]} : vector<1x16xi32> to vector<1x1xi32>
      %broadcast_in_dim3A_335 = vector.shape_cast %slice3A_334 : vector<1x1xi32> to vector<1x1xi32>
      %broadcast_in_dim3A_336 = vector.broadcast %broadcast_in_dim3A_335 : vector<1x1xi32> to vector<1x32xi32>
      %le3A_337 = arith.cmpi sle, %broadcast_in_dim3A_336, %iota3A_278 : vector<1x32xi32>
      %convert_element_type3A_338 = arith.extui %le3A_337 : vector<1x32xi1> to vector<1x32xi32>
      %add3A_339 = arith.addi %add3A_333, %convert_element_type3A_338 : vector<1x32xi32>
      %slice3A_340 = vector.extract_strided_slice %sub3A_248 {offsets = [0, 10], sizes = [1, 1], strides = [1, 1]} : vector<1x16xi32> to vector<1x1xi32>
      %broadcast_in_dim3A_341 = vector.shape_cast %slice3A_340 : vector<1x1xi32> to vector<1x1xi32>
      %broadcast_in_dim3A_342 = vector.broadcast %broadcast_in_dim3A_341 : vector<1x1xi32> to vector<1x32xi32>
      %le3A_343 = arith.cmpi sle, %broadcast_in_dim3A_342, %iota3A_278 : vector<1x32xi32>
      %convert_element_type3A_344 = arith.extui %le3A_343 : vector<1x32xi1> to vector<1x32xi32>
      %add3A_345 = arith.addi %add3A_339, %convert_element_type3A_344 : vector<1x32xi32>
      %slice3A_346 = vector.extract_strided_slice %sub3A_248 {offsets = [0, 11], sizes = [1, 1], strides = [1, 1]} : vector<1x16xi32> to vector<1x1xi32>
      %broadcast_in_dim3A_347 = vector.shape_cast %slice3A_346 : vector<1x1xi32> to vector<1x1xi32>
      %broadcast_in_dim3A_348 = vector.broadcast %broadcast_in_dim3A_347 : vector<1x1xi32> to vector<1x32xi32>
      %le3A_349 = arith.cmpi sle, %broadcast_in_dim3A_348, %iota3A_278 : vector<1x32xi32>
      %convert_element_type3A_350 = arith.extui %le3A_349 : vector<1x32xi1> to vector<1x32xi32>
      %add3A_351 = arith.addi %add3A_345, %convert_element_type3A_350 : vector<1x32xi32>
      %slice3A_352 = vector.extract_strided_slice %sub3A_248 {offsets = [0, 12], sizes = [1, 1], strides = [1, 1]} : vector<1x16xi32> to vector<1x1xi32>
      %broadcast_in_dim3A_353 = vector.shape_cast %slice3A_352 : vector<1x1xi32> to vector<1x1xi32>
      %broadcast_in_dim3A_354 = vector.broadcast %broadcast_in_dim3A_353 : vector<1x1xi32> to vector<1x32xi32>
      %le3A_355 = arith.cmpi sle, %broadcast_in_dim3A_354, %iota3A_278 : vector<1x32xi32>
      %convert_element_type3A_356 = arith.extui %le3A_355 : vector<1x32xi1> to vector<1x32xi32>
      %add3A_357 = arith.addi %add3A_351, %convert_element_type3A_356 : vector<1x32xi32>
      %slice3A_358 = vector.extract_strided_slice %sub3A_248 {offsets = [0, 13], sizes = [1, 1], strides = [1, 1]} : vector<1x16xi32> to vector<1x1xi32>
      %broadcast_in_dim3A_359 = vector.shape_cast %slice3A_358 : vector<1x1xi32> to vector<1x1xi32>
      %broadcast_in_dim3A_360 = vector.broadcast %broadcast_in_dim3A_359 : vector<1x1xi32> to vector<1x32xi32>
      %le3A_361 = arith.cmpi sle, %broadcast_in_dim3A_360, %iota3A_278 : vector<1x32xi32>
      %convert_element_type3A_362 = arith.extui %le3A_361 : vector<1x32xi1> to vector<1x32xi32>
      %add3A_363 = arith.addi %add3A_357, %convert_element_type3A_362 : vector<1x32xi32>
      %slice3A_364 = vector.extract_strided_slice %sub3A_248 {offsets = [0, 14], sizes = [1, 1], strides = [1, 1]} : vector<1x16xi32> to vector<1x1xi32>
      %broadcast_in_dim3A_365 = vector.shape_cast %slice3A_364 : vector<1x1xi32> to vector<1x1xi32>
      %broadcast_in_dim3A_366 = vector.broadcast %broadcast_in_dim3A_365 : vector<1x1xi32> to vector<1x32xi32>
      %le3A_367 = arith.cmpi sle, %broadcast_in_dim3A_366, %iota3A_278 : vector<1x32xi32>
      %convert_element_type3A_368 = arith.extui %le3A_367 : vector<1x32xi1> to vector<1x32xi32>
      %add3A_369 = arith.addi %add3A_363, %convert_element_type3A_368 : vector<1x32xi32>
      %slice3A_370 = vector.extract_strided_slice %sub3A_248 {offsets = [0, 15], sizes = [1, 1], strides = [1, 1]} : vector<1x16xi32> to vector<1x1xi32>
      %broadcast_in_dim3A_371 = vector.shape_cast %slice3A_370 : vector<1x1xi32> to vector<1x1xi32>
      %broadcast_in_dim3A_372 = vector.broadcast %broadcast_in_dim3A_371 : vector<1x1xi32> to vector<1x32xi32>
      %le3A_373 = arith.cmpi sle, %broadcast_in_dim3A_372, %iota3A_278 : vector<1x32xi32>
      %convert_element_type3A_374 = arith.extui %le3A_373 : vector<1x32xi1> to vector<1x32xi32>
      %add3A_375 = arith.addi %add3A_369, %convert_element_type3A_374 : vector<1x32xi32>
      %swap3A_376 = arith.constant 0 : index
      %swap3A_377 = arith.constant 0 : index
      %swap3A_378 = vector.load %arg13[%swap3A_376, %swap3A_377] : memref<1x32xi32, #tpu.memory_space<vmem>>, vector<1x32xi32>
      tpu.vector_store %arg13[%swap3A_376, %swap3A_377], %add3A_375 {strides = array<i32>} : memref<1x32xi32, #tpu.memory_space<vmem>>, vector<1x32xi32>,
      %get3A_379 = arith.constant 0 : index
      %get3A_380 = arith.constant 0 : index
      %get3A_381 = vector.load %arg18[%get3A_379, %get3A_380] : memref<1x128xf32, #tpu.memory_space<vmem>>, vector<1x128xf32>
      %slice3A_382 = vector.extract_strided_slice %get3A_381 {offsets = [0, 0], sizes = [1, 16], strides = [1, 1]} : vector<1x128xf32> to vector<1x16xf32>
      %reduce_sum3A_383 = arith.constant dense<0.000000e+00> : vector<1xf32>
      %reduce_sum3A_384 = vector.multi_reduction <add>, %slice3A_382, %reduce_sum3A_383 [1] : vector<1x16xf32> to vector<1xf32>
      %broadcast_in_dim3A_385 = vector.shape_cast %reduce_sum3A_384 : vector<1xf32> to vector<1x1xf32>
      %mul3A_386 = arith.mulf %slice3A_382, %broadcast_in_dim3A_196 : vector<1x16xf32>
      %reduce_sum3A_387 = arith.constant dense<0.000000e+00> : vector<1xf32>
      %reduce_sum3A_388 = vector.multi_reduction <add>, %mul3A_386, %reduce_sum3A_387 [1] : vector<1x16xf32> to vector<1xf32>
      %broadcast_in_dim3A_389 = vector.shape_cast %reduce_sum3A_388 : vector<1xf32> to vector<1x1xf32>
      %div3A_390 = arith.constant 1.600000e+01 : f32
      %div3A_391 = arith.constant 4.096000e+03 : f32
      %div3A_392 = arith.divf %div3A_390, %div3A_391 : f32
      %mul3A_393 = vector.broadcast %div3A_392 : f32 to vector<1x1xf32>
      %mul3A_394 = arith.mulf %broadcast_in_dim3A_389, %mul3A_393 : vector<1x1xf32>
      %div3A_395 = arith.divf %mul3A_394, %broadcast_in_dim3A_385 : vector<1x1xf32>
      %swap3A_396 = arith.constant 0 : index
      %swap3A_397 = arith.constant 0 : index
      %swap3A_398 = vector.load %arg15[%swap3A_396, %swap3A_397] : memref<1x1xf32, #tpu.memory_space<vmem>>, vector<1x1xf32>
      tpu.vector_store %arg15[%swap3A_396, %swap3A_397], %div3A_395 {strides = array<i32>} : memref<1x1xf32, #tpu.memory_space<vmem>>, vector<1x1xf32>,
    } else {
    }
    return
  }
  func.func @transform_0(%arg0: i32) -> (i32, i32) {
    %c0_i32 = arith.constant 0 : i32
    %c0_i32_0 = arith.constant 0 : i32
    return %arg0, %c0_i32 : i32, i32
  }
  func.func @transform_1(%arg0: i32) -> (i32, i32) {
    %c0_i32 = arith.constant 0 : i32
    %c0_i32_0 = arith.constant 0 : i32
    return %arg0, %c0_i32 : i32, i32
  }
  func.func @transform_2(%arg0: i32) -> (i32, i32) {
    %c0_i32 = arith.constant 0 : i32
    %c0_i32_0 = arith.constant 0 : i32
    %c0_i32_1 = arith.constant 0 : i32
    return %c0_i32, %c0_i32_0 : i32, i32
  }
  func.func @transform_3(%arg0: i32) -> (i32, i32) {
    %c0_i32 = arith.constant 0 : i32
    %c0_i32_0 = arith.constant 0 : i32
    %c0_i32_1 = arith.constant 0 : i32
    return %c0_i32, %c0_i32_0 : i32, i32
  }
  func.func @transform_4(%arg0: i32) -> (i32, i32) {
    %c0_i32 = arith.constant 0 : i32
    %c0_i32_0 = arith.constant 0 : i32
    %c0_i32_1 = arith.constant 0 : i32
    return %c0_i32, %c0_i32_0 : i32, i32
  }
  func.func @transform_5(%arg0: i32) -> (i32, i32) {
    %c0_i32 = arith.constant 0 : i32
    %c0_i32_0 = arith.constant 0 : i32
    %c0_i32_1 = arith.constant 0 : i32
    return %c0_i32, %c0_i32_0 : i32, i32
  }
  func.func @transform_6(%arg0: i32) -> (i32, i32) {
    %c0_i32 = arith.constant 0 : i32
    %c0_i32_0 = arith.constant 0 : i32
    %c0_i32_1 = arith.constant 0 : i32
    return %c0_i32, %c0_i32_0 : i32, i32
  }
  func.func @transform_7(%arg0: i32) -> (i32, i32) {
    %c0_i32 = arith.constant 0 : i32
    %c0_i32_0 = arith.constant 0 : i32
    return %arg0, %c0_i32 : i32, i32
  }
  func.func @transform_8(%arg0: i32) -> (i32, i32) {
    %c0_i32 = arith.constant 0 : i32
    %c0_i32_0 = arith.constant 0 : i32
    return %arg0, %c0_i32 : i32, i32
  }
  func.func @transform_9(%arg0: i32) -> (i32, i32) {
    %c0_i32 = arith.constant 0 : i32
    %c0_i32_0 = arith.constant 0 : i32
    return %arg0, %c0_i32 : i32, i32
  }
  func.func @transform_10(%arg0: i32) -> (i32, i32) {
    %c0_i32 = arith.constant 0 : i32
    %c0_i32_0 = arith.constant 0 : i32
    %c0_i32_1 = arith.constant 0 : i32
    return %c0_i32, %c0_i32_0 : i32, i32
  }
  func.func @transform_11(%arg0: i32) -> (i32, i32) {
    %c0_i32 = arith.constant 0 : i32
    %c0_i32_0 = arith.constant 0 : i32
    %c0_i32_1 = arith.constant 0 : i32
    return %c0_i32, %c0_i32_0 : i32, i32
  }
  func.func @transform_12(%arg0: i32) -> (i32, i32) {
    %c0_i32 = arith.constant 0 : i32
    %c0_i32_0 = arith.constant 0 : i32
    %c0_i32_1 = arith.constant 0 : i32
    return %c0_i32, %c0_i32_0 : i32, i32
  }
  func.func @transform_13(%arg0: i32) -> (i32, i32) {
    %c0_i32 = arith.constant 0 : i32
    %c0_i32_0 = arith.constant 0 : i32
    %c0_i32_1 = arith.constant 0 : i32
    return %c0_i32, %c0_i32_0 : i32, i32
  }
  func.func @transform_14(%arg0: i32) -> (i32, i32) {
    %c0_i32 = arith.constant 0 : i32
    %c0_i32_0 = arith.constant 0 : i32
    %c0_i32_1 = arith.constant 0 : i32
    return %c0_i32, %c0_i32_0 : i32, i32
  }
}

module attributes {stable_mosaic.version = 14 : i64} {
  func.func @_ffn_body(%arg0: i32, %arg1: memref<32xi32, #tpu.memory_space<smem>>, %arg2: memref<1xi32, #tpu.memory_space<smem>>, %arg3: memref<256x768xf32, #tpu.memory_space<vmem>>, %arg4: memref<1x768x1024xf32, #tpu.memory_space<vmem>>, %arg5: memref<1x512x768xf32, #tpu.memory_space<vmem>>, %arg6: memref<256x768xf32, #tpu.memory_space<vmem>>) attributes {dimension_semantics = [#tpu.dimension_semantics<arbitrary>], iteration_bounds = array<i64: 32>, scalar_prefetch = 2 : i64, scratch_operands = 0 : i64, tpu.core_type = #tpu.core_type<tc>, window_params = [{transform_indices = @transform_0, window_bounds = array<i64: 256, 768>}, {transform_indices = @transform_1, window_bounds = array<i64: 1, 768, 1024>}, {transform_indices = @transform_2, window_bounds = array<i64: 1, 512, 768>}, {transform_indices = @transform_3, window_bounds = array<i64: 256, 768>}]} {
    %get3A = arith.constant 0 : index
    %get3A_0 = memref.load %arg2[%get3A] : memref<1xi32, #tpu.memory_space<smem>>
    %lt3A = arith.cmpi slt, %arg0, %get3A_0 : i32
    %convert_element_type3A = arith.extui %lt3A : i1 to i32
    %cond3A = arith.constant 0 : i32
    %cond3A_1 = arith.cmpi ne, %convert_element_type3A, %cond3A : i32
    scf.if %cond3A_1 {
      %get3A_2 = arith.constant 0 : index
      %get3A_3 = arith.constant 0 : index
      %get3A_4 = vector.load %arg3[%get3A_2, %get3A_3] : memref<256x768xf32, #tpu.memory_space<vmem>>, vector<256x768xf32>
      %convert_element_type3A_5 = arith.truncf %get3A_4 : vector<256x768xf32> to vector<256x768xbf16>
      %get3A_6 = arith.constant 0 : index
      %get3A_7 = arith.constant 0 : index
      %get3A_8 = arith.constant 0 : index
      %get3A_9 = vector.load %arg4[%get3A_6, %get3A_7, %get3A_8] : memref<1x768x1024xf32, #tpu.memory_space<vmem>>, vector<1x768x1024xf32>
      %get3A_10 = vector.shape_cast %get3A_9 : vector<1x768x1024xf32> to vector<768x1024xf32>
      %convert_element_type3A_11 = arith.truncf %get3A_10 : vector<768x1024xf32> to vector<768x1024xbf16>
      %dot_general3A = arith.constant dense<0.000000e+00> : vector<256x1024xf32>
      %dot_general3A_12 = tpu.matmul %convert_element_type3A_5, %convert_element_type3A_11, %dot_general3A {dimension_numbers = #tpu.dot_dimension_numbers<[1], [0], [0], [1], [0, 0, 1, 1], [], []>, transpose_lhs_hint = false} : vector<256x768xbf16>, vector<768x1024xbf16>, vector<256x1024xf32> -> vector<256x1024xf32>
      %slice3A = vector.extract_strided_slice %dot_general3A_12 {offsets = [0, 0], sizes = [256, 512], strides = [1, 1]} : vector<256x1024xf32> to vector<256x512xf32>
      %slice3A_13 = vector.extract_strided_slice %dot_general3A_12 {offsets = [0, 512], sizes = [256, 512], strides = [1, 1]} : vector<256x1024xf32> to vector<256x512xf32>
      %neg3A = arith.constant 0.000000e+00 : f32
      %neg3A_14 = vector.broadcast %neg3A : f32 to vector<256x512xf32>
      %neg3A_15 = arith.subf %neg3A_14, %slice3A : vector<256x512xf32>
      %exp3A = math.exp %neg3A_15 : vector<256x512xf32>
      %add3A = arith.constant 1.000000e+00 : f32
      %add3A_16 = vector.broadcast %add3A : f32 to vector<256x512xf32>
      %add3A_17 = arith.addf %add3A_16, %exp3A : vector<256x512xf32>
      %div3A = arith.constant 1.000000e+00 : f32
      %div3A_18 = vector.broadcast %div3A : f32 to vector<256x512xf32>
      %div3A_19 = arith.divf %div3A_18, %add3A_17 : vector<256x512xf32>
      %mul3A = arith.mulf %slice3A, %div3A_19 : vector<256x512xf32>
      %mul3A_20 = arith.mulf %mul3A, %slice3A_13 : vector<256x512xf32>
      %convert_element_type3A_21 = arith.truncf %mul3A_20 : vector<256x512xf32> to vector<256x512xbf16>
      %get3A_22 = arith.constant 0 : index
      %get3A_23 = arith.constant 0 : index
      %get3A_24 = arith.constant 0 : index
      %get3A_25 = vector.load %arg5[%get3A_22, %get3A_23, %get3A_24] : memref<1x512x768xf32, #tpu.memory_space<vmem>>, vector<1x512x768xf32>
      %get3A_26 = vector.shape_cast %get3A_25 : vector<1x512x768xf32> to vector<512x768xf32>
      %convert_element_type3A_27 = arith.truncf %get3A_26 : vector<512x768xf32> to vector<512x768xbf16>
      %dot_general3A_28 = arith.constant dense<0.000000e+00> : vector<256x768xf32>
      %dot_general3A_29 = tpu.matmul %convert_element_type3A_21, %convert_element_type3A_27, %dot_general3A_28 {dimension_numbers = #tpu.dot_dimension_numbers<[1], [0], [0], [1], [0, 0, 1, 1], [], []>, transpose_lhs_hint = false} : vector<256x512xbf16>, vector<512x768xbf16>, vector<256x768xf32> -> vector<256x768xf32>
      %swap3A = arith.constant 0 : index
      %swap3A_30 = arith.constant 0 : index
      %swap3A_31 = vector.load %arg6[%swap3A, %swap3A_30] : memref<256x768xf32, #tpu.memory_space<vmem>>, vector<256x768xf32>
      tpu.vector_store %arg6[%swap3A, %swap3A_30], %dot_general3A_29 {strides = array<i32>} : memref<256x768xf32, #tpu.memory_space<vmem>>, vector<256x768xf32>,
    } else {
    }
    return
  }
  func.func @transform_0(%arg0: i32, %arg1: memref<32xi32, #tpu.memory_space<smem>>, %arg2: memref<1xi32, #tpu.memory_space<smem>>) -> (i32, i32) {
    %get3A = arith.constant 0 : index
    %get3A_0 = memref.load %arg2[%get3A] : memref<1xi32, #tpu.memory_space<smem>>
    %sub3A = arith.constant 1 : i32
    %sub3A_1 = arith.subi %get3A_0, %sub3A : i32
    %min3A = arith.minsi %arg0, %sub3A_1 : i32
    %c0_i32 = arith.constant 0 : i32
    %c0_i32_2 = arith.constant 0 : i32
    return %min3A, %c0_i32 : i32, i32
  }
  func.func @transform_1(%arg0: i32, %arg1: memref<32xi32, #tpu.memory_space<smem>>, %arg2: memref<1xi32, #tpu.memory_space<smem>>) -> (i32, i32, i32) {
    %get3A = arith.constant 0 : index
    %get3A_0 = memref.load %arg2[%get3A] : memref<1xi32, #tpu.memory_space<smem>>
    %sub3A = arith.constant 1 : i32
    %sub3A_1 = arith.subi %get3A_0, %sub3A : i32
    %min3A = arith.minsi %arg0, %sub3A_1 : i32
    %get3A_2 = arith.index_cast %min3A : i32 to index
    %get3A_3 = memref.load %arg1[%get3A_2] : memref<32xi32, #tpu.memory_space<smem>>
    %c0_i32 = arith.constant 0 : i32
    %c0_i32_4 = arith.constant 0 : i32
    %c0_i32_5 = arith.constant 0 : i32
    return %get3A_3, %c0_i32, %c0_i32_4 : i32, i32, i32
  }
  func.func @transform_2(%arg0: i32, %arg1: memref<32xi32, #tpu.memory_space<smem>>, %arg2: memref<1xi32, #tpu.memory_space<smem>>) -> (i32, i32, i32) {
    %get3A = arith.constant 0 : index
    %get3A_0 = memref.load %arg2[%get3A] : memref<1xi32, #tpu.memory_space<smem>>
    %sub3A = arith.constant 1 : i32
    %sub3A_1 = arith.subi %get3A_0, %sub3A : i32
    %min3A = arith.minsi %arg0, %sub3A_1 : i32
    %get3A_2 = arith.index_cast %min3A : i32 to index
    %get3A_3 = memref.load %arg1[%get3A_2] : memref<32xi32, #tpu.memory_space<smem>>
    %c0_i32 = arith.constant 0 : i32
    %c0_i32_4 = arith.constant 0 : i32
    %c0_i32_5 = arith.constant 0 : i32
    return %get3A_3, %c0_i32, %c0_i32_4 : i32, i32, i32
  }
  func.func @transform_3(%arg0: i32, %arg1: memref<32xi32, #tpu.memory_space<smem>>, %arg2: memref<1xi32, #tpu.memory_space<smem>>) -> (i32, i32) {
    %get3A = arith.constant 0 : index
    %get3A_0 = memref.load %arg2[%get3A] : memref<1xi32, #tpu.memory_space<smem>>
    %sub3A = arith.constant 1 : i32
    %sub3A_1 = arith.subi %get3A_0, %sub3A : i32
    %min3A = arith.minsi %arg0, %sub3A_1 : i32
    %c0_i32 = arith.constant 0 : i32
    %c0_i32_2 = arith.constant 0 : i32
    return %min3A, %c0_i32 : i32, i32
  }
}

module attributes {stable_mosaic.version = 14 : i64} {
  func.func @_comb_body(%arg0: i32, %arg1: memref<256x768xf32, #tpu.memory_space<vmem>>, %arg2: memref<256x768xf32, #tpu.memory_space<vmem>>, %arg3: memref<256x768xf32, #tpu.memory_space<vmem>>, %arg4: memref<256x1xf32, #tpu.memory_space<vmem>>, %arg5: memref<256x1xf32, #tpu.memory_space<vmem>>, %arg6: memref<256x768xf32, #tpu.memory_space<vmem>>) attributes {dimension_semantics = [#tpu.dimension_semantics<arbitrary>], iteration_bounds = array<i64: 8>, scalar_prefetch = 0 : i64, scratch_operands = 0 : i64, tpu.core_type = #tpu.core_type<tc>, window_params = [{transform_indices = @transform_0, window_bounds = array<i64: 256, 768>}, {transform_indices = @transform_1, window_bounds = array<i64: 256, 768>}, {transform_indices = @transform_2, window_bounds = array<i64: 256, 768>}, {transform_indices = @transform_3, window_bounds = array<i64: 256, 1>}, {transform_indices = @transform_4, window_bounds = array<i64: 256, 1>}, {transform_indices = @transform_5, window_bounds = array<i64: 256, 768>}]} {
    %get3A = arith.constant 0 : index
    %get3A_0 = arith.constant 0 : index
    %get3A_1 = vector.load %arg1[%get3A, %get3A_0] : memref<256x768xf32, #tpu.memory_space<vmem>>, vector<256x768xf32>
    %get3A_2 = arith.constant 0 : index
    %get3A_3 = arith.constant 0 : index
    %get3A_4 = vector.load %arg4[%get3A_2, %get3A_3] : memref<256x1xf32, #tpu.memory_space<vmem>>, vector<256x1xf32>
    %convert_element_type3A = arith.truncf %get3A_4 : vector<256x1xf32> to vector<256x1xbf16>
    %convert_element_type3A_5 = arith.extf %convert_element_type3A : vector<256x1xbf16> to vector<256x1xf32>
    %get3A_6 = arith.constant 0 : index
    %get3A_7 = arith.constant 0 : index
    %get3A_8 = vector.load %arg2[%get3A_6, %get3A_7] : memref<256x768xf32, #tpu.memory_space<vmem>>, vector<256x768xf32>
    %convert_element_type3A_9 = arith.truncf %get3A_8 : vector<256x768xf32> to vector<256x768xbf16>
    %convert_element_type3A_10 = arith.extf %convert_element_type3A_9 : vector<256x768xbf16> to vector<256x768xf32>
    %mul3A = vector.broadcast %convert_element_type3A_5 : vector<256x1xf32> to vector<256x768xf32>
    %mul3A_11 = arith.mulf %mul3A, %convert_element_type3A_10 : vector<256x768xf32>
    %add3A = arith.addf %get3A_1, %mul3A_11 : vector<256x768xf32>
    %get3A_12 = arith.constant 0 : index
    %get3A_13 = arith.constant 0 : index
    %get3A_14 = vector.load %arg5[%get3A_12, %get3A_13] : memref<256x1xf32, #tpu.memory_space<vmem>>, vector<256x1xf32>
    %convert_element_type3A_15 = arith.truncf %get3A_14 : vector<256x1xf32> to vector<256x1xbf16>
    %convert_element_type3A_16 = arith.extf %convert_element_type3A_15 : vector<256x1xbf16> to vector<256x1xf32>
    %get3A_17 = arith.constant 0 : index
    %get3A_18 = arith.constant 0 : index
    %get3A_19 = vector.load %arg3[%get3A_17, %get3A_18] : memref<256x768xf32, #tpu.memory_space<vmem>>, vector<256x768xf32>
    %convert_element_type3A_20 = arith.truncf %get3A_19 : vector<256x768xf32> to vector<256x768xbf16>
    %convert_element_type3A_21 = arith.extf %convert_element_type3A_20 : vector<256x768xbf16> to vector<256x768xf32>
    %mul3A_22 = vector.broadcast %convert_element_type3A_16 : vector<256x1xf32> to vector<256x768xf32>
    %mul3A_23 = arith.mulf %mul3A_22, %convert_element_type3A_21 : vector<256x768xf32>
    %add3A_24 = arith.addf %add3A, %mul3A_23 : vector<256x768xf32>
    %swap3A = arith.constant 0 : index
    %swap3A_25 = arith.constant 0 : index
    %swap3A_26 = vector.load %arg6[%swap3A, %swap3A_25] : memref<256x768xf32, #tpu.memory_space<vmem>>, vector<256x768xf32>
    tpu.vector_store %arg6[%swap3A, %swap3A_25], %add3A_24 {strides = array<i32>} : memref<256x768xf32, #tpu.memory_space<vmem>>, vector<256x768xf32>,
    return
  }
  func.func @transform_0(%arg0: i32) -> (i32, i32) {
    %c0_i32 = arith.constant 0 : i32
    %c0_i32_0 = arith.constant 0 : i32
    return %arg0, %c0_i32 : i32, i32
  }
  func.func @transform_1(%arg0: i32) -> (i32, i32) {
    %c0_i32 = arith.constant 0 : i32
    %c0_i32_0 = arith.constant 0 : i32
    return %arg0, %c0_i32 : i32, i32
  }
  func.func @transform_2(%arg0: i32) -> (i32, i32) {
    %c0_i32 = arith.constant 0 : i32
    %c0_i32_0 = arith.constant 0 : i32
    return %arg0, %c0_i32 : i32, i32
  }
  func.func @transform_3(%arg0: i32) -> (i32, i32) {
    %c0_i32 = arith.constant 0 : i32
    %c0_i32_0 = arith.constant 0 : i32
    return %arg0, %c0_i32 : i32, i32
  }
  func.func @transform_4(%arg0: i32) -> (i32, i32) {
    %c0_i32 = arith.constant 0 : i32
    %c0_i32_0 = arith.constant 0 : i32
    return %arg0, %c0_i32 : i32, i32
  }
  func.func @transform_5(%arg0: i32) -> (i32, i32) {
    %c0_i32 = arith.constant 0 : i32
    %c0_i32_0 = arith.constant 0 : i32
    return %arg0, %c0_i32 : i32, i32
  }
}

</mosaic_0001>

<sc_bundles>
// kernel: kernel.11.cloned.1.call-start
scs
__scs_entry_jumppad:
0x0: {  	(pc) =	sbr.rel $0x88, $3  }
0x1: {  	(tag) =	ssettag $0x0;
	lr =	simm.s32 $0x1  }
0x2: {  	[smem:$0x3F96] =	sst lr;
	_ =	strace $0xD0000000  }
0x3: {  	_ = 	snop  }
0x4: {  	_ = 	snop  }
0x5: {  	_ = 	snop  }
0x6: {  	_ = 	snop  }
0x7: {  	_ = 	snop  }
__scs_overlays_trampoline_lowered:
0x8: {  	[smem:$0x3FA5] =	sst s0  }
0x9: {  	[smem:$0x3FA6] =	sst s1  }
0xa: {  	[smem:$0x3FA7] =	sst s2  }
0xb: {  	[smem:$0x3FA8] =	sst s3  }
0xc: {  	[smem:$0x3FA9] =	sst s4  }
0xd: {  	[smem:$0x3FAA] =	sst s5  }
0xe: {  	[smem:$0x3FAB] =	sst s6  }
0xf: {  	[smem:$0x3FAC] =	sst s7  }
0x10: {  	[smem:$0x3FAD] =	sst s8  }
0x11: {  	[smem:$0x3FAE] =	sst s9;
	s0 =	simm.s32 @!p0 $0x0  }
0x12: {  	s1 =	sld [smem:$0x3F94];
	s0 =	simm.s32 @p0 $0x1  }
0x13: {  	[smem:$0x3FAF] =	sst s0;
	s0 =	simm.s32 @!p1 $0x0  }
0x14: {  	s2 =	sld [smem:$0x3F93];
	s0 =	simm.s32 @p1 $0x1  }
0x15: {  	[smem:$0x3FB0] =	sst s0;
	s0 =	simm.s32 @!p2 $0x0  }
0x16: {  	s3 =	sld [smem:$0x3FDB];
	s0 =	simm.s32 @p2 $0x1  }
0x17: {  	s4 =	simm.s32 $0x1BF5;
	[smem:$0x3FB2] =	sst s0  }
0x18: {  	s0 =	sld [smem:$0x3F95];
	_ =	swait.ge [sflag:s4], $0x0  }
0x19: {  	s7 =	sld [smem:$0x3F96]  }
0x1a: {  	s8 =	sadd.s32 $0xFFFFE003, lr  }
0x1b: {  	s9 =	sadd.s32 $0xFFFFFEF7, lr;
	s5 =	simm.s32 $0xFFFFFFFF;
	p2 =	slt.u32 s8, $0xFFFFF086  }
0x1c: {  	p1 =	slt.u32 s9, $0xF7A;
	s5 =	simm.s32 @!p2 $0x0  }
0x1d: {  	s5 =	simm.s32 @p1 $0x1;
	p0 =	seq.s32 s7, s2  }
0x1e: {  	s7 =	smul.u32 @!p0 $0xF7A, s2;
	p2 =	seq.s32 @!p0 s5, $0x0  }
0x1f: {  	s9 =	smul.u32 $0xF7A, s1;
	s8 =	simm.s32 @!p0 $0x1BF5;
	p2 =	por !p2, p0  }
0x20: {  	[sflag:s8] =	ssyncset.s32 @!p0 $0xFFFFF086;
	s6 =	sadd.s32 @!p0 s3, s7;
	s7 =	simm.s32 @!p0 $0x108  }
0x21: {  	s3 =	sadd.s32 s3, s9;
	s6 =	sadd.s32 @!p0 $0x88, s6;
	s7 =	simm.s32 @p2 $0x1082  }
0x22: {  	[simem:s7], [sflag:s8] =	dma.local @!p0 [hbm:s6], $0xF7A  }
0x23: {  	s9 =	sor.u32 $0xD0000000, s2;
	s6 =	simm.s32 $0x108;
	_ =	swait.ge @!p0 [sflag:s8], $0x0  }
0x24: {  	s3 =	sadd.s32 $0x88, s3;
	s6 =	simm.s32 @!p1 $0x1082;
	[sflag:s4] =	ssyncset.s32 $0xFFFFF086  }
0x25: {  	[simem:s6], [sflag:s4] =	dma.local [hbm:s3], $0xF7A  }
0x26: {  	[smem:$0x3F96] =	sst s1;
	(tag) =	ssettag s2;
	_ =	strace s9  }
0x27: {  	s1 =	sld [smem:$0x3FA6]  }
0x28: {  	s2 =	sld [smem:$0x3FA7]  }
0x29: {  	s4 =	sld [smem:$0x3FA9]  }
0x2a: {  	p0 =	seq.s32 s5, $0x0;
	s5 =	sld [smem:$0x3FAA]  }
0x2b: {  	s6 =	sld [smem:$0x3FAB]  }
0x2c: {  	s7 =	sld [smem:$0x3FAC]  }
0x2d: {  	s3 =	simm.s32 $0x108;
	s8 =	sld [smem:$0x3FAD]  }
0x2e: {  	s3 =	simm.s32 @!p0 $0x1082;
	s9 =	sld [smem:$0x3FAE]  }
0x2f: {  	lr =	sadd.s32 s0, s3;
	s0 =	sld [smem:$0x3FA5]  }
0x30: {  	s3 =	sld [smem:$0x3FA8]  }
0x31: {  	[smem:$0x3FB1] =	sst s10  }
0x32: {  	s10 =	sld [smem:$0x3FAF];
	_ =	sdelay $0x3  }
0x33: {  	p0 =	seq.s32 s10, $0x1;
	s10 =	sld [smem:$0x3FB1];
	_ =	sdelay $0x3  }
0x34: {  	[smem:$0x3FB1] =	sst s10  }
0x35: {  	s10 =	sld [smem:$0x3FB0];
	_ =	sdelay $0x3  }
0x36: {  	p1 =	seq.s32 s10, $0x1;
	s10 =	sld [smem:$0x3FB1];
	_ =	sdelay $0x3  }
0x37: {  	[smem:$0x3FB1] =	sst s10  }
0x38: {  	s10 =	sld [smem:$0x3FB2]  }
0x39: {  	_ = 	snop;
	(pc) =	sbr.ind lr, $3  }
0x3a: {  	_ = 	snop  }
0x3b: {  	_ = 	snop  }
0x3c: {  	p2 =	seq.s32 s10, $0x1;
	s10 =	sld [smem:$0x3FB1]  }
0x3d: {  	_ =	shalt  }
0x3e: {  	_ =	shalt  }
0x3f: {  	_ =	shalt  }
0x40: {  	_ =	shalt  }
0x41: {  	_ =	shalt  }
0x42: {  	_ =	shalt  }
0x43: {  	_ =	shalt  }
0x44: {  	_ =	shalt  }
0x45: {  	_ =	shalt  }
0x46: {  	_ =	shalt  }
0x47: {  	_ =	shalt  }
0x48: {  	_ =	shalt  }
0x49: {  	_ =	shalt  }
0x4a: {  	_ =	shalt  }
0x4b: {  	_ =	shalt  }
0x4c: {  	_ =	shalt  }
0x4d: {  	_ =	shalt  }
0x4e: {  	_ =	shalt  }
0x4f: {  	_ =	shalt  }
0x50: {  	_ =	shalt  }
0x51: {  	_ =	shalt  }
0x52: {  	_ =	shalt  }
0x53: {  	_ =	shalt  }
0x54: {  	_ =	shalt  }
0x55: {  	_ =	shalt  }
0x56: {  	_ =	shalt  }
0x57: {  	_ =	shalt  }
0x58: {  	_ =	shalt  }
0x59: {  	_ =	shalt  }
0x5a: {  	_ =	shalt  }
0x5b: {  	_ =	shalt  }
0x5c: {  	_ =	shalt  }
0x5d: {  	_ =	shalt  }
0x5e: {  	_ =	shalt  }
0x5f: {  	_ =	shalt  }
0x60: {  	_ =	shalt  }
0x61: {  	_ =	shalt  }
0x62: {  	_ =	shalt  }
0x63: {  	_ =	shalt  }
0x64: {  	_ =	shalt  }
0x65: {  	_ =	shalt  }
0x66: {  	_ =	shalt  }
0x67: {  	_ =	shalt  }
0x68: {  	_ =	shalt  }
0x69: {  	_ =	shalt  }
0x6a: {  	_ =	shalt  }
0x6b: {  	_ =	shalt  }
0x6c: {  	_ =	shalt  }
0x6d: {  	_ =	shalt  }
0x6e: {  	_ =	shalt  }
0x6f: {  	_ =	shalt  }
0x70: {  	_ =	shalt  }
0x71: {  	_ =	shalt  }
0x72: {  	_ =	shalt  }
0x73: {  	_ =	shalt  }
0x74: {  	_ =	shalt  }
0x75: {  	_ =	shalt  }
0x76: {  	_ =	shalt  }
0x77: {  	_ =	shalt  }
0x78: {  	_ =	shalt  }
0x79: {  	_ =	shalt  }
0x7a: {  	_ =	shalt  }
0x7b: {  	_ =	shalt  }
0x7c: {  	_ =	shalt  }
0x7d: {  	_ =	shalt  }
0x7e: {  	_ =	shalt  }
0x7f: {  	_ =	shalt  }
0x80: {  	_ =	shalt  }
0x81: {  	_ =	shalt  }
0x82: {  	_ =	shalt  }
0x83: {  	_ =	shalt  }
0x84: {  	_ =	shalt  }
0x85: {  	_ =	shalt  }
0x86: {  	_ =	shalt  }
0x87: {  	_ =	shalt  }
.Lfunc_end0:
.L_simem_size_0:
called_computation.1_lowered:
.L_overlay_start_0:
0x88: {  	s2 =	sld [smem:$0x3FD9]  }
0x89: {  	s3 =	sld [smem:$0x3FFE];
	_ =	sdelay $0x1  }
0x8a: {  	s1 =	srdreg.scid  }
0x8b: {  	s0 =	sand.u32 $0x1, s1  }
0x8c: {  	s14 =	sshll.u32 s0, $0xA;
	s2 =	sadd.s32 s3, s2  }
0x8d: {  	s2 =	sadd.s32 s2, s14  }
0x8e: {  	[smem:$0x3FBD] =	sst s2  }
0x8f: {  	_ = 	snop  }
0x90: {  	s2 =	sld [smem:$0x3FD0];
	_ =	sdelay $0x2  }
0x91: {  	s15 =	simm.s32 $0xA;
	s4 =	simm.s32 $0x10  }
0x92: {  	[smem:s4], [sflag:s15] =	dma.local [hbm:s2], $0x1  }
0x93: {  	_ =	swait.eq [sflag:s15], $0x1  }
0x94: {  	[sflag:s15] =	ssyncset.done $0x0  }
0x95: {  	[sflag:s15] =	ssyncadd.s32 $0xFFFFFFFF  }
0x96: {  	s16 =	sld [smem:$0x10];
	(tm) =	ssettm $0x1  }
0x97: {  	s17 =	sld [smem:$0x3FFB];
	_ =	sdelay $0x3  }
0x98: {  	_ =	strace s17  }
0x99: {  	s3 =	sld [smem:$0x3FFC];
	_ =	sdelay $0x3  }
0x9a: {  	_ =	strace s3  }
0x9b: {  	s3 =	sld [smem:$0x3FFD];
	_ =	sdelay $0x3  }
0x9c: {  	_ =	strace s3  }
0x9d: {  	_ =	strace $0x8FFFFFFF  }
0x9e: {  	s18 =	sld [smem:$0x3FDB];
	_ =	sdelay $0x1  }
0x9f: {  	s19 =	simm.s32 $_scs_section_size  }
0xa0: {  	s5 =	simm.s32 $_size__tile_overlayer_lowered;
	s6 =	simm.s32 $_tile_overlayer_lowered  }
0xa1: {  	s22 =	simm.s32 $0x1BFF;
	s21 =	sshll.u32 s6, $0x1;
	s3 =	sadd.s32 s19, s18  }
0xa2: {  	s7 =	simm.s32 $0x0;
	s20 =	sshll.u32 s5, $0x1;
	s5 =	sadd.s32 s21, s3  }
0xa3: {  	[timem:s7], [sflag:s22] =	dma.local [hbm:s5], s20  }
0xa4: {  	_ =	swait.ge [sflag:s22], s20  }
0xa5: {  	s4 =	ssub.s32 $0x0, s20;
	[sflag:s22] =	ssyncset.done $0x0  }
0xa6: {  	[sflag:s22] =	ssyncadd.s32 s4;
	_ =	sdelay $0x1  }
0xa7: {  	s23 =	simm.s32 $0x1B8B  }
0xa8: {  	_ =	swait.ge [sflag:s23], $0x1  }
0xa9: {  	[sflag:s23] =	ssyncset.done $0x0  }
0xaa: {  	s25 =	simm.s32 $0x1B8E;
	s24 =	sld [smem:$0x3FFE];
	[sflag:s23] =	ssyncadd.s32 $0xFFFFFFFF  }
0xab: {  	s26 =	simm.s32 $execute0_lowered;
	[smem:$0x3FD2] =	sst s25  }
0xac: {  	s5 =	sshll.u32 s26, $0x1;
	_ =	strace $0x80000049;
	[dreg:$0x1] =	wrdreg $0xFFFFFFFF  }
0xad: {  	s28 =	simm.s32 $_size_execute0_lowered;
	s3 =	sadd.s32 s3, s5;
	[dreg:$0x0] =	wrdreg $0x0  }
0xae: {  	s5 =	sshll.u32 s28, $0x1;
	[dreg:$0x2] =	wrdreg s3  }
0xaf: {  	[dreg:$0x3] =	wrdreg s5  }
0xb0: {  	[dreg:$0x4] =	wrdreg $0xC0  }
0xb1: {  	_ =	task [dreg:s7], $0x5FFFF  }
0xb2: {  	[dreg:$0x1] =	wrdreg $0xFFFFFFFF  }
0xb3: {  	[dreg:$0x0] =	wrdreg $0x60  }
0xb4: {  	[dreg:$0x2] =	wrdreg s24  }
0xb5: {  	[dreg:$0x3] =	wrdreg s16  }
0xb6: {  	[dreg:$0x4] =	wrdreg $0x9  }
0xb7: {  	_ =	task.clear_ibuf [dreg:s7], $0x5FFFF;
	_ =	strace $0x90000049  }
0xb8: {  	s29 =	simm.s32 $0x9;
	_ =	strace $0x8000004B  }
0xb9: {  	_ =	swait.ge [sflag:s29], $0x1  }
0xba: {  	[sflag:s29] =	ssyncadd.s32 $0xFFFFFFFF  }
0xbb: {  	_ =	strace $0x9000004B  }
0xbc: {  	_ =	sfence  }
0xbd: {  	s30 =	sld [smem:$0x0];
	_ =	sdelay $0x2  }
0xbe: {  	s31 =	sshll.u32 s1, $0xD;
	s1 =	sshrl.u32 s1, $0x2  }
0xbf: {  	s3 =	sand.u32 $0x4000, s31;
	s1 =	sadd.s32 s1, s30  }
0xc0: {  	s0 =	sor.u32 s3, s0;
	s1 =	sshll.u32 s1, $0x11  }
0xc1: {  	s0 =	sor.u32 s1, s0  }
0xc2: {  	s0 =	sadd.s32 $0x8F2B, s0  }
0xc3: {  	[sflag:s0] =	ssyncadd.remote.s32 $0x1  }
0xc4: {  	_ =	sfence.sel $0xFFFF  }
0xc5: {  	[dreg:$0x0] =	wrdreg $0xFFFFFFFF;
	(pc) =	sbr.abs _section_cstart, $3  }
0xc6: {  	[dreg:$0x1] =	wrdreg $0xFFFFFFFF  }
0xc7: {  	_ =	task.clear_ibuf [dreg:s7], $0x2FFFF;
	_ =	strace $0x9FFFFFFF  }
0xc8: {  	(tm) =	ssettm $0x7FFFFFFF  }
0xc9: {  	_ =	shalt  }
tec
execute0_lowered:
.L_overlay_start_1:
0x0: {  	(tag) =	ssettag $0x1  }
0x1: {  	s2 =	srdreg.scid;
	s1 =	rddreg [dreg:$0x0]  }
0x2: {  	s3 =	rddreg [dreg:$0x1];
	s4 =	sand.u32 $0x1, s2;
	s2 =	simm.s32 $0x0  }
0x3: {  	s23 =	simm.s32 $0x80;
	[smem:$0x7FF] =	sst s2  }
0x4: {  	s24 =	simm.s32 $0x900;
	_ =	strace $0x8000004A;
	[dreg:$0x7] =	wrdreg s23  }
0x5: {  	s25 =	simm.s32 $0x1100;
	[dreg:$0x8] =	wrdreg s24  }
0x6: {  	s0 =	stileid.u32;
	s26 =	simm.s32 $0x1900;
	[dreg:$0x9] =	wrdreg s25  }
0x7: {  	s5 =	sshll.u32 s0, $0x4;
	s0 =	simm.s32 $0x2100;
	[dreg:$0xa] =	wrdreg s26  }
0x8: {  	s8 =	simm.s32 $0x4100;
	[dreg:$0xb] =	wrdreg s0  }
0x9: {  	s9 =	simm.s32 $0x4900;
	[dreg:$0xf] =	wrdreg s8  }
0xa: {  	s10 =	simm.s32 $0x5100;
	[dreg:$0x10] =	wrdreg s9  }
0xb: {  	s11 =	simm.s32 $0x5900;
	[dreg:$0x11] =	wrdreg s10  }
0xc: {  	s12 =	simm.s32 $0x6100;
	[dreg:$0x12] =	wrdreg s11  }
0xd: {  	s13 =	simm.s32 $0x6900;
	[dreg:$0x13] =	wrdreg s12  }
0xe: {  	s14 =	simm.s32 $0x7100;
	s15 =	simm.s32 $0x7900;
	[dreg:$0x14] =	wrdreg s13  }
0xf: {  	s16 =	simm.s32 $0x8100;
	s17 =	simm.s32 $0x8900;
	[dreg:$0x15] =	wrdreg s14  }
0x10: {  	s18 =	simm.s32 $0x9100;
	s20 =	simm.s32 $0x9900;
	[dreg:$0x16] =	wrdreg s15  }
0x11: {  	s28 =	simm.s32 $0x16100;
	s29 =	simm.s32 $0x16900;
	[dreg:$0x17] =	wrdreg s16  }
0x12: {  	s30 =	simm.s32 $0x17100;
	s31 =	simm.s32 $0x17900;
	[dreg:$0x18] =	wrdreg s17  }
0x13: {  	s6 =	sshll.u32 s4, $0x3;
	s4 =	ssub.s32 $0x2, s4;
	[dreg:$0x19] =	wrdreg s18  }
0x14: {  	s5 =	sor.u32 s6, s5;
	s19 =	sshrl.u32 s4, $0x1;
	[dreg:$0x1a] =	wrdreg s20  }
0x15: {  	s23 =	simm.s32 $0xB100;
	s24 =	simm.s32 $0xB900;
	s25 =	simm.s32 $0xC900  }
0x16: {  	s8 =	simm.s32 $0x100;
	s26 =	simm.s32 $0xD100;
	s9 =	simm.s32 $0xC100  }
0x17: {  	s11 =	simm.s32 $0xE100;
	s12 =	simm.s32 $0xE900;
	s13 =	simm.s32 $0xF100  }
0x18: {  	s14 =	simm.s32 $0xF900;
	s15 =	simm.s32 $0x10100;
	[dreg:$0x1d] =	wrdreg s23  }
0x19: {  	s16 =	simm.s32 $0x10900;
	s17 =	simm.s32 $0x11100;
	[dreg:$0x1e] =	wrdreg s24  }
0x1a: {  	s18 =	simm.s32 $0x11900;
	s6 =	sadd.s32 s5, s1;
	[dreg:$0x1f] =	wrdreg s25  }
0x1b: {  	s5 =	smul.u32 $0x300, s5;
	[smem:$0x7FD] =	sst s26;
	s7 =	sadd.s32 $0x2000, s6  }
0x1c: {  	s20 =	simm.s32 $0x12900;
	s6 =	sadd.s32 $0x2200, s6;
	[dreg:$0x3] =	wrdreg s7  }
0x1d: {  	s23 =	simm.s32 $0x14100;
	[dreg:$0x4] =	wrdreg s6;
	s3 =	sadd.s32 s3, s5  }
0x1e: {  	s21 =	sadd.s32 s5, s1;
	s5 =	simm.s32 $0x2900;
	[dreg:$0x5] =	wrdreg s3  }
0x1f: {  	s24 =	simm.s32 $0x14900;
	s6 =	simm.s32 $0x3100;
	[dreg:$0xc] =	wrdreg s5  }
0x20: {  	s25 =	simm.s32 $0x15100;
	s7 =	simm.s32 $0x3900;
	[dreg:$0xd] =	wrdreg s6  }
0x21: {  	s26 =	simm.s32 $0x15900;
	s22 =	sadd.s32 $0x2400, s21;
	[dreg:$0xe] =	wrdreg s7  }
0x22: {  	s3 =	sadd.s32 $0xC2400, s1;
	s6 =	ssub.s32 s4, s19;
	s21 =	simm.s32 $0xA100  }
0x23: {  	s4 =	sadd.s32 $0xC2500, s1;
	s5 =	sadd.s32 $0xC2600, s1;
	s7 =	simm.s32 $0x2  }
0x24: {  	v2 =	vlaneseq.u32;
	s19 =	simm.s32 $0x12100;
	s1 =	simm.s32 $0x1;
	[dreg:$0x6] =	wrdreg s22  }
0x25: {  	vm0 =	vmmov $0xffff;
	v1 =	vshrl.u32 v2, $0x3;
	[dreg:$0x1b] =	wrdreg s21;
	s22 =	simm.s32 $0xA900;
	s6 =	smax.u32 s6, $0x1  }
0x26: {  	v0 =	vand.u32 $0x7, v2;
	v2 =	vor.u32 $0x8, v2;
	v1 =	vmul.u32 $0x8, v1;
	s21 =	simm.s32 $0x13100;
	[dreg:$0x1c] =	wrdreg s22;
	s22 =	simm.s32 $0x13900  }
.LBB2_1:
0x27: {  	s0 =	rddreg [dreg:$0x3]  }
0x28: {  	[tilespmem:s2], [sflag:$0x2] =	stream.linear.gather [hbm4b:s0+s2], $0x40, $0x38;
	[tilespmem:$0x18100] =	vst v63  }
0x29: {  	_ =	swait.ge [sflag:s7], $0x40  }
0x2a: {  	s0 =	rddreg [dreg:$0x4];
	[sflag:s7] =	ssyncset.done $0x0  }
0x2b: {  	s10 =	rddreg [dreg:$0x7];
	[sflag:s7] =	ssyncadd.s32 $0xFFFFFFC0  }
0x2c: {  	[tilespmem:s10], [sflag:$0x2] =	stream.linear.gather [hbm4b:s0+s2], $0x40, $0x38;
	[tilespmem:$0x18100] =	vst v63  }
0x2d: {  	_ =	swait.ge [sflag:s7], $0x40  }
0x2e: {  	[sflag:s7] =	ssyncset.done $0x0  }
0x2f: {  	[sflag:s7] =	ssyncadd.s32 $0xFFFFFFC0  }
0x30: {  	v3 =	vld [tilespmem:$0x0];
	_ =	sdelay $0x4  }
0x31: {  	v4 =	vshrl.u32 v3, $0x3  }
0x32: {  	v4 =	vmul.u32 $0x30, v4  }
0x33: {  	v3 =	vand.u32 $0x7, v3  }
0x34: {  	v3 =	vor.u32 v3, v4  }
0x35: {  	v4 =	vperm.xlane v3, v0;
	_ =	sdelay $0x1  }
0x36: {  	v4 =	vadd.s32 v1, v4;
	_ =	sdelay $0x3  }
0x37: {  	v3 =	vperm.xlane v3, v2  }
0x38: {  	[tilespmem:s8], [sflag:$0x1] =	stream.indirect_vreg.gather [hbm4b:s3+s2], $0x80, v4, vm0, $0xb8;
	[tilespmem:$0x18100] =	vst v63  }
0x39: {  	s0 =	rddreg [dreg:$0x8];
	v3 =	vadd.s32 v1, v3  }
0x3a: {  	[tilespmem:s0], [sflag:$0x1] =	stream.indirect_vreg.gather [hbm4b:s4+s2], $0x80, v4, vm0, $0xb8;
	[tilespmem:$0x18100] =	vst v63  }
0x3b: {  	s10 =	rddreg [dreg:$0x9]  }
0x3c: {  	[tilespmem:s10], [sflag:$0x1] =	stream.indirect_vreg.gather [hbm4b:s5+s2], $0x80, v4, vm0, $0xb8;
	[tilespmem:$0x18100] =	vst v63  }
0x3d: {  	s0 =	rddreg [dreg:$0xa]  }
0x3e: {  	[tilespmem:s0], [sflag:$0x1] =	stream.indirect_vreg.gather [hbm4b:s3+s2], $0x80, v3, vm0, $0xb8;
	[tilespmem:$0x18100] =	vst v63  }
0x3f: {  	s10 =	rddreg [dreg:$0xb]  }
0x40: {  	[tilespmem:s10], [sflag:$0x1] =	stream.indirect_vreg.gather [hbm4b:s4+s2], $0x80, v3, vm0, $0xb8;
	[tilespmem:$0x18100] =	vst v63  }
0x41: {  	s0 =	rddreg [dreg:$0xc]  }
0x42: {  	[tilespmem:s0], [sflag:$0x1] =	stream.indirect_vreg.gather [hbm4b:s5+s2], $0x80, v3, vm0, $0xb8;
	[tilespmem:$0x18100] =	vst v63  }
0x43: {  	v3 =	vld [tilespmem:$0x10];
	_ =	sdelay $0x4  }
0x44: {  	v57 =	vshrl.u32 v3, $0x3  }
0x45: {  	v4 =	vmul.u32 $0x30, v57  }
0x46: {  	v3 =	vand.u32 $0x7, v3  }
0x47: {  	v3 =	vor.u32 v3, v4  }
0x48: {  	v4 =	vperm.xlane v3, v0;
	_ =	sdelay $0x1  }
0x49: {  	v4 =	vadd.s32 v1, v4;
	_ =	sdelay $0x3  }
0x4a: {  	s0 =	rddreg [dreg:$0xd];
	v3 =	vperm.xlane v3, v2  }
0x4b: {  	[tilespmem:s0], [sflag:$0x1] =	stream.indirect_vreg.gather [hbm4b:s3+s2], $0x80, v4, vm0, $0xb8;
	[tilespmem:$0x18100] =	vst v63  }
0x4c: {  	s10 =	rddreg [dreg:$0xe];
	v3 =	vadd.s32 v1, v3  }
0x4d: {  	[tilespmem:s10], [sflag:$0x1] =	stream.indirect_vreg.gather [hbm4b:s4+s2], $0x80, v4, vm0, $0xb8;
	[tilespmem:$0x18100] =	vst v63  }
0x4e: {  	s0 =	rddreg [dreg:$0xf]  }
0x4f: {  	[tilespmem:s0], [sflag:$0x1] =	stream.indirect_vreg.gather [hbm4b:s5+s2], $0x80, v4, vm0, $0xb8;
	[tilespmem:$0x18100] =	vst v63  }
0x50: {  	s10 =	rddreg [dreg:$0x10]  }
0x51: {  	[tilespmem:s10], [sflag:$0x1] =	stream.indirect_vreg.gather [hbm4b:s3+s2], $0x80, v3, vm0, $0xb8;
	[tilespmem:$0x18100] =	vst v63  }
0x52: {  	s0 =	rddreg [dreg:$0x11]  }
0x53: {  	[tilespmem:s0], [sflag:$0x1] =	stream.indirect_vreg.gather [hbm4b:s4+s2], $0x80, v3, vm0, $0xb8;
	[tilespmem:$0x18100] =	vst v63  }
0x54: {  	s10 =	rddreg [dreg:$0x12]  }
0x55: {  	[tilespmem:s10], [sflag:$0x1] =	stream.indirect_vreg.gather [hbm4b:s5+s2], $0x80, v3, vm0, $0xb8;
	[tilespmem:$0x18100] =	vst v63  }
0x56: {  	v3 =	vld [tilespmem:$0x20];
	_ =	sdelay $0x4  }
0x57: {  	v58 =	vshrl.u32 v3, $0x3  }
0x58: {  	v4 =	vmul.u32 $0x30, v58  }
0x59: {  	v3 =	vand.u32 $0x7, v3  }
0x5a: {  	v3 =	vor.u32 v3, v4  }
0x5b: {  	v4 =	vperm.xlane v3, v0;
	_ =	sdelay $0x1  }
0x5c: {  	v4 =	vadd.s32 v1, v4;
	_ =	sdelay $0x3  }
0x5d: {  	s0 =	rddreg [dreg:$0x13];
	v3 =	vperm.xlane v3, v2  }
0x5e: {  	[tilespmem:s0], [sflag:$0x1] =	stream.indirect_vreg.gather [hbm4b:s3+s2], $0x80, v4, vm0, $0xb8;
	[tilespmem:$0x18100] =	vst v63  }
0x5f: {  	s10 =	rddreg [dreg:$0x14];
	v3 =	vadd.s32 v1, v3  }
0x60: {  	[tilespmem:s10], [sflag:$0x1] =	stream.indirect_vreg.gather [hbm4b:s4+s2], $0x80, v4, vm0, $0xb8;
	[tilespmem:$0x18100] =	vst v63  }
0x61: {  	s0 =	rddreg [dreg:$0x15]  }
0x62: {  	[tilespmem:s0], [sflag:$0x1] =	stream.indirect_vreg.gather [hbm4b:s5+s2], $0x80, v4, vm0, $0xb8;
	[tilespmem:$0x18100] =	vst v63  }
0x63: {  	s10 =	rddreg [dreg:$0x16]  }
0x64: {  	[tilespmem:s10], [sflag:$0x1] =	stream.indirect_vreg.gather [hbm4b:s3+s2], $0x80, v3, vm0, $0xb8;
	[tilespmem:$0x18100] =	vst v63  }
0x65: {  	s0 =	rddreg [dreg:$0x17]  }
0x66: {  	[tilespmem:s0], [sflag:$0x1] =	stream.indirect_vreg.gather [hbm4b:s4+s2], $0x80, v3, vm0, $0xb8;
	[tilespmem:$0x18100] =	vst v63  }
0x67: {  	s10 =	rddreg [dreg:$0x18]  }
0x68: {  	[tilespmem:s10], [sflag:$0x1] =	stream.indirect_vreg.gather [hbm4b:s5+s2], $0x80, v3, vm0, $0xb8;
	[tilespmem:$0x18100] =	vst v63  }
0x69: {  	v3 =	vld [tilespmem:$0x30];
	_ =	sdelay $0x4  }
0x6a: {  	v59 =	vshrl.u32 v3, $0x3  }
0x6b: {  	v4 =	vmul.u32 $0x30, v59  }
0x6c: {  	v3 =	vand.u32 $0x7, v3  }
0x6d: {  	v3 =	vor.u32 v3, v4  }
0x6e: {  	v4 =	vperm.xlane v3, v0;
	_ =	sdelay $0x1  }
0x6f: {  	v4 =	vadd.s32 v1, v4;
	_ =	sdelay $0x3  }
0x70: {  	s0 =	rddreg [dreg:$0x19];
	v3 =	vperm.xlane v3, v2  }
0x71: {  	[tilespmem:s0], [sflag:$0x1] =	stream.indirect_vreg.gather [hbm4b:s3+s2], $0x80, v4, vm0, $0xb8;
	[tilespmem:$0x18100] =	vst v63  }
0x72: {  	s10 =	rddreg [dreg:$0x1a];
	v3 =	vadd.s32 v1, v3  }
0x73: {  	[tilespmem:s10], [sflag:$0x1] =	stream.indirect_vreg.gather [hbm4b:s4+s2], $0x80, v4, vm0, $0xb8;
	[tilespmem:$0x18100] =	vst v63  }
0x74: {  	s0 =	rddreg [dreg:$0x1b]  }
0x75: {  	[tilespmem:s0], [sflag:$0x1] =	stream.indirect_vreg.gather [hbm4b:s5+s2], $0x80, v4, vm0, $0xb8;
	[tilespmem:$0x18100] =	vst v63  }
0x76: {  	s10 =	rddreg [dreg:$0x1c]  }
0x77: {  	[tilespmem:s10], [sflag:$0x1] =	stream.indirect_vreg.gather [hbm4b:s3+s2], $0x80, v3, vm0, $0xb8;
	[tilespmem:$0x18100] =	vst v63  }
0x78: {  	s0 =	rddreg [dreg:$0x1d]  }
0x79: {  	[tilespmem:s0], [sflag:$0x1] =	stream.indirect_vreg.gather [hbm4b:s4+s2], $0x80, v3, vm0, $0xb8;
	[tilespmem:$0x18100] =	vst v63  }
0x7a: {  	s10 =	rddreg [dreg:$0x1e]  }
0x7b: {  	[tilespmem:s10], [sflag:$0x1] =	stream.indirect_vreg.gather [hbm4b:s5+s2], $0x80, v3, vm0, $0xb8;
	[tilespmem:$0x18100] =	vst v63  }
0x7c: {  	v3 =	vld [tilespmem:$0x80];
	_ =	sdelay $0x4  }
0x7d: {  	v60 =	vshrl.u32 v3, $0x3  }
0x7e: {  	v4 =	vmul.u32 $0x30, v60  }
0x7f: {  	v3 =	vand.u32 $0x7, v3  }
0x80: {  	v3 =	vor.u32 v3, v4  }
0x81: {  	v4 =	vperm.xlane v3, v0;
	_ =	sdelay $0x1  }
0x82: {  	v4 =	vadd.s32 v1, v4;
	_ =	sdelay $0x3  }
0x83: {  	s0 =	rddreg [dreg:$0x1f];
	v3 =	vperm.xlane v3, v2  }
0x84: {  	[tilespmem:s9], [sflag:$0x1] =	stream.indirect_vreg.gather [hbm4b:s3+s2], $0x80, v4, vm0, $0xb8;
	[tilespmem:$0x18100] =	vst v63  }
0x85: {  	s10 =	sld [smem:$0x7FD];
	v3 =	vadd.s32 v1, v3  }
0x86: {  	[tilespmem:s0], [sflag:$0x1] =	stream.indirect_vreg.gather [hbm4b:s4+s2], $0x80, v4, vm0, $0xb8;
	[tilespmem:$0x18100] =	vst v63  }
0x87: {  	_ = 	snop  }
0x88: {  	[tilespmem:s10], [sflag:$0x1] =	stream.indirect_vreg.gather [hbm4b:s5+s2], $0x80, v4, vm0, $0xb8;
	[tilespmem:$0x18100] =	vst v63  }
0x89: {  	s10 =	simm.s32 $0xD900  }
0x8a: {  	[tilespmem:s10], [sflag:$0x1] =	stream.indirect_vreg.gather [hbm4b:s3+s2], $0x80, v3, vm0, $0xb8;
	[tilespmem:$0x18100] =	vst v63  }
0x8b: {  	_ = 	snop  }
0x8c: {  	[tilespmem:s11], [sflag:$0x1] =	stream.indirect_vreg.gather [hbm4b:s4+s2], $0x80, v3, vm0, $0xb8;
	[tilespmem:$0x18100] =	vst v63  }
0x8d: {  	_ = 	snop  }
0x8e: {  	[tilespmem:s12], [sflag:$0x1] =	stream.indirect_vreg.gather [hbm4b:s5+s2], $0x80, v3, vm0, $0xb8;
	[tilespmem:$0x18100] =	vst v63  }
0x8f: {  	v3 =	vld [tilespmem:$0x90];
	_ =	sdelay $0x4  }
0x90: {  	v61 =	vshrl.u32 v3, $0x3  }
0x91: {  	v4 =	vmul.u32 $0x30, v61  }
0x92: {  	v3 =	vand.u32 $0x7, v3  }
0x93: {  	v3 =	vor.u32 v3, v4  }
0x94: {  	v4 =	vperm.xlane v3, v0;
	_ =	sdelay $0x1  }
0x95: {  	v4 =	vadd.s32 v1, v4;
	_ =	sdelay $0x3  }
0x96: {  	v3 =	vperm.xlane v3, v2  }
0x97: {  	[tilespmem:s13], [sflag:$0x1] =	stream.indirect_vreg.gather [hbm4b:s3+s2], $0x80, v4, vm0, $0xb8;
	[tilespmem:$0x18100] =	vst v63  }
0x98: {  	v3 =	vadd.s32 v1, v3  }
0x99: {  	[tilespmem:s14], [sflag:$0x1] =	stream.indirect_vreg.gather [hbm4b:s4+s2], $0x80, v4, vm0, $0xb8;
	[tilespmem:$0x18100] =	vst v63  }
0x9a: {  	_ = 	snop  }
0x9b: {  	[tilespmem:s15], [sflag:$0x1] =	stream.indirect_vreg.gather [hbm4b:s5+s2], $0x80, v4, vm0, $0xb8;
	[tilespmem:$0x18100] =	vst v63  }
0x9c: {  	_ = 	snop  }
0x9d: {  	[tilespmem:s16], [sflag:$0x1] =	stream.indirect_vreg.gather [hbm4b:s3+s2], $0x80, v3, vm0, $0xb8;
	[tilespmem:$0x18100] =	vst v63  }
0x9e: {  	_ = 	snop  }
0x9f: {  	[tilespmem:s17], [sflag:$0x1] =	stream.indirect_vreg.gather [hbm4b:s4+s2], $0x80, v3, vm0, $0xb8;
	[tilespmem:$0x18100] =	vst v63  }
0xa0: {  	_ = 	snop  }
0xa1: {  	[tilespmem:s18], [sflag:$0x1] =	stream.indirect_vreg.gather [hbm4b:s5+s2], $0x80, v3, vm0, $0xb8;
	[tilespmem:$0x18100] =	vst v63  }
0xa2: {  	v3 =	vld [tilespmem:$0xA0];
	_ =	sdelay $0x4  }
0xa3: {  	v62 =	vshrl.u32 v3, $0x3  }
0xa4: {  	v4 =	vmul.u32 $0x30, v62  }
0xa5: {  	v3 =	vand.u32 $0x7, v3  }
0xa6: {  	v3 =	vor.u32 v3, v4  }
0xa7: {  	v4 =	vperm.xlane v3, v0;
	_ =	sdelay $0x1  }
0xa8: {  	v4 =	vadd.s32 v1, v4;
	_ =	sdelay $0x3  }
0xa9: {  	v3 =	vperm.xlane v3, v2  }
0xaa: {  	[tilespmem:s19], [sflag:$0x1] =	stream.indirect_vreg.gather [hbm4b:s3+s2], $0x80, v4, vm0, $0xb8;
	[tilespmem:$0x18100] =	vst v63  }
0xab: {  	v3 =	vadd.s32 v1, v3  }
0xac: {  	[tilespmem:s20], [sflag:$0x1] =	stream.indirect_vreg.gather [hbm4b:s4+s2], $0x80, v4, vm0, $0xb8;
	[tilespmem:$0x18100] =	vst v63  }
0xad: {  	_ = 	snop  }
0xae: {  	[tilespmem:s21], [sflag:$0x1] =	stream.indirect_vreg.gather [hbm4b:s5+s2], $0x80, v4, vm0, $0xb8;
	[tilespmem:$0x18100] =	vst v63  }
0xaf: {  	_ = 	snop  }
0xb0: {  	[tilespmem:s22], [sflag:$0x1] =	stream.indirect_vreg.gather [hbm4b:s3+s2], $0x80, v3, vm0, $0xb8;
	[tilespmem:$0x18100] =	vst v63  }
0xb1: {  	_ = 	snop  }
0xb2: {  	[tilespmem:s23], [sflag:$0x1] =	stream.indirect_vreg.gather [hbm4b:s4+s2], $0x80, v3, vm0, $0xb8;
	[tilespmem:$0x18100] =	vst v63  }
0xb3: {  	_ = 	snop  }
0xb4: {  	[tilespmem:s24], [sflag:$0x1] =	stream.indirect_vreg.gather [hbm4b:s5+s2], $0x80, v3, vm0, $0xb8;
	[tilespmem:$0x18100] =	vst v63  }
0xb5: {  	v3 =	vld [tilespmem:$0xB0];
	_ =	sdelay $0x4  }
0xb6: {  	v63 =	vshrl.u32 v3, $0x3  }
0xb7: {  	v4 =	vmul.u32 $0x30, v63  }
0xb8: {  	v3 =	vand.u32 $0x7, v3  }
0xb9: {  	v3 =	vor.u32 v3, v4  }
0xba: {  	v4 =	vperm.xlane v3, v0;
	_ =	sdelay $0x1  }
0xbb: {  	v4 =	vadd.s32 v1, v4;
	_ =	sdelay $0x3  }
0xbc: {  	v3 =	vperm.xlane v3, v2  }
0xbd: {  	[tilespmem:s25], [sflag:$0x1] =	stream.indirect_vreg.gather [hbm4b:s3+s2], $0x80, v4, vm0, $0xb8;
	[tilespmem:$0x18100] =	vst v63  }
0xbe: {  	v3 =	vadd.s32 v1, v3  }
0xbf: {  	[tilespmem:s26], [sflag:$0x1] =	stream.indirect_vreg.gather [hbm4b:s4+s2], $0x80, v4, vm0, $0xb8;
	[tilespmem:$0x18100] =	vst v63  }
0xc0: {  	_ = 	snop  }
0xc1: {  	[tilespmem:s28], [sflag:$0x1] =	stream.indirect_vreg.gather [hbm4b:s5+s2], $0x80, v4, vm0, $0xb8;
	[tilespmem:$0x18100] =	vst v63  }
0xc2: {  	_ = 	snop  }
0xc3: {  	[tilespmem:s29], [sflag:$0x1] =	stream.indirect_vreg.gather [hbm4b:s3+s2], $0x80, v3, vm0, $0xb8;
	[tilespmem:$0x18100] =	vst v63  }
0xc4: {  	_ = 	snop  }
0xc5: {  	[tilespmem:s30], [sflag:$0x1] =	stream.indirect_vreg.gather [hbm4b:s4+s2], $0x80, v3, vm0, $0xb8;
	[tilespmem:$0x18100] =	vst v63  }
0xc6: {  	_ = 	snop  }
0xc7: {  	[tilespmem:s31], [sflag:$0x1] =	stream.indirect_vreg.gather [hbm4b:s5+s2], $0x80, v3, vm0, $0xb8;
	[tilespmem:$0x18100] =	vst v63  }
0xc8: {  	_ =	swait.ge [sflag:s1], $0xC000  }
0xc9: {  	[sflag:s1] =	ssyncset.done $0x0  }
0xca: {  	s10 =	rddreg [dreg:$0x5];
	[sflag:s1] =	ssyncadd.s32 $0xFFFF4000  }
0xcb: {  	[hbm4b:s10+s2] =	stream.linear.scatter [tilespmem:s8], [sflag:$0x2], $0xC000, $0x38;
	[tilespmem:$0x18100] =	vst v63  }
0xcc: {  	_ =	swait.ge [sflag:s7], $0xC000  }
0xcd: {  	[sflag:s7] =	ssyncset.done $0x0  }
0xce: {  	[sflag:s7] =	ssyncadd.s32 $0xFFFF4000  }
0xcf: {  	_ =	swait.ge [sflag:s1], $0xC000  }
0xd0: {  	p0 =	sne.s32 s6, $0x1;
	[sflag:s1] =	ssyncset.done $0x0  }
.Ltmp0:
0xd1: {  	s10 =	rddreg [dreg:$0x6];
	[sflag:s1] =	ssyncadd.s32 $0xFFFF4000;
	(pc) =	sbr.rel @p0 .LBB2_1-.Ltmp0, $4  }
0xd2: {  	[hbm4b:s10+s2] =	stream.linear.scatter [tilespmem:s9], [sflag:$0x2], $0xC000, $0x38;
	[tilespmem:$0x18100] =	vst v63  }
0xd3: {  	_ =	swait.ge [sflag:s7], $0xC000  }
0xd4: {  	[sflag:s7] =	ssyncset.done $0x0  }
0xd5: {  	s6 =	sadd.s32 $0xFFFFFFFF, s6;
	[sflag:s7] =	ssyncadd.s32 $0xFFFF4000  }
0xd6: {  	_ =	sfence.sel $0x180000  }
0xd7: {  	[bflag:$0x0] =	sbarrier.arrive $0xFFFF  }
0xd8: {  	_ =	strace $0x9000004A  }
0xd9: {  	s0 =	stileid.u32;
	[bflag:$0x2] =	sbarrier.arrive $0xFFFF  }
0xda: {  	p0 =	sne.s32 s0, $0x0;
	s0 =	rddreg [dreg:$0x2]  }
0xdb: {  	s0 =	sadd.s32 @!p0 $0x100000, s0  }
0xdc: {  	[sflag:s0] =	ssyncadd.tile.s32 @!p0 $0x1;
	_ =	shalt  }
.Lfunc_end2:
_tile_overlayer_lowered:
.L_overlay_start_2:
0xdd: {  	(tag) =	ssettag $0x2  }
0xde: {  	s0 =	rddreg [dreg:$0x0];
	s2 =	stileid.u32  }
0xdf: {  	s1 =	rddreg [dreg:$0x1];
	p0 =	sne.s32 s2, $0x0  }
0xe0: {  	s3 =	rddreg [dreg:$0x2];
	[bflag:$0x3] =	sbarrier.arrive $0xFFFF;
	s2 =	simm.s32 @!p0 $0x1C02  }
0xe1: {  	[timem:s3], [sflag:s2] =	dma.local @!p0 [hbm:s0], s1  }
0xe2: {  	s0 =	simm.s32 @!p0 $0x2  }
0xe3: {  	_ =	swait.ge @!p0 [sflag:s0], s1  }
0xe4: {  	s1 =	ssub.s32 @!p0 $0x0, s1;
	[sflag:s0] =	ssyncset.done @!p0 $0x0  }
0xe5: {  	[sflag:s0] =	ssyncadd.s32 @!p0 s1  }
0xe6: {  	[bflag:$0x3] =	sbarrier.arrive $0xFFFF  }
0xe7: {  	_ =	shalt  }

// kernel: kernel.8.cloned.1.call-start
scs
__scs_entry_jumppad:
0x0: {  	(pc) =	sbr.rel $0x88, $3  }
0x1: {  	(tag) =	ssettag $0x0;
	lr =	simm.s32 $0x1  }
0x2: {  	[smem:$0x3F96] =	sst lr;
	_ =	strace $0xD0000000  }
0x3: {  	_ = 	snop  }
0x4: {  	_ = 	snop  }
0x5: {  	_ = 	snop  }
0x6: {  	_ = 	snop  }
0x7: {  	_ = 	snop  }
__scs_overlays_trampoline_lowered:
0x8: {  	[smem:$0x3FA5] =	sst s0  }
0x9: {  	[smem:$0x3FA6] =	sst s1  }
0xa: {  	[smem:$0x3FA7] =	sst s2  }
0xb: {  	[smem:$0x3FA8] =	sst s3  }
0xc: {  	[smem:$0x3FA9] =	sst s4  }
0xd: {  	[smem:$0x3FAA] =	sst s5  }
0xe: {  	[smem:$0x3FAB] =	sst s6  }
0xf: {  	[smem:$0x3FAC] =	sst s7  }
0x10: {  	[smem:$0x3FAD] =	sst s8  }
0x11: {  	[smem:$0x3FAE] =	sst s9;
	s0 =	simm.s32 @!p0 $0x0  }
0x12: {  	s1 =	sld [smem:$0x3F94];
	s0 =	simm.s32 @p0 $0x1  }
0x13: {  	[smem:$0x3FAF] =	sst s0;
	s0 =	simm.s32 @!p1 $0x0  }
0x14: {  	s2 =	sld [smem:$0x3F93];
	s0 =	simm.s32 @p1 $0x1  }
0x15: {  	[smem:$0x3FB0] =	sst s0;
	s0 =	simm.s32 @!p2 $0x0  }
0x16: {  	s3 =	sld [smem:$0x3FDB];
	s0 =	simm.s32 @p2 $0x1  }
0x17: {  	s4 =	simm.s32 $0x1BF5;
	[smem:$0x3FB2] =	sst s0  }
0x18: {  	s0 =	sld [smem:$0x3F95];
	_ =	swait.ge [sflag:s4], $0x0  }
0x19: {  	s7 =	sld [smem:$0x3F96]  }
0x1a: {  	s8 =	sadd.s32 $0xFFFFE003, lr  }
0x1b: {  	s9 =	sadd.s32 $0xFFFFFEF7, lr;
	s5 =	simm.s32 $0xFFFFFFFF;
	p2 =	slt.u32 s8, $0xFFFFF086  }
0x1c: {  	p1 =	slt.u32 s9, $0xF7A;
	s5 =	simm.s32 @!p2 $0x0  }
0x1d: {  	s5 =	simm.s32 @p1 $0x1;
	p0 =	seq.s32 s7, s2  }
0x1e: {  	s7 =	smul.u32 @!p0 $0xF7A, s2;
	p2 =	seq.s32 @!p0 s5, $0x0  }
0x1f: {  	s9 =	smul.u32 $0xF7A, s1;
	s8 =	simm.s32 @!p0 $0x1BF5;
	p2 =	por !p2, p0  }
0x20: {  	[sflag:s8] =	ssyncset.s32 @!p0 $0xFFFFF086;
	s6 =	sadd.s32 @!p0 s3, s7;
	s7 =	simm.s32 @!p0 $0x108  }
0x21: {  	s3 =	sadd.s32 s3, s9;
	s6 =	sadd.s32 @!p0 $0x88, s6;
	s7 =	simm.s32 @p2 $0x1082  }
0x22: {  	[simem:s7], [sflag:s8] =	dma.local @!p0 [hbm:s6], $0xF7A  }
0x23: {  	s9 =	sor.u32 $0xD0000000, s2;
	s6 =	simm.s32 $0x108;
	_ =	swait.ge @!p0 [sflag:s8], $0x0  }
0x24: {  	s3 =	sadd.s32 $0x88, s3;
	s6 =	simm.s32 @!p1 $0x1082;
	[sflag:s4] =	ssyncset.s32 $0xFFFFF086  }
0x25: {  	[simem:s6], [sflag:s4] =	dma.local [hbm:s3], $0xF7A  }
0x26: {  	[smem:$0x3F96] =	sst s1;
	(tag) =	ssettag s2;
	_ =	strace s9  }
0x27: {  	s1 =	sld [smem:$0x3FA6]  }
0x28: {  	s2 =	sld [smem:$0x3FA7]  }
0x29: {  	s4 =	sld [smem:$0x3FA9]  }
0x2a: {  	p0 =	seq.s32 s5, $0x0;
	s5 =	sld [smem:$0x3FAA]  }
0x2b: {  	s6 =	sld [smem:$0x3FAB]  }
0x2c: {  	s7 =	sld [smem:$0x3FAC]  }
0x2d: {  	s3 =	simm.s32 $0x108;
	s8 =	sld [smem:$0x3FAD]  }
0x2e: {  	s3 =	simm.s32 @!p0 $0x1082;
	s9 =	sld [smem:$0x3FAE]  }
0x2f: {  	lr =	sadd.s32 s0, s3;
	s0 =	sld [smem:$0x3FA5]  }
0x30: {  	s3 =	sld [smem:$0x3FA8]  }
0x31: {  	[smem:$0x3FB1] =	sst s10  }
0x32: {  	s10 =	sld [smem:$0x3FAF];
	_ =	sdelay $0x3  }
0x33: {  	p0 =	seq.s32 s10, $0x1;
	s10 =	sld [smem:$0x3FB1];
	_ =	sdelay $0x3  }
0x34: {  	[smem:$0x3FB1] =	sst s10  }
0x35: {  	s10 =	sld [smem:$0x3FB0];
	_ =	sdelay $0x3  }
0x36: {  	p1 =	seq.s32 s10, $0x1;
	s10 =	sld [smem:$0x3FB1];
	_ =	sdelay $0x3  }
0x37: {  	[smem:$0x3FB1] =	sst s10  }
0x38: {  	s10 =	sld [smem:$0x3FB2]  }
0x39: {  	_ = 	snop;
	(pc) =	sbr.ind lr, $3  }
0x3a: {  	_ = 	snop  }
0x3b: {  	_ = 	snop  }
0x3c: {  	p2 =	seq.s32 s10, $0x1;
	s10 =	sld [smem:$0x3FB1]  }
0x3d: {  	_ =	shalt  }
0x3e: {  	_ =	shalt  }
0x3f: {  	_ =	shalt  }
0x40: {  	_ =	shalt  }
0x41: {  	_ =	shalt  }
0x42: {  	_ =	shalt  }
0x43: {  	_ =	shalt  }
0x44: {  	_ =	shalt  }
0x45: {  	_ =	shalt  }
0x46: {  	_ =	shalt  }
0x47: {  	_ =	shalt  }
0x48: {  	_ =	shalt  }
0x49: {  	_ =	shalt  }
0x4a: {  	_ =	shalt  }
0x4b: {  	_ =	shalt  }
0x4c: {  	_ =	shalt  }
0x4d: {  	_ =	shalt  }
0x4e: {  	_ =	shalt  }
0x4f: {  	_ =	shalt  }
0x50: {  	_ =	shalt  }
0x51: {  	_ =	shalt  }
0x52: {  	_ =	shalt  }
0x53: {  	_ =	shalt  }
0x54: {  	_ =	shalt  }
0x55: {  	_ =	shalt  }
0x56: {  	_ =	shalt  }
0x57: {  	_ =	shalt  }
0x58: {  	_ =	shalt  }
0x59: {  	_ =	shalt  }
0x5a: {  	_ =	shalt  }
0x5b: {  	_ =	shalt  }
0x5c: {  	_ =	shalt  }
0x5d: {  	_ =	shalt  }
0x5e: {  	_ =	shalt  }
0x5f: {  	_ =	shalt  }
0x60: {  	_ =	shalt  }
0x61: {  	_ =	shalt  }
0x62: {  	_ =	shalt  }
0x63: {  	_ =	shalt  }
0x64: {  	_ =	shalt  }
0x65: {  	_ =	shalt  }
0x66: {  	_ =	shalt  }
0x67: {  	_ =	shalt  }
0x68: {  	_ =	shalt  }
0x69: {  	_ =	shalt  }
0x6a: {  	_ =	shalt  }
0x6b: {  	_ =	shalt  }
0x6c: {  	_ =	shalt  }
0x6d: {  	_ =	shalt  }
0x6e: {  	_ =	shalt  }
0x6f: {  	_ =	shalt  }
0x70: {  	_ =	shalt  }
0x71: {  	_ =	shalt  }
0x72: {  	_ =	shalt  }
0x73: {  	_ =	shalt  }
0x74: {  	_ =	shalt  }
0x75: {  	_ =	shalt  }
0x76: {  	_ =	shalt  }
0x77: {  	_ =	shalt  }
0x78: {  	_ =	shalt  }
0x79: {  	_ =	shalt  }
0x7a: {  	_ =	shalt  }
0x7b: {  	_ =	shalt  }
0x7c: {  	_ =	shalt  }
0x7d: {  	_ =	shalt  }
0x7e: {  	_ =	shalt  }
0x7f: {  	_ =	shalt  }
0x80: {  	_ =	shalt  }
0x81: {  	_ =	shalt  }
0x82: {  	_ =	shalt  }
0x83: {  	_ =	shalt  }
0x84: {  	_ =	shalt  }
0x85: {  	_ =	shalt  }
0x86: {  	_ =	shalt  }
0x87: {  	_ =	shalt  }
.Lfunc_end0:
.L_simem_size_0:
called_computation_lowered:
.L_overlay_start_0:
0x88: {  	s2 =	sld [smem:$0x3FD9]  }
0x89: {  	s3 =	sld [smem:$0x3FFE];
	_ =	sdelay $0x1  }
0x8a: {  	s1 =	srdreg.scid  }
0x8b: {  	s0 =	sand.u32 $0x1, s1  }
0x8c: {  	s14 =	sshll.u32 s0, $0xA;
	s2 =	sadd.s32 s3, s2  }
0x8d: {  	s2 =	sadd.s32 s2, s14  }
0x8e: {  	[smem:$0x3FBD] =	sst s2  }
0x8f: {  	_ = 	snop  }
0x90: {  	s2 =	sld [smem:$0x3FD0];
	_ =	sdelay $0x2  }
0x91: {  	s15 =	simm.s32 $0xA;
	s4 =	simm.s32 $0x10  }
0x92: {  	[smem:s4], [sflag:s15] =	dma.local [hbm:s2], $0x1  }
0x93: {  	_ =	swait.eq [sflag:s15], $0x1  }
0x94: {  	[sflag:s15] =	ssyncset.done $0x0  }
0x95: {  	[sflag:s15] =	ssyncadd.s32 $0xFFFFFFFF  }
0x96: {  	s16 =	sld [smem:$0x10];
	(tm) =	ssettm $0x1  }
0x97: {  	s17 =	sld [smem:$0x3FFB];
	_ =	sdelay $0x3  }
0x98: {  	_ =	strace s17  }
0x99: {  	s3 =	sld [smem:$0x3FFC];
	_ =	sdelay $0x3  }
0x9a: {  	_ =	strace s3  }
0x9b: {  	s3 =	sld [smem:$0x3FFD];
	_ =	sdelay $0x3  }
0x9c: {  	_ =	strace s3  }
0x9d: {  	_ =	strace $0x8FFFFFFF  }
0x9e: {  	s18 =	sld [smem:$0x3FDB];
	_ =	sdelay $0x1  }
0x9f: {  	s19 =	simm.s32 $_scs_section_size  }
0xa0: {  	s5 =	simm.s32 $_size__tile_overlayer_lowered;
	s6 =	simm.s32 $_tile_overlayer_lowered  }
0xa1: {  	s22 =	simm.s32 $0x1BFF;
	s21 =	sshll.u32 s6, $0x1;
	s3 =	sadd.s32 s19, s18  }
0xa2: {  	s7 =	simm.s32 $0x0;
	s20 =	sshll.u32 s5, $0x1;
	s5 =	sadd.s32 s21, s3  }
0xa3: {  	[timem:s7], [sflag:s22] =	dma.local [hbm:s5], s20  }
0xa4: {  	_ =	swait.ge [sflag:s22], s20  }
0xa5: {  	s4 =	ssub.s32 $0x0, s20;
	[sflag:s22] =	ssyncset.done $0x0  }
0xa6: {  	[sflag:s22] =	ssyncadd.s32 s4;
	_ =	sdelay $0x1  }
0xa7: {  	s23 =	simm.s32 $0x1B8B  }
0xa8: {  	_ =	swait.ge [sflag:s23], $0x1  }
0xa9: {  	[sflag:s23] =	ssyncset.done $0x0  }
0xaa: {  	s25 =	simm.s32 $0x1B8E;
	s24 =	sld [smem:$0x3FFE];
	[sflag:s23] =	ssyncadd.s32 $0xFFFFFFFF  }
0xab: {  	s26 =	simm.s32 $execute0_lowered;
	[smem:$0x3FD2] =	sst s25  }
0xac: {  	s5 =	sshll.u32 s26, $0x1;
	_ =	strace $0x80000046;
	[dreg:$0x1] =	wrdreg $0xFFFFFFFF  }
0xad: {  	s28 =	simm.s32 $_size_execute0_lowered;
	s3 =	sadd.s32 s3, s5;
	[dreg:$0x0] =	wrdreg $0x0  }
0xae: {  	s5 =	sshll.u32 s28, $0x1;
	[dreg:$0x2] =	wrdreg s3  }
0xaf: {  	[dreg:$0x3] =	wrdreg s5  }
0xb0: {  	[dreg:$0x4] =	wrdreg $0xC0  }
0xb1: {  	_ =	task [dreg:s7], $0x5FFFF  }
0xb2: {  	[dreg:$0x1] =	wrdreg $0xFFFFFFFF  }
0xb3: {  	[dreg:$0x0] =	wrdreg $0x60  }
0xb4: {  	[dreg:$0x2] =	wrdreg s24  }
0xb5: {  	[dreg:$0x3] =	wrdreg s16  }
0xb6: {  	[dreg:$0x4] =	wrdreg $0x9  }
0xb7: {  	_ =	task.clear_ibuf [dreg:s7], $0x5FFFF;
	_ =	strace $0x90000046  }
0xb8: {  	s29 =	simm.s32 $0x9;
	_ =	strace $0x80000048  }
0xb9: {  	_ =	swait.ge [sflag:s29], $0x1  }
0xba: {  	[sflag:s29] =	ssyncadd.s32 $0xFFFFFFFF  }
0xbb: {  	_ =	strace $0x90000048  }
0xbc: {  	_ =	sfence  }
0xbd: {  	s30 =	sld [smem:$0x0];
	_ =	sdelay $0x2  }
0xbe: {  	s31 =	sshll.u32 s1, $0xD;
	s1 =	sshrl.u32 s1, $0x2  }
0xbf: {  	s3 =	sand.u32 $0x4000, s31;
	s1 =	sadd.s32 s1, s30  }
0xc0: {  	s0 =	sor.u32 s3, s0;
	s1 =	sshll.u32 s1, $0x11  }
0xc1: {  	s0 =	sor.u32 s1, s0  }
0xc2: {  	s0 =	sadd.s32 $0x8F2B, s0  }
0xc3: {  	[sflag:s0] =	ssyncadd.remote.s32 $0x1  }
0xc4: {  	_ =	sfence.sel $0xFFFF  }
0xc5: {  	[dreg:$0x0] =	wrdreg $0xFFFFFFFF;
	(pc) =	sbr.abs _section_cstart, $3  }
0xc6: {  	[dreg:$0x1] =	wrdreg $0xFFFFFFFF  }
0xc7: {  	_ =	task.clear_ibuf [dreg:s7], $0x2FFFF;
	_ =	strace $0x9FFFFFFF  }
0xc8: {  	(tm) =	ssettm $0x7FFFFFFF  }
0xc9: {  	_ =	shalt  }
tec
execute0_lowered:
.L_overlay_start_1:
0x0: {  	(tag) =	ssettag $0x1  }
0x1: {  	s0 =	srdreg.scid;
	s1 =	rddreg [dreg:$0x0]  }
0x2: {  	s2 =	stileid.u32;
	s4 =	rddreg [dreg:$0x1]  }
0x3: {  	s26 =	simm.s32 $0x80;
	s7 =	simm.s32 $0x100;
	s8 =	simm.s32 $0x2  }
0x4: {  	s9 =	simm.s32 $0x1;
	s12 =	simm.s32 $0x1900;
	s13 =	simm.s32 $0x2100  }
0x5: {  	s14 =	simm.s32 $0x2900;
	s15 =	simm.s32 $0x3100;
	s16 =	simm.s32 $0x3900  }
0x6: {  	s17 =	simm.s32 $0x4100;
	s18 =	simm.s32 $0x4900;
	s19 =	simm.s32 $0x5100  }
0x7: {  	s20 =	simm.s32 $0x5900;
	s21 =	simm.s32 $0x6100;
	s22 =	simm.s32 $0x6900  }
0x8: {  	s28 =	simm.s32 $0x9100;
	s29 =	simm.s32 $0x9900;
	s30 =	simm.s32 $0xA100  }
0x9: {  	s0 =	sand.u32 $0x1, s0;
	s3 =	sshll.u32 s2, $0x4;
	s2 =	simm.s32 $0x0  }
0xa: {  	s31 =	simm.s32 $0xA900;
	s5 =	sshll.u32 s0, $0x3;
	[smem:$0x7FF] =	sst s2  }
0xb: {  	s0 =	ssub.s32 $0x2, s0;
	s3 =	sor.u32 s5, s3;
	_ =	strace $0x80000047  }
0xc: {  	s24 =	sshrl.u32 s0, $0x1;
	[dreg:$0x6] =	wrdreg s26;
	s26 =	simm.s32 $0x8900  }
0xd: {  	s5 =	smul.u32 $0x300, s3;
	s6 =	sadd.s32 s3, s1;
	s3 =	sadd.s32 $0x2400, s1  }
0xe: {  	s0 =	ssub.s32 s0, s24;
	s24 =	simm.s32 $0x7900;
	s23 =	sadd.s32 $0x2000, s6  }
0xf: {  	s25 =	sadd.s32 $0x2200, s6;
	s6 =	smax.u32 s0, $0x1;
	[dreg:$0x4] =	wrdreg s23  }
0x10: {  	v2 =	vlaneseq.u32;
	s0 =	simm.s32 $0xB900;
	s4 =	sadd.s32 s4, s5;
	[dreg:$0x5] =	wrdreg s25  }
0x11: {  	vm0 =	vmmov $0xffff;
	v1 =	vshrl.u32 v2, $0x3;
	s5 =	sadd.s32 $0x2600, s1;
	s23 =	simm.s32 $0x7100;
	s25 =	simm.s32 $0x8100  }
0x12: {  	v0 =	vand.u32 $0x7, v2;
	v2 =	vor.u32 $0x8, v2;
	v1 =	vmul.u32 $0x8, v1;
	[dreg:$0x3] =	wrdreg s4;
	s4 =	sadd.s32 $0x2500, s1;
	s1 =	simm.s32 $0xB100  }
.LBB2_1:
0x13: {  	s10 =	rddreg [dreg:$0x3]  }
0x14: {  	[tilespmem:s7], [sflag:$0x1] =	stream.linear.gather [hbm4b:s10+s2], $0xC000, $0x38;
	[tilespmem:$0xC100] =	vst v63  }
0x15: {  	s11 =	rddreg [dreg:$0x4]  }
0x16: {  	[tilespmem:s2], [sflag:$0x2] =	stream.linear.gather [hbm4b:s11+s2], $0x40, $0x38;
	[tilespmem:$0xC100] =	vst v63  }
0x17: {  	_ =	swait.ge [sflag:s8], $0x40  }
0x18: {  	s10 =	rddreg [dreg:$0x5];
	[sflag:s8] =	ssyncset.done $0x0  }
0x19: {  	s11 =	rddreg [dreg:$0x6];
	[sflag:s8] =	ssyncadd.s32 $0xFFFFFFC0  }
0x1a: {  	[tilespmem:s11], [sflag:$0x2] =	stream.linear.gather [hbm4b:s10+s2], $0x40, $0x38;
	[tilespmem:$0xC100] =	vst v63  }
0x1b: {  	_ =	swait.ge [sflag:s8], $0x40  }
0x1c: {  	[sflag:s8] =	ssyncset.done $0x0  }
0x1d: {  	[sflag:s8] =	ssyncadd.s32 $0xFFFFFFC0  }
0x1e: {  	_ =	swait.ge [sflag:s9], $0xC000  }
0x1f: {  	[sflag:s9] =	ssyncset.done $0x0  }
0x20: {  	[sflag:s9] =	ssyncadd.s32 $0xFFFF4000  }
0x21: {  	v3 =	vld [tilespmem:$0x0];
	_ =	sdelay $0x4  }
0x22: {  	v4 =	vshrl.u32 v3, $0x3  }
0x23: {  	v4 =	vmul.u32 $0x30, v4  }
0x24: {  	v3 =	vand.u32 $0x7, v3  }
0x25: {  	v3 =	vor.u32 v3, v4  }
0x26: {  	v4 =	vperm.xlane v3, v0;
	_ =	sdelay $0x1  }
0x27: {  	v4 =	vadd.s32 v1, v4;
	_ =	sdelay $0x3  }
0x28: {  	v3 =	vperm.xlane v3, v2  }
0x29: {  	[hbm4b:s3+s2] =	stream.indirect_vreg.scatter [tilespmem:s7], [sflag:$0x1], $0x80, v4, vm0, $0xb8;
	[tilespmem:$0xC100] =	vst v63  }
0x2a: {  	s10 =	simm.s32 $0x900;
	v3 =	vadd.s32 v1, v3  }
0x2b: {  	[hbm4b:s4+s2] =	stream.indirect_vreg.scatter [tilespmem:s10], [sflag:$0x1], $0x80, v4, vm0, $0xb8;
	[tilespmem:$0xC100] =	vst v63  }
0x2c: {  	s11 =	simm.s32 $0x1100  }
0x2d: {  	[hbm4b:s5+s2] =	stream.indirect_vreg.scatter [tilespmem:s11], [sflag:$0x1], $0x80, v4, vm0, $0xb8;
	[tilespmem:$0xC100] =	vst v63  }
0x2e: {  	_ = 	snop  }
0x2f: {  	[hbm4b:s3+s2] =	stream.indirect_vreg.scatter [tilespmem:s12], [sflag:$0x1], $0x80, v3, vm0, $0xb8;
	[tilespmem:$0xC100] =	vst v63  }
0x30: {  	_ = 	snop  }
0x31: {  	[hbm4b:s4+s2] =	stream.indirect_vreg.scatter [tilespmem:s13], [sflag:$0x1], $0x80, v3, vm0, $0xb8;
	[tilespmem:$0xC100] =	vst v63  }
0x32: {  	_ = 	snop  }
0x33: {  	[hbm4b:s5+s2] =	stream.indirect_vreg.scatter [tilespmem:s14], [sflag:$0x1], $0x80, v3, vm0, $0xb8;
	[tilespmem:$0xC100] =	vst v63  }
0x34: {  	v3 =	vld [tilespmem:$0x10];
	_ =	sdelay $0x4  }
0x35: {  	v57 =	vshrl.u32 v3, $0x3  }
0x36: {  	v4 =	vmul.u32 $0x30, v57  }
0x37: {  	v3 =	vand.u32 $0x7, v3  }
0x38: {  	v3 =	vor.u32 v3, v4  }
0x39: {  	v4 =	vperm.xlane v3, v0;
	_ =	sdelay $0x1  }
0x3a: {  	v4 =	vadd.s32 v1, v4;
	_ =	sdelay $0x3  }
0x3b: {  	v3 =	vperm.xlane v3, v2  }
0x3c: {  	[hbm4b:s3+s2] =	stream.indirect_vreg.scatter [tilespmem:s15], [sflag:$0x1], $0x80, v4, vm0, $0xb8;
	[tilespmem:$0xC100] =	vst v63  }
0x3d: {  	v3 =	vadd.s32 v1, v3  }
0x3e: {  	[hbm4b:s4+s2] =	stream.indirect_vreg.scatter [tilespmem:s16], [sflag:$0x1], $0x80, v4, vm0, $0xb8;
	[tilespmem:$0xC100] =	vst v63  }
0x3f: {  	_ = 	snop  }
0x40: {  	[hbm4b:s5+s2] =	stream.indirect_vreg.scatter [tilespmem:s17], [sflag:$0x1], $0x80, v4, vm0, $0xb8;
	[tilespmem:$0xC100] =	vst v63  }
0x41: {  	_ = 	snop  }
0x42: {  	[hbm4b:s3+s2] =	stream.indirect_vreg.scatter [tilespmem:s18], [sflag:$0x1], $0x80, v3, vm0, $0xb8;
	[tilespmem:$0xC100] =	vst v63  }
0x43: {  	_ = 	snop  }
0x44: {  	[hbm4b:s4+s2] =	stream.indirect_vreg.scatter [tilespmem:s19], [sflag:$0x1], $0x80, v3, vm0, $0xb8;
	[tilespmem:$0xC100] =	vst v63  }
0x45: {  	_ = 	snop  }
0x46: {  	[hbm4b:s5+s2] =	stream.indirect_vreg.scatter [tilespmem:s20], [sflag:$0x1], $0x80, v3, vm0, $0xb8;
	[tilespmem:$0xC100] =	vst v63  }
0x47: {  	v3 =	vld [tilespmem:$0x20];
	_ =	sdelay $0x4  }
0x48: {  	v58 =	vshrl.u32 v3, $0x3  }
0x49: {  	v4 =	vmul.u32 $0x30, v58  }
0x4a: {  	v3 =	vand.u32 $0x7, v3  }
0x4b: {  	v3 =	vor.u32 v3, v4  }
0x4c: {  	v4 =	vperm.xlane v3, v0;
	_ =	sdelay $0x1  }
0x4d: {  	v4 =	vadd.s32 v1, v4;
	_ =	sdelay $0x3  }
0x4e: {  	v3 =	vperm.xlane v3, v2  }
0x4f: {  	[hbm4b:s3+s2] =	stream.indirect_vreg.scatter [tilespmem:s21], [sflag:$0x1], $0x80, v4, vm0, $0xb8;
	[tilespmem:$0xC100] =	vst v63  }
0x50: {  	v3 =	vadd.s32 v1, v3  }
0x51: {  	[hbm4b:s4+s2] =	stream.indirect_vreg.scatter [tilespmem:s22], [sflag:$0x1], $0x80, v4, vm0, $0xb8;
	[tilespmem:$0xC100] =	vst v63  }
0x52: {  	_ = 	snop  }
0x53: {  	[hbm4b:s5+s2] =	stream.indirect_vreg.scatter [tilespmem:s23], [sflag:$0x1], $0x80, v4, vm0, $0xb8;
	[tilespmem:$0xC100] =	vst v63  }
0x54: {  	_ = 	snop  }
0x55: {  	[hbm4b:s3+s2] =	stream.indirect_vreg.scatter [tilespmem:s24], [sflag:$0x1], $0x80, v3, vm0, $0xb8;
	[tilespmem:$0xC100] =	vst v63  }
0x56: {  	_ = 	snop  }
0x57: {  	[hbm4b:s4+s2] =	stream.indirect_vreg.scatter [tilespmem:s25], [sflag:$0x1], $0x80, v3, vm0, $0xb8;
	[tilespmem:$0xC100] =	vst v63  }
0x58: {  	_ = 	snop  }
0x59: {  	[hbm4b:s5+s2] =	stream.indirect_vreg.scatter [tilespmem:s26], [sflag:$0x1], $0x80, v3, vm0, $0xb8;
	[tilespmem:$0xC100] =	vst v63  }
0x5a: {  	v3 =	vld [tilespmem:$0x30];
	_ =	sdelay $0x4  }
0x5b: {  	v59 =	vshrl.u32 v3, $0x3  }
0x5c: {  	v4 =	vmul.u32 $0x30, v59  }
0x5d: {  	v3 =	vand.u32 $0x7, v3  }
0x5e: {  	v3 =	vor.u32 v3, v4  }
0x5f: {  	v4 =	vperm.xlane v3, v0;
	_ =	sdelay $0x1  }
0x60: {  	v4 =	vadd.s32 v1, v4;
	_ =	sdelay $0x3  }
0x61: {  	v3 =	vperm.xlane v3, v2  }
0x62: {  	[hbm4b:s3+s2] =	stream.indirect_vreg.scatter [tilespmem:s28], [sflag:$0x1], $0x80, v4, vm0, $0xb8;
	[tilespmem:$0xC100] =	vst v63  }
0x63: {  	v3 =	vadd.s32 v1, v3  }
0x64: {  	[hbm4b:s4+s2] =	stream.indirect_vreg.scatter [tilespmem:s29], [sflag:$0x1], $0x80, v4, vm0, $0xb8;
	[tilespmem:$0xC100] =	vst v63  }
0x65: {  	_ = 	snop  }
0x66: {  	[hbm4b:s5+s2] =	stream.indirect_vreg.scatter [tilespmem:s30], [sflag:$0x1], $0x80, v4, vm0, $0xb8;
	[tilespmem:$0xC100] =	vst v63  }
0x67: {  	_ = 	snop  }
0x68: {  	[hbm4b:s3+s2] =	stream.indirect_vreg.scatter [tilespmem:s31], [sflag:$0x1], $0x80, v3, vm0, $0xb8;
	[tilespmem:$0xC100] =	vst v63  }
0x69: {  	_ = 	snop  }
0x6a: {  	[hbm4b:s4+s2] =	stream.indirect_vreg.scatter [tilespmem:s1], [sflag:$0x1], $0x80, v3, vm0, $0xb8;
	[tilespmem:$0xC100] =	vst v63  }
0x6b: {  	_ = 	snop  }
0x6c: {  	[hbm4b:s5+s2] =	stream.indirect_vreg.scatter [tilespmem:s0], [sflag:$0x1], $0x80, v3, vm0, $0xb8;
	[tilespmem:$0xC100] =	vst v63  }
0x6d: {  	v3 =	vld [tilespmem:$0x80];
	_ =	sdelay $0x4  }
0x6e: {  	v60 =	vshrl.u32 v3, $0x3  }
0x6f: {  	v4 =	vmul.u32 $0x30, v60  }
0x70: {  	v3 =	vand.u32 $0x7, v3  }
0x71: {  	v3 =	vor.u32 v3, v4  }
0x72: {  	v4 =	vperm.xlane v3, v0;
	_ =	sdelay $0x1  }
0x73: {  	v4 =	vadd.s32 v1, v4;
	_ =	sdelay $0x3  }
0x74: {  	v3 =	vperm.xlane v3, v2  }
0x75: {  	[hbm4b:s3+s2] =	stream.indirect_vreg.scatter [tilespmem:s7], [sflag:$0x1], $0x80, v4, vm0, $0xb8;
	[tilespmem:$0xC100] =	vst v63  }
0x76: {  	v3 =	vadd.s32 v1, v3  }
0x77: {  	[hbm4b:s4+s2] =	stream.indirect_vreg.scatter [tilespmem:s10], [sflag:$0x1], $0x80, v4, vm0, $0xb8;
	[tilespmem:$0xC100] =	vst v63  }
0x78: {  	_ = 	snop  }
0x79: {  	[hbm4b:s5+s2] =	stream.indirect_vreg.scatter [tilespmem:s11], [sflag:$0x1], $0x80, v4, vm0, $0xb8;
	[tilespmem:$0xC100] =	vst v63  }
0x7a: {  	_ = 	snop  }
0x7b: {  	[hbm4b:s3+s2] =	stream.indirect_vreg.scatter [tilespmem:s12], [sflag:$0x1], $0x80, v3, vm0, $0xb8;
	[tilespmem:$0xC100] =	vst v63  }
0x7c: {  	_ = 	snop  }
0x7d: {  	[hbm4b:s4+s2] =	stream.indirect_vreg.scatter [tilespmem:s13], [sflag:$0x1], $0x80, v3, vm0, $0xb8;
	[tilespmem:$0xC100] =	vst v63  }
0x7e: {  	_ = 	snop  }
0x7f: {  	[hbm4b:s5+s2] =	stream.indirect_vreg.scatter [tilespmem:s14], [sflag:$0x1], $0x80, v3, vm0, $0xb8;
	[tilespmem:$0xC100] =	vst v63  }
0x80: {  	v3 =	vld [tilespmem:$0x90];
	_ =	sdelay $0x4  }
0x81: {  	v61 =	vshrl.u32 v3, $0x3  }
0x82: {  	v4 =	vmul.u32 $0x30, v61  }
0x83: {  	v3 =	vand.u32 $0x7, v3  }
0x84: {  	v3 =	vor.u32 v3, v4  }
0x85: {  	v4 =	vperm.xlane v3, v0;
	_ =	sdelay $0x1  }
0x86: {  	v4 =	vadd.s32 v1, v4;
	_ =	sdelay $0x3  }
0x87: {  	v3 =	vperm.xlane v3, v2  }
0x88: {  	[hbm4b:s3+s2] =	stream.indirect_vreg.scatter [tilespmem:s15], [sflag:$0x1], $0x80, v4, vm0, $0xb8;
	[tilespmem:$0xC100] =	vst v63  }
0x89: {  	v3 =	vadd.s32 v1, v3  }
0x8a: {  	[hbm4b:s4+s2] =	stream.indirect_vreg.scatter [tilespmem:s16], [sflag:$0x1], $0x80, v4, vm0, $0xb8;
	[tilespmem:$0xC100] =	vst v63  }
0x8b: {  	_ = 	snop  }
0x8c: {  	[hbm4b:s5+s2] =	stream.indirect_vreg.scatter [tilespmem:s17], [sflag:$0x1], $0x80, v4, vm0, $0xb8;
	[tilespmem:$0xC100] =	vst v63  }
0x8d: {  	_ = 	snop  }
0x8e: {  	[hbm4b:s3+s2] =	stream.indirect_vreg.scatter [tilespmem:s18], [sflag:$0x1], $0x80, v3, vm0, $0xb8;
	[tilespmem:$0xC100] =	vst v63  }
0x8f: {  	_ = 	snop  }
0x90: {  	[hbm4b:s4+s2] =	stream.indirect_vreg.scatter [tilespmem:s19], [sflag:$0x1], $0x80, v3, vm0, $0xb8;
	[tilespmem:$0xC100] =	vst v63  }
0x91: {  	_ = 	snop  }
0x92: {  	[hbm4b:s5+s2] =	stream.indirect_vreg.scatter [tilespmem:s20], [sflag:$0x1], $0x80, v3, vm0, $0xb8;
	[tilespmem:$0xC100] =	vst v63  }
0x93: {  	v3 =	vld [tilespmem:$0xA0];
	_ =	sdelay $0x4  }
0x94: {  	v62 =	vshrl.u32 v3, $0x3  }
0x95: {  	v4 =	vmul.u32 $0x30, v62  }
0x96: {  	v3 =	vand.u32 $0x7, v3  }
0x97: {  	v3 =	vor.u32 v3, v4  }
0x98: {  	v4 =	vperm.xlane v3, v0;
	_ =	sdelay $0x1  }
0x99: {  	v4 =	vadd.s32 v1, v4;
	_ =	sdelay $0x3  }
0x9a: {  	v3 =	vperm.xlane v3, v2  }
0x9b: {  	[hbm4b:s3+s2] =	stream.indirect_vreg.scatter [tilespmem:s21], [sflag:$0x1], $0x80, v4, vm0, $0xb8;
	[tilespmem:$0xC100] =	vst v63  }
0x9c: {  	v3 =	vadd.s32 v1, v3  }
0x9d: {  	[hbm4b:s4+s2] =	stream.indirect_vreg.scatter [tilespmem:s22], [sflag:$0x1], $0x80, v4, vm0, $0xb8;
	[tilespmem:$0xC100] =	vst v63  }
0x9e: {  	_ = 	snop  }
0x9f: {  	[hbm4b:s5+s2] =	stream.indirect_vreg.scatter [tilespmem:s23], [sflag:$0x1], $0x80, v4, vm0, $0xb8;
	[tilespmem:$0xC100] =	vst v63  }
0xa0: {  	_ = 	snop  }
0xa1: {  	[hbm4b:s3+s2] =	stream.indirect_vreg.scatter [tilespmem:s24], [sflag:$0x1], $0x80, v3, vm0, $0xb8;
	[tilespmem:$0xC100] =	vst v63  }
0xa2: {  	_ = 	snop  }
0xa3: {  	[hbm4b:s4+s2] =	stream.indirect_vreg.scatter [tilespmem:s25], [sflag:$0x1], $0x80, v3, vm0, $0xb8;
	[tilespmem:$0xC100] =	vst v63  }
0xa4: {  	_ = 	snop  }
0xa5: {  	[hbm4b:s5+s2] =	stream.indirect_vreg.scatter [tilespmem:s26], [sflag:$0x1], $0x80, v3, vm0, $0xb8;
	[tilespmem:$0xC100] =	vst v63  }
0xa6: {  	v3 =	vld [tilespmem:$0xB0];
	_ =	sdelay $0x4  }
0xa7: {  	v63 =	vshrl.u32 v3, $0x3  }
0xa8: {  	v4 =	vmul.u32 $0x30, v63  }
0xa9: {  	v3 =	vand.u32 $0x7, v3  }
0xaa: {  	v3 =	vor.u32 v3, v4  }
0xab: {  	v4 =	vperm.xlane v3, v0;
	_ =	sdelay $0x1  }
0xac: {  	v4 =	vadd.s32 v1, v4;
	_ =	sdelay $0x3  }
0xad: {  	v3 =	vperm.xlane v3, v2  }
0xae: {  	[hbm4b:s3+s2] =	stream.indirect_vreg.scatter [tilespmem:s28], [sflag:$0x1], $0x80, v4, vm0, $0xb8;
	[tilespmem:$0xC100] =	vst v63  }
0xaf: {  	v3 =	vadd.s32 v1, v3  }
0xb0: {  	[hbm4b:s4+s2] =	stream.indirect_vreg.scatter [tilespmem:s29], [sflag:$0x1], $0x80, v4, vm0, $0xb8;
	[tilespmem:$0xC100] =	vst v63  }
0xb1: {  	_ = 	snop  }
0xb2: {  	[hbm4b:s5+s2] =	stream.indirect_vreg.scatter [tilespmem:s30], [sflag:$0x1], $0x80, v4, vm0, $0xb8;
	[tilespmem:$0xC100] =	vst v63  }
0xb3: {  	_ = 	snop  }
0xb4: {  	[hbm4b:s3+s2] =	stream.indirect_vreg.scatter [tilespmem:s31], [sflag:$0x1], $0x80, v3, vm0, $0xb8;
	[tilespmem:$0xC100] =	vst v63  }
0xb5: {  	_ = 	snop  }
0xb6: {  	[hbm4b:s4+s2] =	stream.indirect_vreg.scatter [tilespmem:s1], [sflag:$0x1], $0x80, v3, vm0, $0xb8;
	[tilespmem:$0xC100] =	vst v63  }
0xb7: {  	_ = 	snop  }
0xb8: {  	[hbm4b:s5+s2] =	stream.indirect_vreg.scatter [tilespmem:s0], [sflag:$0x1], $0x80, v3, vm0, $0xb8;
	[tilespmem:$0xC100] =	vst v63  }
0xb9: {  	p0 =	sne.s32 s6, $0x1;
	_ =	swait.ge [sflag:s9], $0xC000  }
.Ltmp0:
0xba: {  	[sflag:s9] =	ssyncset.done $0x0;
	(pc) =	sbr.rel @p0 .LBB2_1-.Ltmp0, $4  }
0xbb: {  	[sflag:s9] =	ssyncadd.s32 $0xFFFF4000  }
0xbc: {  	_ =	swait.ge [sflag:s9], $0xC000  }
0xbd: {  	[sflag:s9] =	ssyncset.done $0x0  }
0xbe: {  	s6 =	sadd.s32 $0xFFFFFFFF, s6;
	[sflag:s9] =	ssyncadd.s32 $0xFFFF4000  }
0xbf: {  	_ =	sfence.sel $0x180000  }
0xc0: {  	[bflag:$0x0] =	sbarrier.arrive $0xFFFF  }
0xc1: {  	_ =	strace $0x90000047  }
0xc2: {  	s0 =	stileid.u32;
	[bflag:$0x2] =	sbarrier.arrive $0xFFFF  }
0xc3: {  	p0 =	sne.s32 s0, $0x0;
	s0 =	rddreg [dreg:$0x2]  }
0xc4: {  	s0 =	sadd.s32 @!p0 $0x100000, s0  }
0xc5: {  	[sflag:s0] =	ssyncadd.tile.s32 @!p0 $0x1;
	_ =	shalt  }
.Lfunc_end2:
_tile_overlayer_lowered:
.L_overlay_start_2:
0xc6: {  	(tag) =	ssettag $0x2  }
0xc7: {  	s0 =	rddreg [dreg:$0x0];
	s2 =	stileid.u32  }
0xc8: {  	s1 =	rddreg [dreg:$0x1];
	p0 =	sne.s32 s2, $0x0  }
0xc9: {  	s3 =	rddreg [dreg:$0x2];
	[bflag:$0x3] =	sbarrier.arrive $0xFFFF;
	s2 =	simm.s32 @!p0 $0x1C02  }
0xca: {  	[timem:s3], [sflag:s2] =	dma.local @!p0 [hbm:s0], s1  }
0xcb: {  	s0 =	simm.s32 @!p0 $0x2  }
0xcc: {  	_ =	swait.ge @!p0 [sflag:s0], s1  }
0xcd: {  	s1 =	ssub.s32 @!p0 $0x0, s1;
	[sflag:s0] =	ssyncset.done @!p0 $0x0  }
0xce: {  	[sflag:s0] =	ssyncadd.s32 @!p0 s1  }
0xcf: {  	[bflag:$0x3] =	sbarrier.arrive $0xFFFF  }
0xd0: {  	_ =	shalt  }

</sc_bundles>
